<compile_context>
chip_gen: v7x
topology: tpu7x:2x2x1
jax: 0.10.2.dev20260603
libtpu: 0.0.44.dev20260713+nightly
codegen_flags: <defaults>
</compile_context>

<pallas_src>
import functools

import jax
import jax.numpy as jnp
from jax import lax
from jax.experimental import pallas as pl
from jax.experimental.pallas import tpu as pltpu
from jax.experimental.pallas import tpu_sc as plsc

_B = 64
_N = 32768
_D = 128
_D1 = 16
_HID = 64
_K = 16
_C = 128
_NCHUNK = _N // _C
_BLK = 16384
_NBLK = _N // _BLK
_CPB = _BLK // _C


def _phase1_body(query_ref, wq_ref, keys_ref, scores_ref, cid_ref, fid_ref,
                 q_s, cm_s):
    i = pl.program_id(0)

    @pl.when(i == 0)
    def _():
        q_s[...] = lax.dot_general(
            query_ref[...], wq_ref[...],
            (((1,), (1,)), ((), ())), preferred_element_type=jnp.float32)

    cms = []
    for c in range(_CPB):
        s_c = lax.dot_general(
            q_s[...], keys_ref[pl.ds(c * _C, _C), :],
            (((1,), (1,)), ((), ())), preferred_element_type=jnp.float32)
        scores_ref[pl.ds(c * _B, _B), :] = s_c
        cms.append(jnp.max(s_c, axis=1, keepdims=True))
    if _CPB < 128:
        cms.append(jnp.full((_B, 128 - _CPB), -jnp.inf, jnp.float32))
    cm_s[:, pl.ds(i * 128, 128)] = jnp.concatenate(cms, axis=1)

    @pl.when(i == _NBLK - 1)
    def _():
        M = cm_s[...].reshape(_B, _NBLK, 128)[:, :, :_CPB].reshape(_B, _NCHUNK)
        pcol = lax.broadcasted_iota(jnp.int32, (_B, _NCHUNK), 1)
        ois = []
        for _ in range(_K):
            m = jnp.max(M, axis=1, keepdims=True)
            eq = M == m
            p = jnp.min(jnp.where(eq, pcol, _NCHUNK), axis=1, keepdims=True)
            ois.append(p)
            M = jnp.where(pcol == p, -jnp.inf, M)
        pad_i = jnp.zeros((_B, 128 - _K), jnp.int32)
        new_i = jnp.concatenate(ois + [pad_i], axis=1)
        cid_ref[...] = new_i
        row = lax.broadcasted_iota(jnp.int32, (_B, 128), 0)
        fid_ref[...] = new_i * _B + row


def _phase1_call(query, keys, W_q):
    return pl.pallas_call(
        _phase1_body,
        grid=(_NBLK,),
        in_specs=[
            pl.BlockSpec((_B, _D), lambda i: (0, 0)),
            pl.BlockSpec((_D, _D), lambda i: (0, 0)),
            pl.BlockSpec((_BLK, _D), lambda i: (i, 0)),
        ],
        out_specs=[
            pl.BlockSpec((_CPB * _B, _C), lambda i: (i, 0)),
            pl.BlockSpec((_B, 128), lambda i: (0, 0)),
            pl.BlockSpec((_B, 128), lambda i: (0, 0)),
        ],
        out_shape=[
            jax.ShapeDtypeStruct((_NCHUNK * _B, _C), jnp.float32),
            jax.ShapeDtypeStruct((_B, 128), jnp.int32),
            jax.ShapeDtypeStruct((_B, 128), jnp.int32),
        ],
        scratch_shapes=[
            pltpu.VMEM((_B, _D), jnp.float32),
            pltpu.VMEM((_B, _NBLK * 128), jnp.float32),
        ],
        compiler_params=pltpu.CompilerParams(
            dimension_semantics=("arbitrary",),
        ),
    )(query, W_q, keys)


def _sc_gather(table, idx_flat, nrows):
    info = plsc.get_sparse_core_info()
    nw = info.num_cores * info.num_subcores
    bpw = nrows // nw
    mesh = plsc.VectorSubcoreMesh(core_axis_name="c", subcore_axis_name="s")

    @functools.partial(
        pl.kernel,
        mesh=mesh,
        out_type=jax.ShapeDtypeStruct((nrows, table.shape[1]), table.dtype),
        scratch_types=[
            pltpu.VMEM((bpw,), jnp.int32),
            pltpu.VMEM((bpw, table.shape[1]), table.dtype),
            pltpu.SemaphoreType.DMA,
        ],
    )
    def k(table_hbm, idx_hbm, out_hbm, idx_v, rows_v, sem):
        wid = lax.axis_index("s") * info.num_cores + lax.axis_index("c")
        base = wid * bpw
        pltpu.sync_copy(idx_hbm.at[pl.ds(base, bpw)], idx_v)
        pltpu.async_copy(table_hbm.at[idx_v], rows_v, sem).wait()
        pltpu.sync_copy(rows_v, out_hbm.at[pl.ds(base, bpw)])

    return k(table, idx_flat)


def _phase2_body(cand_ref, cid_ref, vals_ref, vfid_ref):
    s3 = cand_ref[...]
    cid = cid_ref[...][:, :_K]
    gidx3 = cid[:, :, None] * _C + lax.broadcasted_iota(
        jnp.int32, (_B, _K, _C), 2)
    big = jnp.int32(1 << 30)
    ovs, ogs = [], []
    for _ in range(_K):
        m2 = jnp.max(s3, axis=2, keepdims=True)
        m = jnp.max(m2, axis=1, keepdims=True)
        eq = s3 == m
        g2 = jnp.min(jnp.where(eq, gidx3, big), axis=2, keepdims=True)
        g = jnp.min(g2, axis=1, keepdims=True)
        ovs.append(m.reshape(_B, 1))
        ogs.append(g.reshape(_B, 1))
        s3 = jnp.where(gidx3 == g, -jnp.inf, s3)
    pad_v = jnp.zeros((_B, 128 - _K), jnp.float32)
    pad_i = jnp.zeros((_B, 128 - _K), jnp.int32)
    vals_ref[...] = jnp.concatenate(ovs + [pad_v], axis=1)
    vfid_ref[...] = jnp.concatenate(ogs + [pad_i], axis=1)


def _phase2_call(cand3, cid_pad):
    return pl.pallas_call(
        _phase2_body,
        out_shape=[
            jax.ShapeDtypeStruct((_B, 128), jnp.float32),
            jax.ShapeDtypeStruct((_B, 128), jnp.int32),
        ],
    )(cand3, cid_pad)


def _epi_body(vtop_ref, sv_ref, pf_ref, a1v_ref, a1p_ref, b1_ref, a2_ref,
              b2_ref, g_ref, be_ref, out_ref):
    vtop = vtop_ref[...]
    h = jnp.dot(vtop, a1v_ref[...], preferred_element_type=jnp.float32)
    pfc = jnp.dot(pf_ref[...], a1p_ref[...], preferred_element_type=jnp.float32)
    h = h.reshape(_B, _K, _HID) + pfc[:, None, :] + b1_ref[...][None, :, :]
    h = jnp.maximum(h, 0.0).reshape(_B * _K, _HID)
    h2 = jnp.dot(h, a2_ref[...], preferred_element_type=jnp.float32) + b2_ref[...]
    mu = jnp.mean(h2, axis=1, keepdims=True)
    var = jnp.mean((h2 - mu) ** 2, axis=1, keepdims=True)
    ln = (h2 - mu) * lax.rsqrt(var + 1e-5) * g_ref[...] + be_ref[...]
    adapted = vtop + ln
    a = sv_ref[...][:, :_K] * (1.0 / (_D ** 0.5))
    m = jnp.max(a, axis=1, keepdims=True)
    e = jnp.exp(a - m)
    w = e / jnp.sum(e, axis=1, keepdims=True)
    out_ref[...] = jnp.sum(adapted.reshape(_B, _K, _D) * w[:, :, None], axis=1)


def _epi_call(vtop, sv, pf, a1v, a1p, b1, a2, b2, g, be):
    return pl.pallas_call(
        _epi_body,
        out_shape=jax.ShapeDtypeStruct((_B, _D), jnp.float32),
    )(vtop, sv, pf, a1v, a1p, b1, a2, b2, g, be)


def kernel(query, keys, values, param_feats, top_k, W_q, A1, b1, A2, b2, gamma, beta):
    scores, cid_pad, fid_pad = _phase1_call(query, keys, W_q)
    fid_flat = fid_pad[:, :_K].reshape(_B * _K)
    cand = _sc_gather(scores, fid_flat, _B * _K)
    tv, vfid = _phase2_call(cand.reshape(_B, _K, _C), cid_pad)
    idx_flat = vfid[:, :_K].reshape(_B * _K)
    vtop = _sc_gather(values, idx_flat, _B * _K)
    out = _epi_call(
        vtop, tv, param_feats,
        A1[:, :_D].T, A1[:, _D:].T, b1.reshape(1, _HID),
        A2.T, b2.reshape(1, _D),
        gamma.reshape(1, _D), beta.reshape(1, _D))
    return out

# --- scband reference (transcript-rebuilt; emitter-appended) ---
"""Pipeline reference for scband-single-head-cross-attention-87411174408426 (READ-ONLY COPY).

The authoritative reference and input builder live on the scoring server;
editing this copy changes nothing except your own understanding.
"""

import jax, jax.numpy as jnp
import numpy as np

B = 64
N = 32768
D = 128
D1 = 16
HID = 64

TOP_K = 16


def _layer_norm(x, gamma, beta, eps=1e-5):
    mu = jnp.mean(x, axis=-1, keepdims=True)
    var = jnp.mean((x - mu) ** 2, axis=-1, keepdims=True)
    return (x - mu) / jnp.sqrt(var + eps) * gamma + beta


def setup_inputs(seed: int = 0) -> dict:
    key = jax.random.key(seed)
    ks = jax.random.split(key, 10)
    query = jax.random.normal(ks[0], (B, D), dtype=jnp.float32)
    keys = jax.random.normal(ks[1], (N, D), dtype=jnp.float32)
    values = jax.random.normal(ks[2], (N, D), dtype=jnp.float32)
    param_feats = jax.random.normal(ks[3], (B, D1), dtype=jnp.float32)
    # learned parameters (torch Linear convention: weight is [out, in], y = x @ W.T)
    W_q = jax.random.normal(ks[4], (D, D), dtype=jnp.float32) / np.sqrt(D)
    A1 = jax.random.normal(ks[5], (HID, D + D1), dtype=jnp.float32) * np.sqrt(2.0 / (D + D1 + HID))
    b1 = jax.random.normal(ks[6], (HID,), dtype=jnp.float32) * 0.001
    A2 = jax.random.normal(ks[7], (D, HID), dtype=jnp.float32) * np.sqrt(2.0 / (HID + D))
    b2 = jax.random.normal(ks[8], (D,), dtype=jnp.float32) * 0.001
    gamma = jnp.ones((D,), dtype=jnp.float32)
    beta = jnp.zeros((D,), dtype=jnp.float32)
    return {"query": query, "keys": keys, "values": values, "param_feats": param_feats,
            "top_k": 16, "W_q": W_q, "A1": A1, "b1": b1, "A2": A2, "b2": b2,
            "gamma": gamma, "beta": beta}


def reference(query, keys, values, param_feats, top_k, W_q, A1, b1, A2, b2, gamma, beta):
    d = query.shape[-1]
    scale = d ** 0.5
    Q = query @ W_q.T                       # (B, D)
    scores = Q @ keys.T + 0.0 * top_k       # (B, N)  -- note: raw keys, W_k unused in forward
    _, idx = jax.lax.top_k(scores, TOP_K)   # (B, TOP_K)
    K_top = keys[idx]                       # gather: (B, TOP_K, D)
    V_top = values[idx]                     # gather: (B, TOP_K, D)
    pf = jnp.broadcast_to(param_feats[:, None, :], (V_top.shape[0], TOP_K, param_feats.shape[-1]))
    vin = jnp.concatenate([V_top, pf], axis=-1)            # (B, TOP_K, D + D1)
    h = jax.nn.relu(vin @ A1.T + b1)                       # (B, TOP_K, 64)
    h2 = h @ A2.T + b2                                     # (B, TOP_K, D)
    adapted_V_top = V_top + _layer_norm(h2, gamma, beta)
    attn_scores = jnp.einsum('bd,bkd->bk', Q, K_top) / scale
    attn_weights = jax.nn.softmax(attn_scores, axis=-1)
    attended = jnp.einsum('bk,bkd->bd', attn_weights, adapted_V_top)  # (B, D)
    return attended

if __name__ == "__main__":
    import jax
    _d = setup_inputs()
    print(jax.jit(kernel)(*tuple(_d.values())))

</pallas_src>

<mosaic_0001>
#map = affine_map<(d0, d1) -> (0, 0)>
#map1 = affine_map<(d0, d1) -> (0)>
module attributes {stable_mosaic.version = 14 : i64} {
  func.func @k(%arg0: i32, %arg1: i32, %arg2: memref<16384x128xf32, #tpu.memory_space<hbm>>, %arg3: memref<1024xi32, #tpu.memory_space<hbm>>, %arg4: memref<1024x128xf32, #tpu.memory_space<hbm>>, %arg5: memref<32xi32, #tpu.memory_space<vmem>>, %arg6: memref<32x128xf32, #tpu.memory_space<vmem>>, %arg7: memref<!tpu.dma_semaphore, #tpu.memory_space<semaphore_mem>>) attributes {dimension_semantics = [#tpu.dimension_semantics<core_parallel>, #tpu.dimension_semantics<subcore_parallel>], iteration_bounds = array<i64: 2, 16>, scalar_prefetch = 0 : i64, scratch_operands = 3 : i64, tpu.core_type = #tpu.core_type<sc_vector_subcore>, window_params = [{transform_indices = #map}, {transform_indices = #map1}, {transform_indices = #map}]} {
    %mul3A = arith.constant 2 : i32
    %mul3A_0 = arith.muli %arg1, %mul3A : i32
    %add3A = arith.addi %mul3A_0, %arg0 : i32
    %mul3A_1 = arith.constant 32 : i32
    %mul3A_2 = arith.muli %add3A, %mul3A_1 : i32
    "tpu.region"() ({
      %run_scoped3A = tpu.sem_alloc : memref<!tpu.dma_semaphore, #tpu.memory_space<semaphore_mem>>
      %dma_start3A_7 = tpu.memref_slice %arg3[%mul3A_2] : memref<1024xi32, #tpu.memory_space<hbm>> -> memref<32xi32, #tpu.memory_space<hbm>>
      %dma_start3A_8 = tpu.memref_slice %arg3[%mul3A_2] : memref<1024xi32, #tpu.memory_space<hbm>> -> memref<32xi32, #tpu.memory_space<hbm>>
      tpu.enqueue_dma source(%dma_start3A_8 : memref<32xi32, #tpu.memory_space<hbm>>) target(%arg5 : memref<32xi32, #tpu.memory_space<vmem>>) target_semaphore(%run_scoped3A : memref<!tpu.dma_semaphore, #tpu.memory_space<semaphore_mem>>)
      %dma_wait3A_9 = tpu.memref_slice %arg3[%mul3A_2] : memref<1024xi32, #tpu.memory_space<hbm>> -> memref<32xi32, #tpu.memory_space<hbm>>
      %dma_wait3A_10 = tpu.memref_slice %arg3[%mul3A_2] : memref<1024xi32, #tpu.memory_space<hbm>> -> memref<32xi32, #tpu.memory_space<hbm>>
      tpu.wait_dma2 semaphore(%run_scoped3A : memref<!tpu.dma_semaphore, #tpu.memory_space<semaphore_mem>>) src(%dma_wait3A_10 : memref<32xi32, #tpu.memory_space<hbm>>) dst(%arg5 : memref<32xi32, #tpu.memory_space<vmem>>)
      tpu.yield
    }) : () -> ()
    %dma_start3A = arith.constant 0 : i32
    %dma_start3A_3 = arith.constant 0 : i32
    %dma_start3A_4 = tpu.memref_slice %arg2[%dma_start3A, %dma_start3A_3] : memref<16384x128xf32, #tpu.memory_space<hbm>> -> memref<16384x128xf32, #tpu.memory_space<hbm>>
    tpu.enqueue_indirect_dma source(%dma_start3A_4 : memref<16384x128xf32, #tpu.memory_space<hbm>>) target(%arg6 : memref<32x128xf32, #tpu.memory_space<vmem>>) offsets(%arg5 : memref<32xi32, #tpu.memory_space<vmem>>) semaphore(%arg7 : memref<!tpu.dma_semaphore, #tpu.memory_space<semaphore_mem>>)
    %dma_wait3A = arith.constant 0 : i32
    %dma_wait3A_5 = arith.constant 0 : i32
    %dma_wait3A_6 = tpu.memref_slice %arg2[%dma_wait3A, %dma_wait3A_5] : memref<16384x128xf32, #tpu.memory_space<hbm>> -> memref<16384x128xf32, #tpu.memory_space<hbm>>
    tpu.wait_indirect_dma semaphore(%arg7 : memref<!tpu.dma_semaphore, #tpu.memory_space<semaphore_mem>>) src(%dma_wait3A_6 : memref<16384x128xf32, #tpu.memory_space<hbm>>) dst(%arg6 : memref<32x128xf32, #tpu.memory_space<vmem>>)
    "tpu.region"() ({
      %run_scoped3A = tpu.sem_alloc : memref<!tpu.dma_semaphore, #tpu.memory_space<semaphore_mem>>
      %dma_start3A_7 = arith.constant 0 : i32
      %dma_start3A_8 = tpu.memref_slice %arg4[%mul3A_2, %dma_start3A_7] : memref<1024x128xf32, #tpu.memory_space<hbm>> -> memref<32x128xf32, #tpu.memory_space<hbm>>
      %dma_start3A_9 = arith.constant 0 : i32
      %dma_start3A_10 = tpu.memref_slice %arg4[%mul3A_2, %dma_start3A_9] : memref<1024x128xf32, #tpu.memory_space<hbm>> -> memref<32x128xf32, #tpu.memory_space<hbm>>
      tpu.enqueue_dma source(%arg6 : memref<32x128xf32, #tpu.memory_space<vmem>>) target(%dma_start3A_10 : memref<32x128xf32, #tpu.memory_space<hbm>>) target_semaphore(%run_scoped3A : memref<!tpu.dma_semaphore, #tpu.memory_space<semaphore_mem>>)
      %dma_wait3A_11 = arith.constant 0 : i32
      %dma_wait3A_12 = tpu.memref_slice %arg4[%mul3A_2, %dma_wait3A_11] : memref<1024x128xf32, #tpu.memory_space<hbm>> -> memref<32x128xf32, #tpu.memory_space<hbm>>
      %dma_wait3A_13 = arith.constant 0 : i32
      %dma_wait3A_14 = tpu.memref_slice %arg4[%mul3A_2, %dma_wait3A_13] : memref<1024x128xf32, #tpu.memory_space<hbm>> -> memref<32x128xf32, #tpu.memory_space<hbm>>
      tpu.wait_dma2 semaphore(%run_scoped3A : memref<!tpu.dma_semaphore, #tpu.memory_space<semaphore_mem>>) src(%arg6 : memref<32x128xf32, #tpu.memory_space<vmem>>) dst(%dma_wait3A_14 : memref<32x128xf32, #tpu.memory_space<hbm>>)
      tpu.yield
    }) : () -> ()
    return
  }
}

#map = affine_map<(d0, d1) -> (0, 0)>
#map1 = affine_map<(d0, d1) -> (0)>
module attributes {stable_mosaic.version = 14 : i64} {
  func.func @k(%arg0: i32, %arg1: i32, %arg2: memref<32768x128xf32, #tpu.memory_space<hbm>>, %arg3: memref<1024xi32, #tpu.memory_space<hbm>>, %arg4: memref<1024x128xf32, #tpu.memory_space<hbm>>, %arg5: memref<32xi32, #tpu.memory_space<vmem>>, %arg6: memref<32x128xf32, #tpu.memory_space<vmem>>, %arg7: memref<!tpu.dma_semaphore, #tpu.memory_space<semaphore_mem>>) attributes {dimension_semantics = [#tpu.dimension_semantics<core_parallel>, #tpu.dimension_semantics<subcore_parallel>], iteration_bounds = array<i64: 2, 16>, scalar_prefetch = 0 : i64, scratch_operands = 3 : i64, tpu.core_type = #tpu.core_type<sc_vector_subcore>, window_params = [{transform_indices = #map}, {transform_indices = #map1}, {transform_indices = #map}]} {
    %mul3A = arith.constant 2 : i32
    %mul3A_0 = arith.muli %arg1, %mul3A : i32
    %add3A = arith.addi %mul3A_0, %arg0 : i32
    %mul3A_1 = arith.constant 32 : i32
    %mul3A_2 = arith.muli %add3A, %mul3A_1 : i32
    "tpu.region"() ({
      %run_scoped3A = tpu.sem_alloc : memref<!tpu.dma_semaphore, #tpu.memory_space<semaphore_mem>>
      %dma_start3A_7 = tpu.memref_slice %arg3[%mul3A_2] : memref<1024xi32, #tpu.memory_space<hbm>> -> memref<32xi32, #tpu.memory_space<hbm>>
      %dma_start3A_8 = tpu.memref_slice %arg3[%mul3A_2] : memref<1024xi32, #tpu.memory_space<hbm>> -> memref<32xi32, #tpu.memory_space<hbm>>
      tpu.enqueue_dma source(%dma_start3A_8 : memref<32xi32, #tpu.memory_space<hbm>>) target(%arg5 : memref<32xi32, #tpu.memory_space<vmem>>) target_semaphore(%run_scoped3A : memref<!tpu.dma_semaphore, #tpu.memory_space<semaphore_mem>>)
      %dma_wait3A_9 = tpu.memref_slice %arg3[%mul3A_2] : memref<1024xi32, #tpu.memory_space<hbm>> -> memref<32xi32, #tpu.memory_space<hbm>>
      %dma_wait3A_10 = tpu.memref_slice %arg3[%mul3A_2] : memref<1024xi32, #tpu.memory_space<hbm>> -> memref<32xi32, #tpu.memory_space<hbm>>
      tpu.wait_dma2 semaphore(%run_scoped3A : memref<!tpu.dma_semaphore, #tpu.memory_space<semaphore_mem>>) src(%dma_wait3A_10 : memref<32xi32, #tpu.memory_space<hbm>>) dst(%arg5 : memref<32xi32, #tpu.memory_space<vmem>>)
      tpu.yield
    }) : () -> ()
    %dma_start3A = arith.constant 0 : i32
    %dma_start3A_3 = arith.constant 0 : i32
    %dma_start3A_4 = tpu.memref_slice %arg2[%dma_start3A, %dma_start3A_3] : memref<32768x128xf32, #tpu.memory_space<hbm>> -> memref<32768x128xf32, #tpu.memory_space<hbm>>
    tpu.enqueue_indirect_dma source(%dma_start3A_4 : memref<32768x128xf32, #tpu.memory_space<hbm>>) target(%arg6 : memref<32x128xf32, #tpu.memory_space<vmem>>) offsets(%arg5 : memref<32xi32, #tpu.memory_space<vmem>>) semaphore(%arg7 : memref<!tpu.dma_semaphore, #tpu.memory_space<semaphore_mem>>)
    %dma_wait3A = arith.constant 0 : i32
    %dma_wait3A_5 = arith.constant 0 : i32
    %dma_wait3A_6 = tpu.memref_slice %arg2[%dma_wait3A, %dma_wait3A_5] : memref<32768x128xf32, #tpu.memory_space<hbm>> -> memref<32768x128xf32, #tpu.memory_space<hbm>>
    tpu.wait_indirect_dma semaphore(%arg7 : memref<!tpu.dma_semaphore, #tpu.memory_space<semaphore_mem>>) src(%dma_wait3A_6 : memref<32768x128xf32, #tpu.memory_space<hbm>>) dst(%arg6 : memref<32x128xf32, #tpu.memory_space<vmem>>)
    "tpu.region"() ({
      %run_scoped3A = tpu.sem_alloc : memref<!tpu.dma_semaphore, #tpu.memory_space<semaphore_mem>>
      %dma_start3A_7 = arith.constant 0 : i32
      %dma_start3A_8 = tpu.memref_slice %arg4[%mul3A_2, %dma_start3A_7] : memref<1024x128xf32, #tpu.memory_space<hbm>> -> memref<32x128xf32, #tpu.memory_space<hbm>>
      %dma_start3A_9 = arith.constant 0 : i32
      %dma_start3A_10 = tpu.memref_slice %arg4[%mul3A_2, %dma_start3A_9] : memref<1024x128xf32, #tpu.memory_space<hbm>> -> memref<32x128xf32, #tpu.memory_space<hbm>>
      tpu.enqueue_dma source(%arg6 : memref<32x128xf32, #tpu.memory_space<vmem>>) target(%dma_start3A_10 : memref<32x128xf32, #tpu.memory_space<hbm>>) target_semaphore(%run_scoped3A : memref<!tpu.dma_semaphore, #tpu.memory_space<semaphore_mem>>)
      %dma_wait3A_11 = arith.constant 0 : i32
      %dma_wait3A_12 = tpu.memref_slice %arg4[%mul3A_2, %dma_wait3A_11] : memref<1024x128xf32, #tpu.memory_space<hbm>> -> memref<32x128xf32, #tpu.memory_space<hbm>>
      %dma_wait3A_13 = arith.constant 0 : i32
      %dma_wait3A_14 = tpu.memref_slice %arg4[%mul3A_2, %dma_wait3A_13] : memref<1024x128xf32, #tpu.memory_space<hbm>> -> memref<32x128xf32, #tpu.memory_space<hbm>>
      tpu.wait_dma2 semaphore(%run_scoped3A : memref<!tpu.dma_semaphore, #tpu.memory_space<semaphore_mem>>) src(%arg6 : memref<32x128xf32, #tpu.memory_space<vmem>>) dst(%dma_wait3A_14 : memref<32x128xf32, #tpu.memory_space<hbm>>)
      tpu.yield
    }) : () -> ()
    return
  }
}

module attributes {stable_mosaic.version = 14 : i64} {
  func.func @_phase1_body(%arg0: i32, %arg1: memref<64x128xf32, #tpu.memory_space<vmem>>, %arg2: memref<128x128xf32, #tpu.memory_space<vmem>>, %arg3: memref<16384x128xf32, #tpu.memory_space<vmem>>, %arg4: memref<8192x128xf32, #tpu.memory_space<vmem>>, %arg5: memref<64x128xi32, #tpu.memory_space<vmem>>, %arg6: memref<64x128xi32, #tpu.memory_space<vmem>>, %arg7: memref<64x128xf32, #tpu.memory_space<vmem>>, %arg8: memref<64x256xf32, #tpu.memory_space<vmem>>) attributes {dimension_semantics = [#tpu.dimension_semantics<arbitrary>], iteration_bounds = array<i64: 2>, scalar_prefetch = 0 : i64, scratch_operands = 2 : i64, tpu.core_type = #tpu.core_type<tc>, window_params = [{pipeline_mode = #tpu.pipeline_mode<synchronous>, transform_indices = @transform_0, window_bounds = array<i64: 64, 128>}, {pipeline_mode = #tpu.pipeline_mode<synchronous>, transform_indices = @transform_1, window_bounds = array<i64: 128, 128>}, {transform_indices = @transform_2, window_bounds = array<i64: 16384, 128>}, {transform_indices = @transform_3, window_bounds = array<i64: 8192, 128>}, {pipeline_mode = #tpu.pipeline_mode<synchronous>, transform_indices = @transform_4, window_bounds = array<i64: 64, 128>}, {pipeline_mode = #tpu.pipeline_mode<synchronous>, transform_indices = @transform_5, window_bounds = array<i64: 64, 128>}]} {
    %eq3A = arith.constant 0 : i32
    %eq3A_0 = arith.cmpi eq, %arg0, %eq3A : i32
    %convert_element_type3A = arith.extui %eq3A_0 : i1 to i32
    %cond3A = arith.constant 0 : i32
    %cond3A_1 = arith.cmpi ne, %convert_element_type3A, %cond3A : i32
    scf.if %cond3A_1 {
      %get3A_1798 = arith.constant 0 : index
      %get3A_1799 = arith.constant 0 : index
      %get3A_1800 = vector.load %arg1[%get3A_1798, %get3A_1799] : memref<64x128xf32, #tpu.memory_space<vmem>>, vector<64x128xf32>
      %get3A_1801 = arith.constant 0 : index
      %get3A_1802 = arith.constant 0 : index
      %get3A_1803 = vector.load %arg2[%get3A_1801, %get3A_1802] : memref<128x128xf32, #tpu.memory_space<vmem>>, vector<128x128xf32>
      %dot_general3A_1804 = arith.constant dense<0.000000e+00> : vector<64x128xf32>
      %dot_general3A_1805 = tpu.matmul %get3A_1800, %get3A_1803, %dot_general3A_1804 {dimension_numbers = #tpu.dot_dimension_numbers<[1], [1], [0], [0], [0, 0, 1, 0], [], []>, transpose_lhs_hint = false} : vector<64x128xf32>, vector<128x128xf32>, vector<64x128xf32> -> vector<64x128xf32>
      %swap3A_1806 = arith.constant 0 : index
      %swap3A_1807 = arith.constant 0 : index
      %swap3A_1808 = vector.load %arg7[%swap3A_1806, %swap3A_1807] : memref<64x128xf32, #tpu.memory_space<vmem>>, vector<64x128xf32>
      tpu.vector_store %arg7[%swap3A_1806, %swap3A_1807], %dot_general3A_1805 {strides = array<i32>} : memref<64x128xf32, #tpu.memory_space<vmem>>, vector<64x128xf32>,
    } else {
    }
    %get3A = arith.constant 0 : index
    %get3A_2 = arith.constant 0 : index
    %get3A_3 = vector.load %arg7[%get3A, %get3A_2] : memref<64x128xf32, #tpu.memory_space<vmem>>, vector<64x128xf32>
    %get3A_4 = arith.constant 0 : index
    %get3A_5 = arith.constant 0 : index
    %get3A_6 = vector.load %arg3[%get3A_4, %get3A_5] : memref<16384x128xf32, #tpu.memory_space<vmem>>, vector<128x128xf32>
    %dot_general3A = arith.constant dense<0.000000e+00> : vector<64x128xf32>
    %dot_general3A_7 = tpu.matmul %get3A_3, %get3A_6, %dot_general3A {dimension_numbers = #tpu.dot_dimension_numbers<[1], [1], [0], [0], [0, 0, 1, 0], [], []>, transpose_lhs_hint = false} : vector<64x128xf32>, vector<128x128xf32>, vector<64x128xf32> -> vector<64x128xf32>
    %swap3A = arith.constant 0 : index
    %swap3A_8 = arith.constant 0 : index
    %swap3A_9 = vector.load %arg4[%swap3A, %swap3A_8] : memref<8192x128xf32, #tpu.memory_space<vmem>>, vector<64x128xf32>
    tpu.vector_store %arg4[%swap3A, %swap3A_8], %dot_general3A_7 {strides = array<i32>} : memref<8192x128xf32, #tpu.memory_space<vmem>>, vector<64x128xf32>,
    %reduce_max3A = arith.constant dense<0xFF800000> : vector<64xf32>
    %reduce_max3A_10 = vector.multi_reduction <maximumf>, %dot_general3A_7, %reduce_max3A [1] : vector<64x128xf32> to vector<64xf32>
    %broadcast_in_dim3A = vector.shape_cast %reduce_max3A_10 : vector<64xf32> to vector<64x1xf32>
    %get3A_11 = arith.constant 0 : index
    %get3A_12 = arith.constant 0 : index
    %get3A_13 = vector.load %arg7[%get3A_11, %get3A_12] : memref<64x128xf32, #tpu.memory_space<vmem>>, vector<64x128xf32>
    %get3A_14 = arith.constant 128 : index
    %get3A_15 = arith.constant 0 : index
    %get3A_16 = vector.load %arg3[%get3A_14, %get3A_15] : memref<16384x128xf32, #tpu.memory_space<vmem>>, vector<128x128xf32>
    %dot_general3A_17 = arith.constant dense<0.000000e+00> : vector<64x128xf32>
    %dot_general3A_18 = tpu.matmul %get3A_13, %get3A_16, %dot_general3A_17 {dimension_numbers = #tpu.dot_dimension_numbers<[1], [1], [0], [0], [0, 0, 1, 0], [], []>, transpose_lhs_hint = false} : vector<64x128xf32>, vector<128x128xf32>, vector<64x128xf32> -> vector<64x128xf32>
    %swap3A_19 = arith.constant 64 : index
    %swap3A_20 = arith.constant 0 : index
    %swap3A_21 = vector.load %arg4[%swap3A_19, %swap3A_20] : memref<8192x128xf32, #tpu.memory_space<vmem>>, vector<64x128xf32>
    tpu.vector_store %arg4[%swap3A_19, %swap3A_20], %dot_general3A_18 {strides = array<i32>} : memref<8192x128xf32, #tpu.memory_space<vmem>>, vector<64x128xf32>,
    %reduce_max3A_22 = arith.constant dense<0xFF800000> : vector<64xf32>
    %reduce_max3A_23 = vector.multi_reduction <maximumf>, %dot_general3A_18, %reduce_max3A_22 [1] : vector<64x128xf32> to vector<64xf32>
    %broadcast_in_dim3A_24 = vector.shape_cast %reduce_max3A_23 : vector<64xf32> to vector<64x1xf32>
    %get3A_25 = arith.constant 0 : index
    %get3A_26 = arith.constant 0 : index
    %get3A_27 = vector.load %arg7[%get3A_25, %get3A_26] : memref<64x128xf32, #tpu.memory_space<vmem>>, vector<64x128xf32>
    %get3A_28 = arith.constant 256 : index
    %get3A_29 = arith.constant 0 : index
    %get3A_30 = vector.load %arg3[%get3A_28, %get3A_29] : memref<16384x128xf32, #tpu.memory_space<vmem>>, vector<128x128xf32>
    %dot_general3A_31 = arith.constant dense<0.000000e+00> : vector<64x128xf32>
    %dot_general3A_32 = tpu.matmul %get3A_27, %get3A_30, %dot_general3A_31 {dimension_numbers = #tpu.dot_dimension_numbers<[1], [1], [0], [0], [0, 0, 1, 0], [], []>, transpose_lhs_hint = false} : vector<64x128xf32>, vector<128x128xf32>, vector<64x128xf32> -> vector<64x128xf32>
    %swap3A_33 = arith.constant 128 : index
    %swap3A_34 = arith.constant 0 : index
    %swap3A_35 = vector.load %arg4[%swap3A_33, %swap3A_34] : memref<8192x128xf32, #tpu.memory_space<vmem>>, vector<64x128xf32>
    tpu.vector_store %arg4[%swap3A_33, %swap3A_34], %dot_general3A_32 {strides = array<i32>} : memref<8192x128xf32, #tpu.memory_space<vmem>>, vector<64x128xf32>,
    %reduce_max3A_36 = arith.constant dense<0xFF800000> : vector<64xf32>
    %reduce_max3A_37 = vector.multi_reduction <maximumf>, %dot_general3A_32, %reduce_max3A_36 [1] : vector<64x128xf32> to vector<64xf32>
    %broadcast_in_dim3A_38 = vector.shape_cast %reduce_max3A_37 : vector<64xf32> to vector<64x1xf32>
    %get3A_39 = arith.constant 0 : index
    %get3A_40 = arith.constant 0 : index
    %get3A_41 = vector.load %arg7[%get3A_39, %get3A_40] : memref<64x128xf32, #tpu.memory_space<vmem>>, vector<64x128xf32>
    %get3A_42 = arith.constant 384 : index
    %get3A_43 = arith.constant 0 : index
    %get3A_44 = vector.load %arg3[%get3A_42, %get3A_43] : memref<16384x128xf32, #tpu.memory_space<vmem>>, vector<128x128xf32>
    %dot_general3A_45 = arith.constant dense<0.000000e+00> : vector<64x128xf32>
    %dot_general3A_46 = tpu.matmul %get3A_41, %get3A_44, %dot_general3A_45 {dimension_numbers = #tpu.dot_dimension_numbers<[1], [1], [0], [0], [0, 0, 1, 0], [], []>, transpose_lhs_hint = false} : vector<64x128xf32>, vector<128x128xf32>, vector<64x128xf32> -> vector<64x128xf32>
    %swap3A_47 = arith.constant 192 : index
    %swap3A_48 = arith.constant 0 : index
    %swap3A_49 = vector.load %arg4[%swap3A_47, %swap3A_48] : memref<8192x128xf32, #tpu.memory_space<vmem>>, vector<64x128xf32>
    tpu.vector_store %arg4[%swap3A_47, %swap3A_48], %dot_general3A_46 {strides = array<i32>} : memref<8192x128xf32, #tpu.memory_space<vmem>>, vector<64x128xf32>,
    %reduce_max3A_50 = arith.constant dense<0xFF800000> : vector<64xf32>
    %reduce_max3A_51 = vector.multi_reduction <maximumf>, %dot_general3A_46, %reduce_max3A_50 [1] : vector<64x128xf32> to vector<64xf32>
    %broadcast_in_dim3A_52 = vector.shape_cast %reduce_max3A_51 : vector<64xf32> to vector<64x1xf32>
    %get3A_53 = arith.constant 0 : index
    %get3A_54 = arith.constant 0 : index
    %get3A_55 = vector.load %arg7[%get3A_53, %get3A_54] : memref<64x128xf32, #tpu.memory_space<vmem>>, vector<64x128xf32>
    %get3A_56 = arith.constant 512 : index
    %get3A_57 = arith.constant 0 : index
    %get3A_58 = vector.load %arg3[%get3A_56, %get3A_57] : memref<16384x128xf32, #tpu.memory_space<vmem>>, vector<128x128xf32>
    %dot_general3A_59 = arith.constant dense<0.000000e+00> : vector<64x128xf32>
    %dot_general3A_60 = tpu.matmul %get3A_55, %get3A_58, %dot_general3A_59 {dimension_numbers = #tpu.dot_dimension_numbers<[1], [1], [0], [0], [0, 0, 1, 0], [], []>, transpose_lhs_hint = false} : vector<64x128xf32>, vector<128x128xf32>, vector<64x128xf32> -> vector<64x128xf32>
    %swap3A_61 = arith.constant 256 : index
    %swap3A_62 = arith.constant 0 : index
    %swap3A_63 = vector.load %arg4[%swap3A_61, %swap3A_62] : memref<8192x128xf32, #tpu.memory_space<vmem>>, vector<64x128xf32>
    tpu.vector_store %arg4[%swap3A_61, %swap3A_62], %dot_general3A_60 {strides = array<i32>} : memref<8192x128xf32, #tpu.memory_space<vmem>>, vector<64x128xf32>,
    %reduce_max3A_64 = arith.constant dense<0xFF800000> : vector<64xf32>
    %reduce_max3A_65 = vector.multi_reduction <maximumf>, %dot_general3A_60, %reduce_max3A_64 [1] : vector<64x128xf32> to vector<64xf32>
    %broadcast_in_dim3A_66 = vector.shape_cast %reduce_max3A_65 : vector<64xf32> to vector<64x1xf32>
    %get3A_67 = arith.constant 0 : index
    %get3A_68 = arith.constant 0 : index
    %get3A_69 = vector.load %arg7[%get3A_67, %get3A_68] : memref<64x128xf32, #tpu.memory_space<vmem>>, vector<64x128xf32>
    %get3A_70 = arith.constant 640 : index
    %get3A_71 = arith.constant 0 : index
    %get3A_72 = vector.load %arg3[%get3A_70, %get3A_71] : memref<16384x128xf32, #tpu.memory_space<vmem>>, vector<128x128xf32>
    %dot_general3A_73 = arith.constant dense<0.000000e+00> : vector<64x128xf32>
    %dot_general3A_74 = tpu.matmul %get3A_69, %get3A_72, %dot_general3A_73 {dimension_numbers = #tpu.dot_dimension_numbers<[1], [1], [0], [0], [0, 0, 1, 0], [], []>, transpose_lhs_hint = false} : vector<64x128xf32>, vector<128x128xf32>, vector<64x128xf32> -> vector<64x128xf32>
    %swap3A_75 = arith.constant 320 : index
    %swap3A_76 = arith.constant 0 : index
    %swap3A_77 = vector.load %arg4[%swap3A_75, %swap3A_76] : memref<8192x128xf32, #tpu.memory_space<vmem>>, vector<64x128xf32>
    tpu.vector_store %arg4[%swap3A_75, %swap3A_76], %dot_general3A_74 {strides = array<i32>} : memref<8192x128xf32, #tpu.memory_space<vmem>>, vector<64x128xf32>,
    %reduce_max3A_78 = arith.constant dense<0xFF800000> : vector<64xf32>
    %reduce_max3A_79 = vector.multi_reduction <maximumf>, %dot_general3A_74, %reduce_max3A_78 [1] : vector<64x128xf32> to vector<64xf32>
    %broadcast_in_dim3A_80 = vector.shape_cast %reduce_max3A_79 : vector<64xf32> to vector<64x1xf32>
    %get3A_81 = arith.constant 0 : index
    %get3A_82 = arith.constant 0 : index
    %get3A_83 = vector.load %arg7[%get3A_81, %get3A_82] : memref<64x128xf32, #tpu.memory_space<vmem>>, vector<64x128xf32>
    %get3A_84 = arith.constant 768 : index
    %get3A_85 = arith.constant 0 : index
    %get3A_86 = vector.load %arg3[%get3A_84, %get3A_85] : memref<16384x128xf32, #tpu.memory_space<vmem>>, vector<128x128xf32>
    %dot_general3A_87 = arith.constant dense<0.000000e+00> : vector<64x128xf32>
    %dot_general3A_88 = tpu.matmul %get3A_83, %get3A_86, %dot_general3A_87 {dimension_numbers = #tpu.dot_dimension_numbers<[1], [1], [0], [0], [0, 0, 1, 0], [], []>, transpose_lhs_hint = false} : vector<64x128xf32>, vector<128x128xf32>, vector<64x128xf32> -> vector<64x128xf32>
    %swap3A_89 = arith.constant 384 : index
    %swap3A_90 = arith.constant 0 : index
    %swap3A_91 = vector.load %arg4[%swap3A_89, %swap3A_90] : memref<8192x128xf32, #tpu.memory_space<vmem>>, vector<64x128xf32>
    tpu.vector_store %arg4[%swap3A_89, %swap3A_90], %dot_general3A_88 {strides = array<i32>} : memref<8192x128xf32, #tpu.memory_space<vmem>>, vector<64x128xf32>,
    %reduce_max3A_92 = arith.constant dense<0xFF800000> : vector<64xf32>
    %reduce_max3A_93 = vector.multi_reduction <maximumf>, %dot_general3A_88, %reduce_max3A_92 [1] : vector<64x128xf32> to vector<64xf32>
    %broadcast_in_dim3A_94 = vector.shape_cast %reduce_max3A_93 : vector<64xf32> to vector<64x1xf32>
    %get3A_95 = arith.constant 0 : index
    %get3A_96 = arith.constant 0 : index
    %get3A_97 = vector.load %arg7[%get3A_95, %get3A_96] : memref<64x128xf32, #tpu.memory_space<vmem>>, vector<64x128xf32>
    %get3A_98 = arith.constant 896 : index
    %get3A_99 = arith.constant 0 : index
    %get3A_100 = vector.load %arg3[%get3A_98, %get3A_99] : memref<16384x128xf32, #tpu.memory_space<vmem>>, vector<128x128xf32>
    %dot_general3A_101 = arith.constant dense<0.000000e+00> : vector<64x128xf32>
    %dot_general3A_102 = tpu.matmul %get3A_97, %get3A_100, %dot_general3A_101 {dimension_numbers = #tpu.dot_dimension_numbers<[1], [1], [0], [0], [0, 0, 1, 0], [], []>, transpose_lhs_hint = false} : vector<64x128xf32>, vector<128x128xf32>, vector<64x128xf32> -> vector<64x128xf32>
    %swap3A_103 = arith.constant 448 : index
    %swap3A_104 = arith.constant 0 : index
    %swap3A_105 = vector.load %arg4[%swap3A_103, %swap3A_104] : memref<8192x128xf32, #tpu.memory_space<vmem>>, vector<64x128xf32>
    tpu.vector_store %arg4[%swap3A_103, %swap3A_104], %dot_general3A_102 {strides = array<i32>} : memref<8192x128xf32, #tpu.memory_space<vmem>>, vector<64x128xf32>,
    %reduce_max3A_106 = arith.constant dense<0xFF800000> : vector<64xf32>
    %reduce_max3A_107 = vector.multi_reduction <maximumf>, %dot_general3A_102, %reduce_max3A_106 [1] : vector<64x128xf32> to vector<64xf32>
    %broadcast_in_dim3A_108 = vector.shape_cast %reduce_max3A_107 : vector<64xf32> to vector<64x1xf32>
    %get3A_109 = arith.constant 0 : index
    %get3A_110 = arith.constant 0 : index
    %get3A_111 = vector.load %arg7[%get3A_109, %get3A_110] : memref<64x128xf32, #tpu.memory_space<vmem>>, vector<64x128xf32>
    %get3A_112 = arith.constant 1024 : index
    %get3A_113 = arith.constant 0 : index
    %get3A_114 = vector.load %arg3[%get3A_112, %get3A_113] : memref<16384x128xf32, #tpu.memory_space<vmem>>, vector<128x128xf32>
    %dot_general3A_115 = arith.constant dense<0.000000e+00> : vector<64x128xf32>
    %dot_general3A_116 = tpu.matmul %get3A_111, %get3A_114, %dot_general3A_115 {dimension_numbers = #tpu.dot_dimension_numbers<[1], [1], [0], [0], [0, 0, 1, 0], [], []>, transpose_lhs_hint = false} : vector<64x128xf32>, vector<128x128xf32>, vector<64x128xf32> -> vector<64x128xf32>
    %swap3A_117 = arith.constant 512 : index
    %swap3A_118 = arith.constant 0 : index
    %swap3A_119 = vector.load %arg4[%swap3A_117, %swap3A_118] : memref<8192x128xf32, #tpu.memory_space<vmem>>, vector<64x128xf32>
    tpu.vector_store %arg4[%swap3A_117, %swap3A_118], %dot_general3A_116 {strides = array<i32>} : memref<8192x128xf32, #tpu.memory_space<vmem>>, vector<64x128xf32>,
    %reduce_max3A_120 = arith.constant dense<0xFF800000> : vector<64xf32>
    %reduce_max3A_121 = vector.multi_reduction <maximumf>, %dot_general3A_116, %reduce_max3A_120 [1] : vector<64x128xf32> to vector<64xf32>
    %broadcast_in_dim3A_122 = vector.shape_cast %reduce_max3A_121 : vector<64xf32> to vector<64x1xf32>
    %get3A_123 = arith.constant 0 : index
    %get3A_124 = arith.constant 0 : index
    %get3A_125 = vector.load %arg7[%get3A_123, %get3A_124] : memref<64x128xf32, #tpu.memory_space<vmem>>, vector<64x128xf32>
    %get3A_126 = arith.constant 1152 : index
    %get3A_127 = arith.constant 0 : index
    %get3A_128 = vector.load %arg3[%get3A_126, %get3A_127] : memref<16384x128xf32, #tpu.memory_space<vmem>>, vector<128x128xf32>
    %dot_general3A_129 = arith.constant dense<0.000000e+00> : vector<64x128xf32>
    %dot_general3A_130 = tpu.matmul %get3A_125, %get3A_128, %dot_general3A_129 {dimension_numbers = #tpu.dot_dimension_numbers<[1], [1], [0], [0], [0, 0, 1, 0], [], []>, transpose_lhs_hint = false} : vector<64x128xf32>, vector<128x128xf32>, vector<64x128xf32> -> vector<64x128xf32>
    %swap3A_131 = arith.constant 576 : index
    %swap3A_132 = arith.constant 0 : index
    %swap3A_133 = vector.load %arg4[%swap3A_131, %swap3A_132] : memref<8192x128xf32, #tpu.memory_space<vmem>>, vector<64x128xf32>
    tpu.vector_store %arg4[%swap3A_131, %swap3A_132], %dot_general3A_130 {strides = array<i32>} : memref<8192x128xf32, #tpu.memory_space<vmem>>, vector<64x128xf32>,
    %reduce_max3A_134 = arith.constant dense<0xFF800000> : vector<64xf32>
    %reduce_max3A_135 = vector.multi_reduction <maximumf>, %dot_general3A_130, %reduce_max3A_134 [1] : vector<64x128xf32> to vector<64xf32>
    %broadcast_in_dim3A_136 = vector.shape_cast %reduce_max3A_135 : vector<64xf32> to vector<64x1xf32>
    %get3A_137 = arith.constant 0 : index
    %get3A_138 = arith.constant 0 : index
    %get3A_139 = vector.load %arg7[%get3A_137, %get3A_138] : memref<64x128xf32, #tpu.memory_space<vmem>>, vector<64x128xf32>
    %get3A_140 = arith.constant 1280 : index
    %get3A_141 = arith.constant 0 : index
    %get3A_142 = vector.load %arg3[%get3A_140, %get3A_141] : memref<16384x128xf32, #tpu.memory_space<vmem>>, vector<128x128xf32>
    %dot_general3A_143 = arith.constant dense<0.000000e+00> : vector<64x128xf32>
    %dot_general3A_144 = tpu.matmul %get3A_139, %get3A_142, %dot_general3A_143 {dimension_numbers = #tpu.dot_dimension_numbers<[1], [1], [0], [0], [0, 0, 1, 0], [], []>, transpose_lhs_hint = false} : vector<64x128xf32>, vector<128x128xf32>, vector<64x128xf32> -> vector<64x128xf32>
    %swap3A_145 = arith.constant 640 : index
    %swap3A_146 = arith.constant 0 : index
    %swap3A_147 = vector.load %arg4[%swap3A_145, %swap3A_146] : memref<8192x128xf32, #tpu.memory_space<vmem>>, vector<64x128xf32>
    tpu.vector_store %arg4[%swap3A_145, %swap3A_146], %dot_general3A_144 {strides = array<i32>} : memref<8192x128xf32, #tpu.memory_space<vmem>>, vector<64x128xf32>,
    %reduce_max3A_148 = arith.constant dense<0xFF800000> : vector<64xf32>
    %reduce_max3A_149 = vector.multi_reduction <maximumf>, %dot_general3A_144, %reduce_max3A_148 [1] : vector<64x128xf32> to vector<64xf32>
    %broadcast_in_dim3A_150 = vector.shape_cast %reduce_max3A_149 : vector<64xf32> to vector<64x1xf32>
    %get3A_151 = arith.constant 0 : index
    %get3A_152 = arith.constant 0 : index
    %get3A_153 = vector.load %arg7[%get3A_151, %get3A_152] : memref<64x128xf32, #tpu.memory_space<vmem>>, vector<64x128xf32>
    %get3A_154 = arith.constant 1408 : index
    %get3A_155 = arith.constant 0 : index
    %get3A_156 = vector.load %arg3[%get3A_154, %get3A_155] : memref<16384x128xf32, #tpu.memory_space<vmem>>, vector<128x128xf32>
    %dot_general3A_157 = arith.constant dense<0.000000e+00> : vector<64x128xf32>
    %dot_general3A_158 = tpu.matmul %get3A_153, %get3A_156, %dot_general3A_157 {dimension_numbers = #tpu.dot_dimension_numbers<[1], [1], [0], [0], [0, 0, 1, 0], [], []>, transpose_lhs_hint = false} : vector<64x128xf32>, vector<128x128xf32>, vector<64x128xf32> -> vector<64x128xf32>
    %swap3A_159 = arith.constant 704 : index
    %swap3A_160 = arith.constant 0 : index
    %swap3A_161 = vector.load %arg4[%swap3A_159, %swap3A_160] : memref<8192x128xf32, #tpu.memory_space<vmem>>, vector<64x128xf32>
    tpu.vector_store %arg4[%swap3A_159, %swap3A_160], %dot_general3A_158 {strides = array<i32>} : memref<8192x128xf32, #tpu.memory_space<vmem>>, vector<64x128xf32>,
    %reduce_max3A_162 = arith.constant dense<0xFF800000> : vector<64xf32>
    %reduce_max3A_163 = vector.multi_reduction <maximumf>, %dot_general3A_158, %reduce_max3A_162 [1] : vector<64x128xf32> to vector<64xf32>
    %broadcast_in_dim3A_164 = vector.shape_cast %reduce_max3A_163 : vector<64xf32> to vector<64x1xf32>
    %get3A_165 = arith.constant 0 : index
    %get3A_166 = arith.constant 0 : index
    %get3A_167 = vector.load %arg7[%get3A_165, %get3A_166] : memref<64x128xf32, #tpu.memory_space<vmem>>, vector<64x128xf32>
    %get3A_168 = arith.constant 1536 : index
    %get3A_169 = arith.constant 0 : index
    %get3A_170 = vector.load %arg3[%get3A_168, %get3A_169] : memref<16384x128xf32, #tpu.memory_space<vmem>>, vector<128x128xf32>
    %dot_general3A_171 = arith.constant dense<0.000000e+00> : vector<64x128xf32>
    %dot_general3A_172 = tpu.matmul %get3A_167, %get3A_170, %dot_general3A_171 {dimension_numbers = #tpu.dot_dimension_numbers<[1], [1], [0], [0], [0, 0, 1, 0], [], []>, transpose_lhs_hint = false} : vector<64x128xf32>, vector<128x128xf32>, vector<64x128xf32> -> vector<64x128xf32>
    %swap3A_173 = arith.constant 768 : index
    %swap3A_174 = arith.constant 0 : index
    %swap3A_175 = vector.load %arg4[%swap3A_173, %swap3A_174] : memref<8192x128xf32, #tpu.memory_space<vmem>>, vector<64x128xf32>
    tpu.vector_store %arg4[%swap3A_173, %swap3A_174], %dot_general3A_172 {strides = array<i32>} : memref<8192x128xf32, #tpu.memory_space<vmem>>, vector<64x128xf32>,
    %reduce_max3A_176 = arith.constant dense<0xFF800000> : vector<64xf32>
    %reduce_max3A_177 = vector.multi_reduction <maximumf>, %dot_general3A_172, %reduce_max3A_176 [1] : vector<64x128xf32> to vector<64xf32>
    %broadcast_in_dim3A_178 = vector.shape_cast %reduce_max3A_177 : vector<64xf32> to vector<64x1xf32>
    %get3A_179 = arith.constant 0 : index
    %get3A_180 = arith.constant 0 : index
    %get3A_181 = vector.load %arg7[%get3A_179, %get3A_180] : memref<64x128xf32, #tpu.memory_space<vmem>>, vector<64x128xf32>
    %get3A_182 = arith.constant 1664 : index
    %get3A_183 = arith.constant 0 : index
    %get3A_184 = vector.load %arg3[%get3A_182, %get3A_183] : memref<16384x128xf32, #tpu.memory_space<vmem>>, vector<128x128xf32>
    %dot_general3A_185 = arith.constant dense<0.000000e+00> : vector<64x128xf32>
    %dot_general3A_186 = tpu.matmul %get3A_181, %get3A_184, %dot_general3A_185 {dimension_numbers = #tpu.dot_dimension_numbers<[1], [1], [0], [0], [0, 0, 1, 0], [], []>, transpose_lhs_hint = false} : vector<64x128xf32>, vector<128x128xf32>, vector<64x128xf32> -> vector<64x128xf32>
    %swap3A_187 = arith.constant 832 : index
    %swap3A_188 = arith.constant 0 : index
    %swap3A_189 = vector.load %arg4[%swap3A_187, %swap3A_188] : memref<8192x128xf32, #tpu.memory_space<vmem>>, vector<64x128xf32>
    tpu.vector_store %arg4[%swap3A_187, %swap3A_188], %dot_general3A_186 {strides = array<i32>} : memref<8192x128xf32, #tpu.memory_space<vmem>>, vector<64x128xf32>,
    %reduce_max3A_190 = arith.constant dense<0xFF800000> : vector<64xf32>
    %reduce_max3A_191 = vector.multi_reduction <maximumf>, %dot_general3A_186, %reduce_max3A_190 [1] : vector<64x128xf32> to vector<64xf32>
    %broadcast_in_dim3A_192 = vector.shape_cast %reduce_max3A_191 : vector<64xf32> to vector<64x1xf32>
    %get3A_193 = arith.constant 0 : index
    %get3A_194 = arith.constant 0 : index
    %get3A_195 = vector.load %arg7[%get3A_193, %get3A_194] : memref<64x128xf32, #tpu.memory_space<vmem>>, vector<64x128xf32>
    %get3A_196 = arith.constant 1792 : index
    %get3A_197 = arith.constant 0 : index
    %get3A_198 = vector.load %arg3[%get3A_196, %get3A_197] : memref<16384x128xf32, #tpu.memory_space<vmem>>, vector<128x128xf32>
    %dot_general3A_199 = arith.constant dense<0.000000e+00> : vector<64x128xf32>
    %dot_general3A_200 = tpu.matmul %get3A_195, %get3A_198, %dot_general3A_199 {dimension_numbers = #tpu.dot_dimension_numbers<[1], [1], [0], [0], [0, 0, 1, 0], [], []>, transpose_lhs_hint = false} : vector<64x128xf32>, vector<128x128xf32>, vector<64x128xf32> -> vector<64x128xf32>
    %swap3A_201 = arith.constant 896 : index
    %swap3A_202 = arith.constant 0 : index
    %swap3A_203 = vector.load %arg4[%swap3A_201, %swap3A_202] : memref<8192x128xf32, #tpu.memory_space<vmem>>, vector<64x128xf32>
    tpu.vector_store %arg4[%swap3A_201, %swap3A_202], %dot_general3A_200 {strides = array<i32>} : memref<8192x128xf32, #tpu.memory_space<vmem>>, vector<64x128xf32>,
    %reduce_max3A_204 = arith.constant dense<0xFF800000> : vector<64xf32>
    %reduce_max3A_205 = vector.multi_reduction <maximumf>, %dot_general3A_200, %reduce_max3A_204 [1] : vector<64x128xf32> to vector<64xf32>
    %broadcast_in_dim3A_206 = vector.shape_cast %reduce_max3A_205 : vector<64xf32> to vector<64x1xf32>
    %get3A_207 = arith.constant 0 : index
    %get3A_208 = arith.constant 0 : index
    %get3A_209 = vector.load %arg7[%get3A_207, %get3A_208] : memref<64x128xf32, #tpu.memory_space<vmem>>, vector<64x128xf32>
    %get3A_210 = arith.constant 1920 : index
    %get3A_211 = arith.constant 0 : index
    %get3A_212 = vector.load %arg3[%get3A_210, %get3A_211] : memref<16384x128xf32, #tpu.memory_space<vmem>>, vector<128x128xf32>
    %dot_general3A_213 = arith.constant dense<0.000000e+00> : vector<64x128xf32>
    %dot_general3A_214 = tpu.matmul %get3A_209, %get3A_212, %dot_general3A_213 {dimension_numbers = #tpu.dot_dimension_numbers<[1], [1], [0], [0], [0, 0, 1, 0], [], []>, transpose_lhs_hint = false} : vector<64x128xf32>, vector<128x128xf32>, vector<64x128xf32> -> vector<64x128xf32>
    %swap3A_215 = arith.constant 960 : index
    %swap3A_216 = arith.constant 0 : index
    %swap3A_217 = vector.load %arg4[%swap3A_215, %swap3A_216] : memref<8192x128xf32, #tpu.memory_space<vmem>>, vector<64x128xf32>
    tpu.vector_store %arg4[%swap3A_215, %swap3A_216], %dot_general3A_214 {strides = array<i32>} : memref<8192x128xf32, #tpu.memory_space<vmem>>, vector<64x128xf32>,
    %reduce_max3A_218 = arith.constant dense<0xFF800000> : vector<64xf32>
    %reduce_max3A_219 = vector.multi_reduction <maximumf>, %dot_general3A_214, %reduce_max3A_218 [1] : vector<64x128xf32> to vector<64xf32>
    %broadcast_in_dim3A_220 = vector.shape_cast %reduce_max3A_219 : vector<64xf32> to vector<64x1xf32>
    %get3A_221 = arith.constant 0 : index
    %get3A_222 = arith.constant 0 : index
    %get3A_223 = vector.load %arg7[%get3A_221, %get3A_222] : memref<64x128xf32, #tpu.memory_space<vmem>>, vector<64x128xf32>
    %get3A_224 = arith.constant 2048 : index
    %get3A_225 = arith.constant 0 : index
    %get3A_226 = vector.load %arg3[%get3A_224, %get3A_225] : memref<16384x128xf32, #tpu.memory_space<vmem>>, vector<128x128xf32>
    %dot_general3A_227 = arith.constant dense<0.000000e+00> : vector<64x128xf32>
    %dot_general3A_228 = tpu.matmul %get3A_223, %get3A_226, %dot_general3A_227 {dimension_numbers = #tpu.dot_dimension_numbers<[1], [1], [0], [0], [0, 0, 1, 0], [], []>, transpose_lhs_hint = false} : vector<64x128xf32>, vector<128x128xf32>, vector<64x128xf32> -> vector<64x128xf32>
    %swap3A_229 = arith.constant 1024 : index
    %swap3A_230 = arith.constant 0 : index
    %swap3A_231 = vector.load %arg4[%swap3A_229, %swap3A_230] : memref<8192x128xf32, #tpu.memory_space<vmem>>, vector<64x128xf32>
    tpu.vector_store %arg4[%swap3A_229, %swap3A_230], %dot_general3A_228 {strides = array<i32>} : memref<8192x128xf32, #tpu.memory_space<vmem>>, vector<64x128xf32>,
    %reduce_max3A_232 = arith.constant dense<0xFF800000> : vector<64xf32>
    %reduce_max3A_233 = vector.multi_reduction <maximumf>, %dot_general3A_228, %reduce_max3A_232 [1] : vector<64x128xf32> to vector<64xf32>
    %broadcast_in_dim3A_234 = vector.shape_cast %reduce_max3A_233 : vector<64xf32> to vector<64x1xf32>
    %get3A_235 = arith.constant 0 : index
    %get3A_236 = arith.constant 0 : index
    %get3A_237 = vector.load %arg7[%get3A_235, %get3A_236] : memref<64x128xf32, #tpu.memory_space<vmem>>, vector<64x128xf32>
    %get3A_238 = arith.constant 2176 : index
    %get3A_239 = arith.constant 0 : index
    %get3A_240 = vector.load %arg3[%get3A_238, %get3A_239] : memref<16384x128xf32, #tpu.memory_space<vmem>>, vector<128x128xf32>
    %dot_general3A_241 = arith.constant dense<0.000000e+00> : vector<64x128xf32>
    %dot_general3A_242 = tpu.matmul %get3A_237, %get3A_240, %dot_general3A_241 {dimension_numbers = #tpu.dot_dimension_numbers<[1], [1], [0], [0], [0, 0, 1, 0], [], []>, transpose_lhs_hint = false} : vector<64x128xf32>, vector<128x128xf32>, vector<64x128xf32> -> vector<64x128xf32>
    %swap3A_243 = arith.constant 1088 : index
    %swap3A_244 = arith.constant 0 : index
    %swap3A_245 = vector.load %arg4[%swap3A_243, %swap3A_244] : memref<8192x128xf32, #tpu.memory_space<vmem>>, vector<64x128xf32>
    tpu.vector_store %arg4[%swap3A_243, %swap3A_244], %dot_general3A_242 {strides = array<i32>} : memref<8192x128xf32, #tpu.memory_space<vmem>>, vector<64x128xf32>,
    %reduce_max3A_246 = arith.constant dense<0xFF800000> : vector<64xf32>
    %reduce_max3A_247 = vector.multi_reduction <maximumf>, %dot_general3A_242, %reduce_max3A_246 [1] : vector<64x128xf32> to vector<64xf32>
    %broadcast_in_dim3A_248 = vector.shape_cast %reduce_max3A_247 : vector<64xf32> to vector<64x1xf32>
    %get3A_249 = arith.constant 0 : index
    %get3A_250 = arith.constant 0 : index
    %get3A_251 = vector.load %arg7[%get3A_249, %get3A_250] : memref<64x128xf32, #tpu.memory_space<vmem>>, vector<64x128xf32>
    %get3A_252 = arith.constant 2304 : index
    %get3A_253 = arith.constant 0 : index
    %get3A_254 = vector.load %arg3[%get3A_252, %get3A_253] : memref<16384x128xf32, #tpu.memory_space<vmem>>, vector<128x128xf32>
    %dot_general3A_255 = arith.constant dense<0.000000e+00> : vector<64x128xf32>
    %dot_general3A_256 = tpu.matmul %get3A_251, %get3A_254, %dot_general3A_255 {dimension_numbers = #tpu.dot_dimension_numbers<[1], [1], [0], [0], [0, 0, 1, 0], [], []>, transpose_lhs_hint = false} : vector<64x128xf32>, vector<128x128xf32>, vector<64x128xf32> -> vector<64x128xf32>
    %swap3A_257 = arith.constant 1152 : index
    %swap3A_258 = arith.constant 0 : index
    %swap3A_259 = vector.load %arg4[%swap3A_257, %swap3A_258] : memref<8192x128xf32, #tpu.memory_space<vmem>>, vector<64x128xf32>
    tpu.vector_store %arg4[%swap3A_257, %swap3A_258], %dot_general3A_256 {strides = array<i32>} : memref<8192x128xf32, #tpu.memory_space<vmem>>, vector<64x128xf32>,
    %reduce_max3A_260 = arith.constant dense<0xFF800000> : vector<64xf32>
    %reduce_max3A_261 = vector.multi_reduction <maximumf>, %dot_general3A_256, %reduce_max3A_260 [1] : vector<64x128xf32> to vector<64xf32>
    %broadcast_in_dim3A_262 = vector.shape_cast %reduce_max3A_261 : vector<64xf32> to vector<64x1xf32>
    %get3A_263 = arith.constant 0 : index
    %get3A_264 = arith.constant 0 : index
    %get3A_265 = vector.load %arg7[%get3A_263, %get3A_264] : memref<64x128xf32, #tpu.memory_space<vmem>>, vector<64x128xf32>
    %get3A_266 = arith.constant 2432 : index
    %get3A_267 = arith.constant 0 : index
    %get3A_268 = vector.load %arg3[%get3A_266, %get3A_267] : memref<16384x128xf32, #tpu.memory_space<vmem>>, vector<128x128xf32>
    %dot_general3A_269 = arith.constant dense<0.000000e+00> : vector<64x128xf32>
    %dot_general3A_270 = tpu.matmul %get3A_265, %get3A_268, %dot_general3A_269 {dimension_numbers = #tpu.dot_dimension_numbers<[1], [1], [0], [0], [0, 0, 1, 0], [], []>, transpose_lhs_hint = false} : vector<64x128xf32>, vector<128x128xf32>, vector<64x128xf32> -> vector<64x128xf32>
    %swap3A_271 = arith.constant 1216 : index
    %swap3A_272 = arith.constant 0 : index
    %swap3A_273 = vector.load %arg4[%swap3A_271, %swap3A_272] : memref<8192x128xf32, #tpu.memory_space<vmem>>, vector<64x128xf32>
    tpu.vector_store %arg4[%swap3A_271, %swap3A_272], %dot_general3A_270 {strides = array<i32>} : memref<8192x128xf32, #tpu.memory_space<vmem>>, vector<64x128xf32>,
    %reduce_max3A_274 = arith.constant dense<0xFF800000> : vector<64xf32>
    %reduce_max3A_275 = vector.multi_reduction <maximumf>, %dot_general3A_270, %reduce_max3A_274 [1] : vector<64x128xf32> to vector<64xf32>
    %broadcast_in_dim3A_276 = vector.shape_cast %reduce_max3A_275 : vector<64xf32> to vector<64x1xf32>
    %get3A_277 = arith.constant 0 : index
    %get3A_278 = arith.constant 0 : index
    %get3A_279 = vector.load %arg7[%get3A_277, %get3A_278] : memref<64x128xf32, #tpu.memory_space<vmem>>, vector<64x128xf32>
    %get3A_280 = arith.constant 2560 : index
    %get3A_281 = arith.constant 0 : index
    %get3A_282 = vector.load %arg3[%get3A_280, %get3A_281] : memref<16384x128xf32, #tpu.memory_space<vmem>>, vector<128x128xf32>
    %dot_general3A_283 = arith.constant dense<0.000000e+00> : vector<64x128xf32>
    %dot_general3A_284 = tpu.matmul %get3A_279, %get3A_282, %dot_general3A_283 {dimension_numbers = #tpu.dot_dimension_numbers<[1], [1], [0], [0], [0, 0, 1, 0], [], []>, transpose_lhs_hint = false} : vector<64x128xf32>, vector<128x128xf32>, vector<64x128xf32> -> vector<64x128xf32>
    %swap3A_285 = arith.constant 1280 : index
    %swap3A_286 = arith.constant 0 : index
    %swap3A_287 = vector.load %arg4[%swap3A_285, %swap3A_286] : memref<8192x128xf32, #tpu.memory_space<vmem>>, vector<64x128xf32>
    tpu.vector_store %arg4[%swap3A_285, %swap3A_286], %dot_general3A_284 {strides = array<i32>} : memref<8192x128xf32, #tpu.memory_space<vmem>>, vector<64x128xf32>,
    %reduce_max3A_288 = arith.constant dense<0xFF800000> : vector<64xf32>
    %reduce_max3A_289 = vector.multi_reduction <maximumf>, %dot_general3A_284, %reduce_max3A_288 [1] : vector<64x128xf32> to vector<64xf32>
    %broadcast_in_dim3A_290 = vector.shape_cast %reduce_max3A_289 : vector<64xf32> to vector<64x1xf32>
    %get3A_291 = arith.constant 0 : index
    %get3A_292 = arith.constant 0 : index
    %get3A_293 = vector.load %arg7[%get3A_291, %get3A_292] : memref<64x128xf32, #tpu.memory_space<vmem>>, vector<64x128xf32>
    %get3A_294 = arith.constant 2688 : index
    %get3A_295 = arith.constant 0 : index
    %get3A_296 = vector.load %arg3[%get3A_294, %get3A_295] : memref<16384x128xf32, #tpu.memory_space<vmem>>, vector<128x128xf32>
    %dot_general3A_297 = arith.constant dense<0.000000e+00> : vector<64x128xf32>
    %dot_general3A_298 = tpu.matmul %get3A_293, %get3A_296, %dot_general3A_297 {dimension_numbers = #tpu.dot_dimension_numbers<[1], [1], [0], [0], [0, 0, 1, 0], [], []>, transpose_lhs_hint = false} : vector<64x128xf32>, vector<128x128xf32>, vector<64x128xf32> -> vector<64x128xf32>
    %swap3A_299 = arith.constant 1344 : index
    %swap3A_300 = arith.constant 0 : index
    %swap3A_301 = vector.load %arg4[%swap3A_299, %swap3A_300] : memref<8192x128xf32, #tpu.memory_space<vmem>>, vector<64x128xf32>
    tpu.vector_store %arg4[%swap3A_299, %swap3A_300], %dot_general3A_298 {strides = array<i32>} : memref<8192x128xf32, #tpu.memory_space<vmem>>, vector<64x128xf32>,
    %reduce_max3A_302 = arith.constant dense<0xFF800000> : vector<64xf32>
    %reduce_max3A_303 = vector.multi_reduction <maximumf>, %dot_general3A_298, %reduce_max3A_302 [1] : vector<64x128xf32> to vector<64xf32>
    %broadcast_in_dim3A_304 = vector.shape_cast %reduce_max3A_303 : vector<64xf32> to vector<64x1xf32>
    %get3A_305 = arith.constant 0 : index
    %get3A_306 = arith.constant 0 : index
    %get3A_307 = vector.load %arg7[%get3A_305, %get3A_306] : memref<64x128xf32, #tpu.memory_space<vmem>>, vector<64x128xf32>
    %get3A_308 = arith.constant 2816 : index
    %get3A_309 = arith.constant 0 : index
    %get3A_310 = vector.load %arg3[%get3A_308, %get3A_309] : memref<16384x128xf32, #tpu.memory_space<vmem>>, vector<128x128xf32>
    %dot_general3A_311 = arith.constant dense<0.000000e+00> : vector<64x128xf32>
    %dot_general3A_312 = tpu.matmul %get3A_307, %get3A_310, %dot_general3A_311 {dimension_numbers = #tpu.dot_dimension_numbers<[1], [1], [0], [0], [0, 0, 1, 0], [], []>, transpose_lhs_hint = false} : vector<64x128xf32>, vector<128x128xf32>, vector<64x128xf32> -> vector<64x128xf32>
    %swap3A_313 = arith.constant 1408 : index
    %swap3A_314 = arith.constant 0 : index
    %swap3A_315 = vector.load %arg4[%swap3A_313, %swap3A_314] : memref<8192x128xf32, #tpu.memory_space<vmem>>, vector<64x128xf32>
    tpu.vector_store %arg4[%swap3A_313, %swap3A_314], %dot_general3A_312 {strides = array<i32>} : memref<8192x128xf32, #tpu.memory_space<vmem>>, vector<64x128xf32>,
    %reduce_max3A_316 = arith.constant dense<0xFF800000> : vector<64xf32>
    %reduce_max3A_317 = vector.multi_reduction <maximumf>, %dot_general3A_312, %reduce_max3A_316 [1] : vector<64x128xf32> to vector<64xf32>
    %broadcast_in_dim3A_318 = vector.shape_cast %reduce_max3A_317 : vector<64xf32> to vector<64x1xf32>
    %get3A_319 = arith.constant 0 : index
    %get3A_320 = arith.constant 0 : index
    %get3A_321 = vector.load %arg7[%get3A_319, %get3A_320] : memref<64x128xf32, #tpu.memory_space<vmem>>, vector<64x128xf32>
    %get3A_322 = arith.constant 2944 : index
    %get3A_323 = arith.constant 0 : index
    %get3A_324 = vector.load %arg3[%get3A_322, %get3A_323] : memref<16384x128xf32, #tpu.memory_space<vmem>>, vector<128x128xf32>
    %dot_general3A_325 = arith.constant dense<0.000000e+00> : vector<64x128xf32>
    %dot_general3A_326 = tpu.matmul %get3A_321, %get3A_324, %dot_general3A_325 {dimension_numbers = #tpu.dot_dimension_numbers<[1], [1], [0], [0], [0, 0, 1, 0], [], []>, transpose_lhs_hint = false} : vector<64x128xf32>, vector<128x128xf32>, vector<64x128xf32> -> vector<64x128xf32>
    %swap3A_327 = arith.constant 1472 : index
    %swap3A_328 = arith.constant 0 : index
    %swap3A_329 = vector.load %arg4[%swap3A_327, %swap3A_328] : memref<8192x128xf32, #tpu.memory_space<vmem>>, vector<64x128xf32>
    tpu.vector_store %arg4[%swap3A_327, %swap3A_328], %dot_general3A_326 {strides = array<i32>} : memref<8192x128xf32, #tpu.memory_space<vmem>>, vector<64x128xf32>,
    %reduce_max3A_330 = arith.constant dense<0xFF800000> : vector<64xf32>
    %reduce_max3A_331 = vector.multi_reduction <maximumf>, %dot_general3A_326, %reduce_max3A_330 [1] : vector<64x128xf32> to vector<64xf32>
    %broadcast_in_dim3A_332 = vector.shape_cast %reduce_max3A_331 : vector<64xf32> to vector<64x1xf32>
    %get3A_333 = arith.constant 0 : index
    %get3A_334 = arith.constant 0 : index
    %get3A_335 = vector.load %arg7[%get3A_333, %get3A_334] : memref<64x128xf32, #tpu.memory_space<vmem>>, vector<64x128xf32>
    %get3A_336 = arith.constant 3072 : index
    %get3A_337 = arith.constant 0 : index
    %get3A_338 = vector.load %arg3[%get3A_336, %get3A_337] : memref<16384x128xf32, #tpu.memory_space<vmem>>, vector<128x128xf32>
    %dot_general3A_339 = arith.constant dense<0.000000e+00> : vector<64x128xf32>
    %dot_general3A_340 = tpu.matmul %get3A_335, %get3A_338, %dot_general3A_339 {dimension_numbers = #tpu.dot_dimension_numbers<[1], [1], [0], [0], [0, 0, 1, 0], [], []>, transpose_lhs_hint = false} : vector<64x128xf32>, vector<128x128xf32>, vector<64x128xf32> -> vector<64x128xf32>
    %swap3A_341 = arith.constant 1536 : index
    %swap3A_342 = arith.constant 0 : index
    %swap3A_343 = vector.load %arg4[%swap3A_341, %swap3A_342] : memref<8192x128xf32, #tpu.memory_space<vmem>>, vector<64x128xf32>
    tpu.vector_store %arg4[%swap3A_341, %swap3A_342], %dot_general3A_340 {strides = array<i32>} : memref<8192x128xf32, #tpu.memory_space<vmem>>, vector<64x128xf32>,
    %reduce_max3A_344 = arith.constant dense<0xFF800000> : vector<64xf32>
    %reduce_max3A_345 = vector.multi_reduction <maximumf>, %dot_general3A_340, %reduce_max3A_344 [1] : vector<64x128xf32> to vector<64xf32>
    %broadcast_in_dim3A_346 = vector.shape_cast %reduce_max3A_345 : vector<64xf32> to vector<64x1xf32>
    %get3A_347 = arith.constant 0 : index
    %get3A_348 = arith.constant 0 : index
    %get3A_349 = vector.load %arg7[%get3A_347, %get3A_348] : memref<64x128xf32, #tpu.memory_space<vmem>>, vector<64x128xf32>
    %get3A_350 = arith.constant 3200 : index
    %get3A_351 = arith.constant 0 : index
    %get3A_352 = vector.load %arg3[%get3A_350, %get3A_351] : memref<16384x128xf32, #tpu.memory_space<vmem>>, vector<128x128xf32>
    %dot_general3A_353 = arith.constant dense<0.000000e+00> : vector<64x128xf32>
    %dot_general3A_354 = tpu.matmul %get3A_349, %get3A_352, %dot_general3A_353 {dimension_numbers = #tpu.dot_dimension_numbers<[1], [1], [0], [0], [0, 0, 1, 0], [], []>, transpose_lhs_hint = false} : vector<64x128xf32>, vector<128x128xf32>, vector<64x128xf32> -> vector<64x128xf32>
    %swap3A_355 = arith.constant 1600 : index
    %swap3A_356 = arith.constant 0 : index
    %swap3A_357 = vector.load %arg4[%swap3A_355, %swap3A_356] : memref<8192x128xf32, #tpu.memory_space<vmem>>, vector<64x128xf32>
    tpu.vector_store %arg4[%swap3A_355, %swap3A_356], %dot_general3A_354 {strides = array<i32>} : memref<8192x128xf32, #tpu.memory_space<vmem>>, vector<64x128xf32>,
    %reduce_max3A_358 = arith.constant dense<0xFF800000> : vector<64xf32>
    %reduce_max3A_359 = vector.multi_reduction <maximumf>, %dot_general3A_354, %reduce_max3A_358 [1] : vector<64x128xf32> to vector<64xf32>
    %broadcast_in_dim3A_360 = vector.shape_cast %reduce_max3A_359 : vector<64xf32> to vector<64x1xf32>
    %get3A_361 = arith.constant 0 : index
    %get3A_362 = arith.constant 0 : index
    %get3A_363 = vector.load %arg7[%get3A_361, %get3A_362] : memref<64x128xf32, #tpu.memory_space<vmem>>, vector<64x128xf32>
    %get3A_364 = arith.constant 3328 : index
    %get3A_365 = arith.constant 0 : index
    %get3A_366 = vector.load %arg3[%get3A_364, %get3A_365] : memref<16384x128xf32, #tpu.memory_space<vmem>>, vector<128x128xf32>
    %dot_general3A_367 = arith.constant dense<0.000000e+00> : vector<64x128xf32>
    %dot_general3A_368 = tpu.matmul %get3A_363, %get3A_366, %dot_general3A_367 {dimension_numbers = #tpu.dot_dimension_numbers<[1], [1], [0], [0], [0, 0, 1, 0], [], []>, transpose_lhs_hint = false} : vector<64x128xf32>, vector<128x128xf32>, vector<64x128xf32> -> vector<64x128xf32>
    %swap3A_369 = arith.constant 1664 : index
    %swap3A_370 = arith.constant 0 : index
    %swap3A_371 = vector.load %arg4[%swap3A_369, %swap3A_370] : memref<8192x128xf32, #tpu.memory_space<vmem>>, vector<64x128xf32>
    tpu.vector_store %arg4[%swap3A_369, %swap3A_370], %dot_general3A_368 {strides = array<i32>} : memref<8192x128xf32, #tpu.memory_space<vmem>>, vector<64x128xf32>,
    %reduce_max3A_372 = arith.constant dense<0xFF800000> : vector<64xf32>
    %reduce_max3A_373 = vector.multi_reduction <maximumf>, %dot_general3A_368, %reduce_max3A_372 [1] : vector<64x128xf32> to vector<64xf32>
    %broadcast_in_dim3A_374 = vector.shape_cast %reduce_max3A_373 : vector<64xf32> to vector<64x1xf32>
    %get3A_375 = arith.constant 0 : index
    %get3A_376 = arith.constant 0 : index
    %get3A_377 = vector.load %arg7[%get3A_375, %get3A_376] : memref<64x128xf32, #tpu.memory_space<vmem>>, vector<64x128xf32>
    %get3A_378 = arith.constant 3456 : index
    %get3A_379 = arith.constant 0 : index
    %get3A_380 = vector.load %arg3[%get3A_378, %get3A_379] : memref<16384x128xf32, #tpu.memory_space<vmem>>, vector<128x128xf32>
    %dot_general3A_381 = arith.constant dense<0.000000e+00> : vector<64x128xf32>
    %dot_general3A_382 = tpu.matmul %get3A_377, %get3A_380, %dot_general3A_381 {dimension_numbers = #tpu.dot_dimension_numbers<[1], [1], [0], [0], [0, 0, 1, 0], [], []>, transpose_lhs_hint = false} : vector<64x128xf32>, vector<128x128xf32>, vector<64x128xf32> -> vector<64x128xf32>
    %swap3A_383 = arith.constant 1728 : index
    %swap3A_384 = arith.constant 0 : index
    %swap3A_385 = vector.load %arg4[%swap3A_383, %swap3A_384] : memref<8192x128xf32, #tpu.memory_space<vmem>>, vector<64x128xf32>
    tpu.vector_store %arg4[%swap3A_383, %swap3A_384], %dot_general3A_382 {strides = array<i32>} : memref<8192x128xf32, #tpu.memory_space<vmem>>, vector<64x128xf32>,
    %reduce_max3A_386 = arith.constant dense<0xFF800000> : vector<64xf32>
    %reduce_max3A_387 = vector.multi_reduction <maximumf>, %dot_general3A_382, %reduce_max3A_386 [1] : vector<64x128xf32> to vector<64xf32>
    %broadcast_in_dim3A_388 = vector.shape_cast %reduce_max3A_387 : vector<64xf32> to vector<64x1xf32>
    %get3A_389 = arith.constant 0 : index
    %get3A_390 = arith.constant 0 : index
    %get3A_391 = vector.load %arg7[%get3A_389, %get3A_390] : memref<64x128xf32, #tpu.memory_space<vmem>>, vector<64x128xf32>
    %get3A_392 = arith.constant 3584 : index
    %get3A_393 = arith.constant 0 : index
    %get3A_394 = vector.load %arg3[%get3A_392, %get3A_393] : memref<16384x128xf32, #tpu.memory_space<vmem>>, vector<128x128xf32>
    %dot_general3A_395 = arith.constant dense<0.000000e+00> : vector<64x128xf32>
    %dot_general3A_396 = tpu.matmul %get3A_391, %get3A_394, %dot_general3A_395 {dimension_numbers = #tpu.dot_dimension_numbers<[1], [1], [0], [0], [0, 0, 1, 0], [], []>, transpose_lhs_hint = false} : vector<64x128xf32>, vector<128x128xf32>, vector<64x128xf32> -> vector<64x128xf32>
    %swap3A_397 = arith.constant 1792 : index
    %swap3A_398 = arith.constant 0 : index
    %swap3A_399 = vector.load %arg4[%swap3A_397, %swap3A_398] : memref<8192x128xf32, #tpu.memory_space<vmem>>, vector<64x128xf32>
    tpu.vector_store %arg4[%swap3A_397, %swap3A_398], %dot_general3A_396 {strides = array<i32>} : memref<8192x128xf32, #tpu.memory_space<vmem>>, vector<64x128xf32>,
    %reduce_max3A_400 = arith.constant dense<0xFF800000> : vector<64xf32>
    %reduce_max3A_401 = vector.multi_reduction <maximumf>, %dot_general3A_396, %reduce_max3A_400 [1] : vector<64x128xf32> to vector<64xf32>
    %broadcast_in_dim3A_402 = vector.shape_cast %reduce_max3A_401 : vector<64xf32> to vector<64x1xf32>
    %get3A_403 = arith.constant 0 : index
    %get3A_404 = arith.constant 0 : index
    %get3A_405 = vector.load %arg7[%get3A_403, %get3A_404] : memref<64x128xf32, #tpu.memory_space<vmem>>, vector<64x128xf32>
    %get3A_406 = arith.constant 3712 : index
    %get3A_407 = arith.constant 0 : index
    %get3A_408 = vector.load %arg3[%get3A_406, %get3A_407] : memref<16384x128xf32, #tpu.memory_space<vmem>>, vector<128x128xf32>
    %dot_general3A_409 = arith.constant dense<0.000000e+00> : vector<64x128xf32>
    %dot_general3A_410 = tpu.matmul %get3A_405, %get3A_408, %dot_general3A_409 {dimension_numbers = #tpu.dot_dimension_numbers<[1], [1], [0], [0], [0, 0, 1, 0], [], []>, transpose_lhs_hint = false} : vector<64x128xf32>, vector<128x128xf32>, vector<64x128xf32> -> vector<64x128xf32>
    %swap3A_411 = arith.constant 1856 : index
    %swap3A_412 = arith.constant 0 : index
    %swap3A_413 = vector.load %arg4[%swap3A_411, %swap3A_412] : memref<8192x128xf32, #tpu.memory_space<vmem>>, vector<64x128xf32>
    tpu.vector_store %arg4[%swap3A_411, %swap3A_412], %dot_general3A_410 {strides = array<i32>} : memref<8192x128xf32, #tpu.memory_space<vmem>>, vector<64x128xf32>,
    %reduce_max3A_414 = arith.constant dense<0xFF800000> : vector<64xf32>
    %reduce_max3A_415 = vector.multi_reduction <maximumf>, %dot_general3A_410, %reduce_max3A_414 [1] : vector<64x128xf32> to vector<64xf32>
    %broadcast_in_dim3A_416 = vector.shape_cast %reduce_max3A_415 : vector<64xf32> to vector<64x1xf32>
    %get3A_417 = arith.constant 0 : index
    %get3A_418 = arith.constant 0 : index
    %get3A_419 = vector.load %arg7[%get3A_417, %get3A_418] : memref<64x128xf32, #tpu.memory_space<vmem>>, vector<64x128xf32>
    %get3A_420 = arith.constant 3840 : index
    %get3A_421 = arith.constant 0 : index
    %get3A_422 = vector.load %arg3[%get3A_420, %get3A_421] : memref<16384x128xf32, #tpu.memory_space<vmem>>, vector<128x128xf32>
    %dot_general3A_423 = arith.constant dense<0.000000e+00> : vector<64x128xf32>
    %dot_general3A_424 = tpu.matmul %get3A_419, %get3A_422, %dot_general3A_423 {dimension_numbers = #tpu.dot_dimension_numbers<[1], [1], [0], [0], [0, 0, 1, 0], [], []>, transpose_lhs_hint = false} : vector<64x128xf32>, vector<128x128xf32>, vector<64x128xf32> -> vector<64x128xf32>
    %swap3A_425 = arith.constant 1920 : index
    %swap3A_426 = arith.constant 0 : index
    %swap3A_427 = vector.load %arg4[%swap3A_425, %swap3A_426] : memref<8192x128xf32, #tpu.memory_space<vmem>>, vector<64x128xf32>
    tpu.vector_store %arg4[%swap3A_425, %swap3A_426], %dot_general3A_424 {strides = array<i32>} : memref<8192x128xf32, #tpu.memory_space<vmem>>, vector<64x128xf32>,
    %reduce_max3A_428 = arith.constant dense<0xFF800000> : vector<64xf32>
    %reduce_max3A_429 = vector.multi_reduction <maximumf>, %dot_general3A_424, %reduce_max3A_428 [1] : vector<64x128xf32> to vector<64xf32>
    %broadcast_in_dim3A_430 = vector.shape_cast %reduce_max3A_429 : vector<64xf32> to vector<64x1xf32>
    %get3A_431 = arith.constant 0 : index
    %get3A_432 = arith.constant 0 : index
    %get3A_433 = vector.load %arg7[%get3A_431, %get3A_432] : memref<64x128xf32, #tpu.memory_space<vmem>>, vector<64x128xf32>
    %get3A_434 = arith.constant 3968 : index
    %get3A_435 = arith.constant 0 : index
    %get3A_436 = vector.load %arg3[%get3A_434, %get3A_435] : memref<16384x128xf32, #tpu.memory_space<vmem>>, vector<128x128xf32>
    %dot_general3A_437 = arith.constant dense<0.000000e+00> : vector<64x128xf32>
    %dot_general3A_438 = tpu.matmul %get3A_433, %get3A_436, %dot_general3A_437 {dimension_numbers = #tpu.dot_dimension_numbers<[1], [1], [0], [0], [0, 0, 1, 0], [], []>, transpose_lhs_hint = false} : vector<64x128xf32>, vector<128x128xf32>, vector<64x128xf32> -> vector<64x128xf32>
    %swap3A_439 = arith.constant 1984 : index
    %swap3A_440 = arith.constant 0 : index
    %swap3A_441 = vector.load %arg4[%swap3A_439, %swap3A_440] : memref<8192x128xf32, #tpu.memory_space<vmem>>, vector<64x128xf32>
    tpu.vector_store %arg4[%swap3A_439, %swap3A_440], %dot_general3A_438 {strides = array<i32>} : memref<8192x128xf32, #tpu.memory_space<vmem>>, vector<64x128xf32>,
    %reduce_max3A_442 = arith.constant dense<0xFF800000> : vector<64xf32>
    %reduce_max3A_443 = vector.multi_reduction <maximumf>, %dot_general3A_438, %reduce_max3A_442 [1] : vector<64x128xf32> to vector<64xf32>
    %broadcast_in_dim3A_444 = vector.shape_cast %reduce_max3A_443 : vector<64xf32> to vector<64x1xf32>
    %get3A_445 = arith.constant 0 : index
    %get3A_446 = arith.constant 0 : index
    %get3A_447 = vector.load %arg7[%get3A_445, %get3A_446] : memref<64x128xf32, #tpu.memory_space<vmem>>, vector<64x128xf32>
    %get3A_448 = arith.constant 4096 : index
    %get3A_449 = arith.constant 0 : index
    %get3A_450 = vector.load %arg3[%get3A_448, %get3A_449] : memref<16384x128xf32, #tpu.memory_space<vmem>>, vector<128x128xf32>
    %dot_general3A_451 = arith.constant dense<0.000000e+00> : vector<64x128xf32>
    %dot_general3A_452 = tpu.matmul %get3A_447, %get3A_450, %dot_general3A_451 {dimension_numbers = #tpu.dot_dimension_numbers<[1], [1], [0], [0], [0, 0, 1, 0], [], []>, transpose_lhs_hint = false} : vector<64x128xf32>, vector<128x128xf32>, vector<64x128xf32> -> vector<64x128xf32>
    %swap3A_453 = arith.constant 2048 : index
    %swap3A_454 = arith.constant 0 : index
    %swap3A_455 = vector.load %arg4[%swap3A_453, %swap3A_454] : memref<8192x128xf32, #tpu.memory_space<vmem>>, vector<64x128xf32>
    tpu.vector_store %arg4[%swap3A_453, %swap3A_454], %dot_general3A_452 {strides = array<i32>} : memref<8192x128xf32, #tpu.memory_space<vmem>>, vector<64x128xf32>,
    %reduce_max3A_456 = arith.constant dense<0xFF800000> : vector<64xf32>
    %reduce_max3A_457 = vector.multi_reduction <maximumf>, %dot_general3A_452, %reduce_max3A_456 [1] : vector<64x128xf32> to vector<64xf32>
    %broadcast_in_dim3A_458 = vector.shape_cast %reduce_max3A_457 : vector<64xf32> to vector<64x1xf32>
    %get3A_459 = arith.constant 0 : index
    %get3A_460 = arith.constant 0 : index
    %get3A_461 = vector.load %arg7[%get3A_459, %get3A_460] : memref<64x128xf32, #tpu.memory_space<vmem>>, vector<64x128xf32>
    %get3A_462 = arith.constant 4224 : index
    %get3A_463 = arith.constant 0 : index
    %get3A_464 = vector.load %arg3[%get3A_462, %get3A_463] : memref<16384x128xf32, #tpu.memory_space<vmem>>, vector<128x128xf32>
    %dot_general3A_465 = arith.constant dense<0.000000e+00> : vector<64x128xf32>
    %dot_general3A_466 = tpu.matmul %get3A_461, %get3A_464, %dot_general3A_465 {dimension_numbers = #tpu.dot_dimension_numbers<[1], [1], [0], [0], [0, 0, 1, 0], [], []>, transpose_lhs_hint = false} : vector<64x128xf32>, vector<128x128xf32>, vector<64x128xf32> -> vector<64x128xf32>
    %swap3A_467 = arith.constant 2112 : index
    %swap3A_468 = arith.constant 0 : index
    %swap3A_469 = vector.load %arg4[%swap3A_467, %swap3A_468] : memref<8192x128xf32, #tpu.memory_space<vmem>>, vector<64x128xf32>
    tpu.vector_store %arg4[%swap3A_467, %swap3A_468], %dot_general3A_466 {strides = array<i32>} : memref<8192x128xf32, #tpu.memory_space<vmem>>, vector<64x128xf32>,
    %reduce_max3A_470 = arith.constant dense<0xFF800000> : vector<64xf32>
    %reduce_max3A_471 = vector.multi_reduction <maximumf>, %dot_general3A_466, %reduce_max3A_470 [1] : vector<64x128xf32> to vector<64xf32>
    %broadcast_in_dim3A_472 = vector.shape_cast %reduce_max3A_471 : vector<64xf32> to vector<64x1xf32>
    %get3A_473 = arith.constant 0 : index
    %get3A_474 = arith.constant 0 : index
    %get3A_475 = vector.load %arg7[%get3A_473, %get3A_474] : memref<64x128xf32, #tpu.memory_space<vmem>>, vector<64x128xf32>
    %get3A_476 = arith.constant 4352 : index
    %get3A_477 = arith.constant 0 : index
    %get3A_478 = vector.load %arg3[%get3A_476, %get3A_477] : memref<16384x128xf32, #tpu.memory_space<vmem>>, vector<128x128xf32>
    %dot_general3A_479 = arith.constant dense<0.000000e+00> : vector<64x128xf32>
    %dot_general3A_480 = tpu.matmul %get3A_475, %get3A_478, %dot_general3A_479 {dimension_numbers = #tpu.dot_dimension_numbers<[1], [1], [0], [0], [0, 0, 1, 0], [], []>, transpose_lhs_hint = false} : vector<64x128xf32>, vector<128x128xf32>, vector<64x128xf32> -> vector<64x128xf32>
    %swap3A_481 = arith.constant 2176 : index
    %swap3A_482 = arith.constant 0 : index
    %swap3A_483 = vector.load %arg4[%swap3A_481, %swap3A_482] : memref<8192x128xf32, #tpu.memory_space<vmem>>, vector<64x128xf32>
    tpu.vector_store %arg4[%swap3A_481, %swap3A_482], %dot_general3A_480 {strides = array<i32>} : memref<8192x128xf32, #tpu.memory_space<vmem>>, vector<64x128xf32>,
    %reduce_max3A_484 = arith.constant dense<0xFF800000> : vector<64xf32>
    %reduce_max3A_485 = vector.multi_reduction <maximumf>, %dot_general3A_480, %reduce_max3A_484 [1] : vector<64x128xf32> to vector<64xf32>
    %broadcast_in_dim3A_486 = vector.shape_cast %reduce_max3A_485 : vector<64xf32> to vector<64x1xf32>
    %get3A_487 = arith.constant 0 : index
    %get3A_488 = arith.constant 0 : index
    %get3A_489 = vector.load %arg7[%get3A_487, %get3A_488] : memref<64x128xf32, #tpu.memory_space<vmem>>, vector<64x128xf32>
    %get3A_490 = arith.constant 4480 : index
    %get3A_491 = arith.constant 0 : index
    %get3A_492 = vector.load %arg3[%get3A_490, %get3A_491] : memref<16384x128xf32, #tpu.memory_space<vmem>>, vector<128x128xf32>
    %dot_general3A_493 = arith.constant dense<0.000000e+00> : vector<64x128xf32>
    %dot_general3A_494 = tpu.matmul %get3A_489, %get3A_492, %dot_general3A_493 {dimension_numbers = #tpu.dot_dimension_numbers<[1], [1], [0], [0], [0, 0, 1, 0], [], []>, transpose_lhs_hint = false} : vector<64x128xf32>, vector<128x128xf32>, vector<64x128xf32> -> vector<64x128xf32>
    %swap3A_495 = arith.constant 2240 : index
    %swap3A_496 = arith.constant 0 : index
    %swap3A_497 = vector.load %arg4[%swap3A_495, %swap3A_496] : memref<8192x128xf32, #tpu.memory_space<vmem>>, vector<64x128xf32>
    tpu.vector_store %arg4[%swap3A_495, %swap3A_496], %dot_general3A_494 {strides = array<i32>} : memref<8192x128xf32, #tpu.memory_space<vmem>>, vector<64x128xf32>,
    %reduce_max3A_498 = arith.constant dense<0xFF800000> : vector<64xf32>
    %reduce_max3A_499 = vector.multi_reduction <maximumf>, %dot_general3A_494, %reduce_max3A_498 [1] : vector<64x128xf32> to vector<64xf32>
    %broadcast_in_dim3A_500 = vector.shape_cast %reduce_max3A_499 : vector<64xf32> to vector<64x1xf32>
    %get3A_501 = arith.constant 0 : index
    %get3A_502 = arith.constant 0 : index
    %get3A_503 = vector.load %arg7[%get3A_501, %get3A_502] : memref<64x128xf32, #tpu.memory_space<vmem>>, vector<64x128xf32>
    %get3A_504 = arith.constant 4608 : index
    %get3A_505 = arith.constant 0 : index
    %get3A_506 = vector.load %arg3[%get3A_504, %get3A_505] : memref<16384x128xf32, #tpu.memory_space<vmem>>, vector<128x128xf32>
    %dot_general3A_507 = arith.constant dense<0.000000e+00> : vector<64x128xf32>
    %dot_general3A_508 = tpu.matmul %get3A_503, %get3A_506, %dot_general3A_507 {dimension_numbers = #tpu.dot_dimension_numbers<[1], [1], [0], [0], [0, 0, 1, 0], [], []>, transpose_lhs_hint = false} : vector<64x128xf32>, vector<128x128xf32>, vector<64x128xf32> -> vector<64x128xf32>
    %swap3A_509 = arith.constant 2304 : index
    %swap3A_510 = arith.constant 0 : index
    %swap3A_511 = vector.load %arg4[%swap3A_509, %swap3A_510] : memref<8192x128xf32, #tpu.memory_space<vmem>>, vector<64x128xf32>
    tpu.vector_store %arg4[%swap3A_509, %swap3A_510], %dot_general3A_508 {strides = array<i32>} : memref<8192x128xf32, #tpu.memory_space<vmem>>, vector<64x128xf32>,
    %reduce_max3A_512 = arith.constant dense<0xFF800000> : vector<64xf32>
    %reduce_max3A_513 = vector.multi_reduction <maximumf>, %dot_general3A_508, %reduce_max3A_512 [1] : vector<64x128xf32> to vector<64xf32>
    %broadcast_in_dim3A_514 = vector.shape_cast %reduce_max3A_513 : vector<64xf32> to vector<64x1xf32>
    %get3A_515 = arith.constant 0 : index
    %get3A_516 = arith.constant 0 : index
    %get3A_517 = vector.load %arg7[%get3A_515, %get3A_516] : memref<64x128xf32, #tpu.memory_space<vmem>>, vector<64x128xf32>
    %get3A_518 = arith.constant 4736 : index
    %get3A_519 = arith.constant 0 : index
    %get3A_520 = vector.load %arg3[%get3A_518, %get3A_519] : memref<16384x128xf32, #tpu.memory_space<vmem>>, vector<128x128xf32>
    %dot_general3A_521 = arith.constant dense<0.000000e+00> : vector<64x128xf32>
    %dot_general3A_522 = tpu.matmul %get3A_517, %get3A_520, %dot_general3A_521 {dimension_numbers = #tpu.dot_dimension_numbers<[1], [1], [0], [0], [0, 0, 1, 0], [], []>, transpose_lhs_hint = false} : vector<64x128xf32>, vector<128x128xf32>, vector<64x128xf32> -> vector<64x128xf32>
    %swap3A_523 = arith.constant 2368 : index
    %swap3A_524 = arith.constant 0 : index
    %swap3A_525 = vector.load %arg4[%swap3A_523, %swap3A_524] : memref<8192x128xf32, #tpu.memory_space<vmem>>, vector<64x128xf32>
    tpu.vector_store %arg4[%swap3A_523, %swap3A_524], %dot_general3A_522 {strides = array<i32>} : memref<8192x128xf32, #tpu.memory_space<vmem>>, vector<64x128xf32>,
    %reduce_max3A_526 = arith.constant dense<0xFF800000> : vector<64xf32>
    %reduce_max3A_527 = vector.multi_reduction <maximumf>, %dot_general3A_522, %reduce_max3A_526 [1] : vector<64x128xf32> to vector<64xf32>
    %broadcast_in_dim3A_528 = vector.shape_cast %reduce_max3A_527 : vector<64xf32> to vector<64x1xf32>
    %get3A_529 = arith.constant 0 : index
    %get3A_530 = arith.constant 0 : index
    %get3A_531 = vector.load %arg7[%get3A_529, %get3A_530] : memref<64x128xf32, #tpu.memory_space<vmem>>, vector<64x128xf32>
    %get3A_532 = arith.constant 4864 : index
    %get3A_533 = arith.constant 0 : index
    %get3A_534 = vector.load %arg3[%get3A_532, %get3A_533] : memref<16384x128xf32, #tpu.memory_space<vmem>>, vector<128x128xf32>
    %dot_general3A_535 = arith.constant dense<0.000000e+00> : vector<64x128xf32>
    %dot_general3A_536 = tpu.matmul %get3A_531, %get3A_534, %dot_general3A_535 {dimension_numbers = #tpu.dot_dimension_numbers<[1], [1], [0], [0], [0, 0, 1, 0], [], []>, transpose_lhs_hint = false} : vector<64x128xf32>, vector<128x128xf32>, vector<64x128xf32> -> vector<64x128xf32>
    %swap3A_537 = arith.constant 2432 : index
    %swap3A_538 = arith.constant 0 : index
    %swap3A_539 = vector.load %arg4[%swap3A_537, %swap3A_538] : memref<8192x128xf32, #tpu.memory_space<vmem>>, vector<64x128xf32>
    tpu.vector_store %arg4[%swap3A_537, %swap3A_538], %dot_general3A_536 {strides = array<i32>} : memref<8192x128xf32, #tpu.memory_space<vmem>>, vector<64x128xf32>,
    %reduce_max3A_540 = arith.constant dense<0xFF800000> : vector<64xf32>
    %reduce_max3A_541 = vector.multi_reduction <maximumf>, %dot_general3A_536, %reduce_max3A_540 [1] : vector<64x128xf32> to vector<64xf32>
    %broadcast_in_dim3A_542 = vector.shape_cast %reduce_max3A_541 : vector<64xf32> to vector<64x1xf32>
    %get3A_543 = arith.constant 0 : index
    %get3A_544 = arith.constant 0 : index
    %get3A_545 = vector.load %arg7[%get3A_543, %get3A_544] : memref<64x128xf32, #tpu.memory_space<vmem>>, vector<64x128xf32>
    %get3A_546 = arith.constant 4992 : index
    %get3A_547 = arith.constant 0 : index
    %get3A_548 = vector.load %arg3[%get3A_546, %get3A_547] : memref<16384x128xf32, #tpu.memory_space<vmem>>, vector<128x128xf32>
    %dot_general3A_549 = arith.constant dense<0.000000e+00> : vector<64x128xf32>
    %dot_general3A_550 = tpu.matmul %get3A_545, %get3A_548, %dot_general3A_549 {dimension_numbers = #tpu.dot_dimension_numbers<[1], [1], [0], [0], [0, 0, 1, 0], [], []>, transpose_lhs_hint = false} : vector<64x128xf32>, vector<128x128xf32>, vector<64x128xf32> -> vector<64x128xf32>
    %swap3A_551 = arith.constant 2496 : index
    %swap3A_552 = arith.constant 0 : index
    %swap3A_553 = vector.load %arg4[%swap3A_551, %swap3A_552] : memref<8192x128xf32, #tpu.memory_space<vmem>>, vector<64x128xf32>
    tpu.vector_store %arg4[%swap3A_551, %swap3A_552], %dot_general3A_550 {strides = array<i32>} : memref<8192x128xf32, #tpu.memory_space<vmem>>, vector<64x128xf32>,
    %reduce_max3A_554 = arith.constant dense<0xFF800000> : vector<64xf32>
    %reduce_max3A_555 = vector.multi_reduction <maximumf>, %dot_general3A_550, %reduce_max3A_554 [1] : vector<64x128xf32> to vector<64xf32>
    %broadcast_in_dim3A_556 = vector.shape_cast %reduce_max3A_555 : vector<64xf32> to vector<64x1xf32>
    %get3A_557 = arith.constant 0 : index
    %get3A_558 = arith.constant 0 : index
    %get3A_559 = vector.load %arg7[%get3A_557, %get3A_558] : memref<64x128xf32, #tpu.memory_space<vmem>>, vector<64x128xf32>
    %get3A_560 = arith.constant 5120 : index
    %get3A_561 = arith.constant 0 : index
    %get3A_562 = vector.load %arg3[%get3A_560, %get3A_561] : memref<16384x128xf32, #tpu.memory_space<vmem>>, vector<128x128xf32>
    %dot_general3A_563 = arith.constant dense<0.000000e+00> : vector<64x128xf32>
    %dot_general3A_564 = tpu.matmul %get3A_559, %get3A_562, %dot_general3A_563 {dimension_numbers = #tpu.dot_dimension_numbers<[1], [1], [0], [0], [0, 0, 1, 0], [], []>, transpose_lhs_hint = false} : vector<64x128xf32>, vector<128x128xf32>, vector<64x128xf32> -> vector<64x128xf32>
    %swap3A_565 = arith.constant 2560 : index
    %swap3A_566 = arith.constant 0 : index
    %swap3A_567 = vector.load %arg4[%swap3A_565, %swap3A_566] : memref<8192x128xf32, #tpu.memory_space<vmem>>, vector<64x128xf32>
    tpu.vector_store %arg4[%swap3A_565, %swap3A_566], %dot_general3A_564 {strides = array<i32>} : memref<8192x128xf32, #tpu.memory_space<vmem>>, vector<64x128xf32>,
    %reduce_max3A_568 = arith.constant dense<0xFF800000> : vector<64xf32>
    %reduce_max3A_569 = vector.multi_reduction <maximumf>, %dot_general3A_564, %reduce_max3A_568 [1] : vector<64x128xf32> to vector<64xf32>
    %broadcast_in_dim3A_570 = vector.shape_cast %reduce_max3A_569 : vector<64xf32> to vector<64x1xf32>
    %get3A_571 = arith.constant 0 : index
    %get3A_572 = arith.constant 0 : index
    %get3A_573 = vector.load %arg7[%get3A_571, %get3A_572] : memref<64x128xf32, #tpu.memory_space<vmem>>, vector<64x128xf32>
    %get3A_574 = arith.constant 5248 : index
    %get3A_575 = arith.constant 0 : index
    %get3A_576 = vector.load %arg3[%get3A_574, %get3A_575] : memref<16384x128xf32, #tpu.memory_space<vmem>>, vector<128x128xf32>
    %dot_general3A_577 = arith.constant dense<0.000000e+00> : vector<64x128xf32>
    %dot_general3A_578 = tpu.matmul %get3A_573, %get3A_576, %dot_general3A_577 {dimension_numbers = #tpu.dot_dimension_numbers<[1], [1], [0], [0], [0, 0, 1, 0], [], []>, transpose_lhs_hint = false} : vector<64x128xf32>, vector<128x128xf32>, vector<64x128xf32> -> vector<64x128xf32>
    %swap3A_579 = arith.constant 2624 : index
    %swap3A_580 = arith.constant 0 : index
    %swap3A_581 = vector.load %arg4[%swap3A_579, %swap3A_580] : memref<8192x128xf32, #tpu.memory_space<vmem>>, vector<64x128xf32>
    tpu.vector_store %arg4[%swap3A_579, %swap3A_580], %dot_general3A_578 {strides = array<i32>} : memref<8192x128xf32, #tpu.memory_space<vmem>>, vector<64x128xf32>,
    %reduce_max3A_582 = arith.constant dense<0xFF800000> : vector<64xf32>
    %reduce_max3A_583 = vector.multi_reduction <maximumf>, %dot_general3A_578, %reduce_max3A_582 [1] : vector<64x128xf32> to vector<64xf32>
    %broadcast_in_dim3A_584 = vector.shape_cast %reduce_max3A_583 : vector<64xf32> to vector<64x1xf32>
    %get3A_585 = arith.constant 0 : index
    %get3A_586 = arith.constant 0 : index
    %get3A_587 = vector.load %arg7[%get3A_585, %get3A_586] : memref<64x128xf32, #tpu.memory_space<vmem>>, vector<64x128xf32>
    %get3A_588 = arith.constant 5376 : index
    %get3A_589 = arith.constant 0 : index
    %get3A_590 = vector.load %arg3[%get3A_588, %get3A_589] : memref<16384x128xf32, #tpu.memory_space<vmem>>, vector<128x128xf32>
    %dot_general3A_591 = arith.constant dense<0.000000e+00> : vector<64x128xf32>
    %dot_general3A_592 = tpu.matmul %get3A_587, %get3A_590, %dot_general3A_591 {dimension_numbers = #tpu.dot_dimension_numbers<[1], [1], [0], [0], [0, 0, 1, 0], [], []>, transpose_lhs_hint = false} : vector<64x128xf32>, vector<128x128xf32>, vector<64x128xf32> -> vector<64x128xf32>
    %swap3A_593 = arith.constant 2688 : index
    %swap3A_594 = arith.constant 0 : index
    %swap3A_595 = vector.load %arg4[%swap3A_593, %swap3A_594] : memref<8192x128xf32, #tpu.memory_space<vmem>>, vector<64x128xf32>
    tpu.vector_store %arg4[%swap3A_593, %swap3A_594], %dot_general3A_592 {strides = array<i32>} : memref<8192x128xf32, #tpu.memory_space<vmem>>, vector<64x128xf32>,
    %reduce_max3A_596 = arith.constant dense<0xFF800000> : vector<64xf32>
    %reduce_max3A_597 = vector.multi_reduction <maximumf>, %dot_general3A_592, %reduce_max3A_596 [1] : vector<64x128xf32> to vector<64xf32>
    %broadcast_in_dim3A_598 = vector.shape_cast %reduce_max3A_597 : vector<64xf32> to vector<64x1xf32>
    %get3A_599 = arith.constant 0 : index
    %get3A_600 = arith.constant 0 : index
    %get3A_601 = vector.load %arg7[%get3A_599, %get3A_600] : memref<64x128xf32, #tpu.memory_space<vmem>>, vector<64x128xf32>
    %get3A_602 = arith.constant 5504 : index
    %get3A_603 = arith.constant 0 : index
    %get3A_604 = vector.load %arg3[%get3A_602, %get3A_603] : memref<16384x128xf32, #tpu.memory_space<vmem>>, vector<128x128xf32>
    %dot_general3A_605 = arith.constant dense<0.000000e+00> : vector<64x128xf32>
    %dot_general3A_606 = tpu.matmul %get3A_601, %get3A_604, %dot_general3A_605 {dimension_numbers = #tpu.dot_dimension_numbers<[1], [1], [0], [0], [0, 0, 1, 0], [], []>, transpose_lhs_hint = false} : vector<64x128xf32>, vector<128x128xf32>, vector<64x128xf32> -> vector<64x128xf32>
    %swap3A_607 = arith.constant 2752 : index
    %swap3A_608 = arith.constant 0 : index
    %swap3A_609 = vector.load %arg4[%swap3A_607, %swap3A_608] : memref<8192x128xf32, #tpu.memory_space<vmem>>, vector<64x128xf32>
    tpu.vector_store %arg4[%swap3A_607, %swap3A_608], %dot_general3A_606 {strides = array<i32>} : memref<8192x128xf32, #tpu.memory_space<vmem>>, vector<64x128xf32>,
    %reduce_max3A_610 = arith.constant dense<0xFF800000> : vector<64xf32>
    %reduce_max3A_611 = vector.multi_reduction <maximumf>, %dot_general3A_606, %reduce_max3A_610 [1] : vector<64x128xf32> to vector<64xf32>
    %broadcast_in_dim3A_612 = vector.shape_cast %reduce_max3A_611 : vector<64xf32> to vector<64x1xf32>
    %get3A_613 = arith.constant 0 : index
    %get3A_614 = arith.constant 0 : index
    %get3A_615 = vector.load %arg7[%get3A_613, %get3A_614] : memref<64x128xf32, #tpu.memory_space<vmem>>, vector<64x128xf32>
    %get3A_616 = arith.constant 5632 : index
    %get3A_617 = arith.constant 0 : index
    %get3A_618 = vector.load %arg3[%get3A_616, %get3A_617] : memref<16384x128xf32, #tpu.memory_space<vmem>>, vector<128x128xf32>
    %dot_general3A_619 = arith.constant dense<0.000000e+00> : vector<64x128xf32>
    %dot_general3A_620 = tpu.matmul %get3A_615, %get3A_618, %dot_general3A_619 {dimension_numbers = #tpu.dot_dimension_numbers<[1], [1], [0], [0], [0, 0, 1, 0], [], []>, transpose_lhs_hint = false} : vector<64x128xf32>, vector<128x128xf32>, vector<64x128xf32> -> vector<64x128xf32>
    %swap3A_621 = arith.constant 2816 : index
    %swap3A_622 = arith.constant 0 : index
    %swap3A_623 = vector.load %arg4[%swap3A_621, %swap3A_622] : memref<8192x128xf32, #tpu.memory_space<vmem>>, vector<64x128xf32>
    tpu.vector_store %arg4[%swap3A_621, %swap3A_622], %dot_general3A_620 {strides = array<i32>} : memref<8192x128xf32, #tpu.memory_space<vmem>>, vector<64x128xf32>,
    %reduce_max3A_624 = arith.constant dense<0xFF800000> : vector<64xf32>
    %reduce_max3A_625 = vector.multi_reduction <maximumf>, %dot_general3A_620, %reduce_max3A_624 [1] : vector<64x128xf32> to vector<64xf32>
    %broadcast_in_dim3A_626 = vector.shape_cast %reduce_max3A_625 : vector<64xf32> to vector<64x1xf32>
    %get3A_627 = arith.constant 0 : index
    %get3A_628 = arith.constant 0 : index
    %get3A_629 = vector.load %arg7[%get3A_627, %get3A_628] : memref<64x128xf32, #tpu.memory_space<vmem>>, vector<64x128xf32>
    %get3A_630 = arith.constant 5760 : index
    %get3A_631 = arith.constant 0 : index
    %get3A_632 = vector.load %arg3[%get3A_630, %get3A_631] : memref<16384x128xf32, #tpu.memory_space<vmem>>, vector<128x128xf32>
    %dot_general3A_633 = arith.constant dense<0.000000e+00> : vector<64x128xf32>
    %dot_general3A_634 = tpu.matmul %get3A_629, %get3A_632, %dot_general3A_633 {dimension_numbers = #tpu.dot_dimension_numbers<[1], [1], [0], [0], [0, 0, 1, 0], [], []>, transpose_lhs_hint = false} : vector<64x128xf32>, vector<128x128xf32>, vector<64x128xf32> -> vector<64x128xf32>
    %swap3A_635 = arith.constant 2880 : index
    %swap3A_636 = arith.constant 0 : index
    %swap3A_637 = vector.load %arg4[%swap3A_635, %swap3A_636] : memref<8192x128xf32, #tpu.memory_space<vmem>>, vector<64x128xf32>
    tpu.vector_store %arg4[%swap3A_635, %swap3A_636], %dot_general3A_634 {strides = array<i32>} : memref<8192x128xf32, #tpu.memory_space<vmem>>, vector<64x128xf32>,
    %reduce_max3A_638 = arith.constant dense<0xFF800000> : vector<64xf32>
    %reduce_max3A_639 = vector.multi_reduction <maximumf>, %dot_general3A_634, %reduce_max3A_638 [1] : vector<64x128xf32> to vector<64xf32>
    %broadcast_in_dim3A_640 = vector.shape_cast %reduce_max3A_639 : vector<64xf32> to vector<64x1xf32>
    %get3A_641 = arith.constant 0 : index
    %get3A_642 = arith.constant 0 : index
    %get3A_643 = vector.load %arg7[%get3A_641, %get3A_642] : memref<64x128xf32, #tpu.memory_space<vmem>>, vector<64x128xf32>
    %get3A_644 = arith.constant 5888 : index
    %get3A_645 = arith.constant 0 : index
    %get3A_646 = vector.load %arg3[%get3A_644, %get3A_645] : memref<16384x128xf32, #tpu.memory_space<vmem>>, vector<128x128xf32>
    %dot_general3A_647 = arith.constant dense<0.000000e+00> : vector<64x128xf32>
    %dot_general3A_648 = tpu.matmul %get3A_643, %get3A_646, %dot_general3A_647 {dimension_numbers = #tpu.dot_dimension_numbers<[1], [1], [0], [0], [0, 0, 1, 0], [], []>, transpose_lhs_hint = false} : vector<64x128xf32>, vector<128x128xf32>, vector<64x128xf32> -> vector<64x128xf32>
    %swap3A_649 = arith.constant 2944 : index
    %swap3A_650 = arith.constant 0 : index
    %swap3A_651 = vector.load %arg4[%swap3A_649, %swap3A_650] : memref<8192x128xf32, #tpu.memory_space<vmem>>, vector<64x128xf32>
    tpu.vector_store %arg4[%swap3A_649, %swap3A_650], %dot_general3A_648 {strides = array<i32>} : memref<8192x128xf32, #tpu.memory_space<vmem>>, vector<64x128xf32>,
    %reduce_max3A_652 = arith.constant dense<0xFF800000> : vector<64xf32>
    %reduce_max3A_653 = vector.multi_reduction <maximumf>, %dot_general3A_648, %reduce_max3A_652 [1] : vector<64x128xf32> to vector<64xf32>
    %broadcast_in_dim3A_654 = vector.shape_cast %reduce_max3A_653 : vector<64xf32> to vector<64x1xf32>
    %get3A_655 = arith.constant 0 : index
    %get3A_656 = arith.constant 0 : index
    %get3A_657 = vector.load %arg7[%get3A_655, %get3A_656] : memref<64x128xf32, #tpu.memory_space<vmem>>, vector<64x128xf32>
    %get3A_658 = arith.constant 6016 : index
    %get3A_659 = arith.constant 0 : index
    %get3A_660 = vector.load %arg3[%get3A_658, %get3A_659] : memref<16384x128xf32, #tpu.memory_space<vmem>>, vector<128x128xf32>
    %dot_general3A_661 = arith.constant dense<0.000000e+00> : vector<64x128xf32>
    %dot_general3A_662 = tpu.matmul %get3A_657, %get3A_660, %dot_general3A_661 {dimension_numbers = #tpu.dot_dimension_numbers<[1], [1], [0], [0], [0, 0, 1, 0], [], []>, transpose_lhs_hint = false} : vector<64x128xf32>, vector<128x128xf32>, vector<64x128xf32> -> vector<64x128xf32>
    %swap3A_663 = arith.constant 3008 : index
    %swap3A_664 = arith.constant 0 : index
    %swap3A_665 = vector.load %arg4[%swap3A_663, %swap3A_664] : memref<8192x128xf32, #tpu.memory_space<vmem>>, vector<64x128xf32>
    tpu.vector_store %arg4[%swap3A_663, %swap3A_664], %dot_general3A_662 {strides = array<i32>} : memref<8192x128xf32, #tpu.memory_space<vmem>>, vector<64x128xf32>,
    %reduce_max3A_666 = arith.constant dense<0xFF800000> : vector<64xf32>
    %reduce_max3A_667 = vector.multi_reduction <maximumf>, %dot_general3A_662, %reduce_max3A_666 [1] : vector<64x128xf32> to vector<64xf32>
    %broadcast_in_dim3A_668 = vector.shape_cast %reduce_max3A_667 : vector<64xf32> to vector<64x1xf32>
    %get3A_669 = arith.constant 0 : index
    %get3A_670 = arith.constant 0 : index
    %get3A_671 = vector.load %arg7[%get3A_669, %get3A_670] : memref<64x128xf32, #tpu.memory_space<vmem>>, vector<64x128xf32>
    %get3A_672 = arith.constant 6144 : index
    %get3A_673 = arith.constant 0 : index
    %get3A_674 = vector.load %arg3[%get3A_672, %get3A_673] : memref<16384x128xf32, #tpu.memory_space<vmem>>, vector<128x128xf32>
    %dot_general3A_675 = arith.constant dense<0.000000e+00> : vector<64x128xf32>
    %dot_general3A_676 = tpu.matmul %get3A_671, %get3A_674, %dot_general3A_675 {dimension_numbers = #tpu.dot_dimension_numbers<[1], [1], [0], [0], [0, 0, 1, 0], [], []>, transpose_lhs_hint = false} : vector<64x128xf32>, vector<128x128xf32>, vector<64x128xf32> -> vector<64x128xf32>
    %swap3A_677 = arith.constant 3072 : index
    %swap3A_678 = arith.constant 0 : index
    %swap3A_679 = vector.load %arg4[%swap3A_677, %swap3A_678] : memref<8192x128xf32, #tpu.memory_space<vmem>>, vector<64x128xf32>
    tpu.vector_store %arg4[%swap3A_677, %swap3A_678], %dot_general3A_676 {strides = array<i32>} : memref<8192x128xf32, #tpu.memory_space<vmem>>, vector<64x128xf32>,
    %reduce_max3A_680 = arith.constant dense<0xFF800000> : vector<64xf32>
    %reduce_max3A_681 = vector.multi_reduction <maximumf>, %dot_general3A_676, %reduce_max3A_680 [1] : vector<64x128xf32> to vector<64xf32>
    %broadcast_in_dim3A_682 = vector.shape_cast %reduce_max3A_681 : vector<64xf32> to vector<64x1xf32>
    %get3A_683 = arith.constant 0 : index
    %get3A_684 = arith.constant 0 : index
    %get3A_685 = vector.load %arg7[%get3A_683, %get3A_684] : memref<64x128xf32, #tpu.memory_space<vmem>>, vector<64x128xf32>
    %get3A_686 = arith.constant 6272 : index
    %get3A_687 = arith.constant 0 : index
    %get3A_688 = vector.load %arg3[%get3A_686, %get3A_687] : memref<16384x128xf32, #tpu.memory_space<vmem>>, vector<128x128xf32>
    %dot_general3A_689 = arith.constant dense<0.000000e+00> : vector<64x128xf32>
    %dot_general3A_690 = tpu.matmul %get3A_685, %get3A_688, %dot_general3A_689 {dimension_numbers = #tpu.dot_dimension_numbers<[1], [1], [0], [0], [0, 0, 1, 0], [], []>, transpose_lhs_hint = false} : vector<64x128xf32>, vector<128x128xf32>, vector<64x128xf32> -> vector<64x128xf32>
    %swap3A_691 = arith.constant 3136 : index
    %swap3A_692 = arith.constant 0 : index
    %swap3A_693 = vector.load %arg4[%swap3A_691, %swap3A_692] : memref<8192x128xf32, #tpu.memory_space<vmem>>, vector<64x128xf32>
    tpu.vector_store %arg4[%swap3A_691, %swap3A_692], %dot_general3A_690 {strides = array<i32>} : memref<8192x128xf32, #tpu.memory_space<vmem>>, vector<64x128xf32>,
    %reduce_max3A_694 = arith.constant dense<0xFF800000> : vector<64xf32>
    %reduce_max3A_695 = vector.multi_reduction <maximumf>, %dot_general3A_690, %reduce_max3A_694 [1] : vector<64x128xf32> to vector<64xf32>
    %broadcast_in_dim3A_696 = vector.shape_cast %reduce_max3A_695 : vector<64xf32> to vector<64x1xf32>
    %get3A_697 = arith.constant 0 : index
    %get3A_698 = arith.constant 0 : index
    %get3A_699 = vector.load %arg7[%get3A_697, %get3A_698] : memref<64x128xf32, #tpu.memory_space<vmem>>, vector<64x128xf32>
    %get3A_700 = arith.constant 6400 : index
    %get3A_701 = arith.constant 0 : index
    %get3A_702 = vector.load %arg3[%get3A_700, %get3A_701] : memref<16384x128xf32, #tpu.memory_space<vmem>>, vector<128x128xf32>
    %dot_general3A_703 = arith.constant dense<0.000000e+00> : vector<64x128xf32>
    %dot_general3A_704 = tpu.matmul %get3A_699, %get3A_702, %dot_general3A_703 {dimension_numbers = #tpu.dot_dimension_numbers<[1], [1], [0], [0], [0, 0, 1, 0], [], []>, transpose_lhs_hint = false} : vector<64x128xf32>, vector<128x128xf32>, vector<64x128xf32> -> vector<64x128xf32>
    %swap3A_705 = arith.constant 3200 : index
    %swap3A_706 = arith.constant 0 : index
    %swap3A_707 = vector.load %arg4[%swap3A_705, %swap3A_706] : memref<8192x128xf32, #tpu.memory_space<vmem>>, vector<64x128xf32>
    tpu.vector_store %arg4[%swap3A_705, %swap3A_706], %dot_general3A_704 {strides = array<i32>} : memref<8192x128xf32, #tpu.memory_space<vmem>>, vector<64x128xf32>,
    %reduce_max3A_708 = arith.constant dense<0xFF800000> : vector<64xf32>
    %reduce_max3A_709 = vector.multi_reduction <maximumf>, %dot_general3A_704, %reduce_max3A_708 [1] : vector<64x128xf32> to vector<64xf32>
    %broadcast_in_dim3A_710 = vector.shape_cast %reduce_max3A_709 : vector<64xf32> to vector<64x1xf32>
    %get3A_711 = arith.constant 0 : index
    %get3A_712 = arith.constant 0 : index
    %get3A_713 = vector.load %arg7[%get3A_711, %get3A_712] : memref<64x128xf32, #tpu.memory_space<vmem>>, vector<64x128xf32>
    %get3A_714 = arith.constant 6528 : index
    %get3A_715 = arith.constant 0 : index
    %get3A_716 = vector.load %arg3[%get3A_714, %get3A_715] : memref<16384x128xf32, #tpu.memory_space<vmem>>, vector<128x128xf32>
    %dot_general3A_717 = arith.constant dense<0.000000e+00> : vector<64x128xf32>
    %dot_general3A_718 = tpu.matmul %get3A_713, %get3A_716, %dot_general3A_717 {dimension_numbers = #tpu.dot_dimension_numbers<[1], [1], [0], [0], [0, 0, 1, 0], [], []>, transpose_lhs_hint = false} : vector<64x128xf32>, vector<128x128xf32>, vector<64x128xf32> -> vector<64x128xf32>
    %swap3A_719 = arith.constant 3264 : index
    %swap3A_720 = arith.constant 0 : index
    %swap3A_721 = vector.load %arg4[%swap3A_719, %swap3A_720] : memref<8192x128xf32, #tpu.memory_space<vmem>>, vector<64x128xf32>
    tpu.vector_store %arg4[%swap3A_719, %swap3A_720], %dot_general3A_718 {strides = array<i32>} : memref<8192x128xf32, #tpu.memory_space<vmem>>, vector<64x128xf32>,
    %reduce_max3A_722 = arith.constant dense<0xFF800000> : vector<64xf32>
    %reduce_max3A_723 = vector.multi_reduction <maximumf>, %dot_general3A_718, %reduce_max3A_722 [1] : vector<64x128xf32> to vector<64xf32>
    %broadcast_in_dim3A_724 = vector.shape_cast %reduce_max3A_723 : vector<64xf32> to vector<64x1xf32>
    %get3A_725 = arith.constant 0 : index
    %get3A_726 = arith.constant 0 : index
    %get3A_727 = vector.load %arg7[%get3A_725, %get3A_726] : memref<64x128xf32, #tpu.memory_space<vmem>>, vector<64x128xf32>
    %get3A_728 = arith.constant 6656 : index
    %get3A_729 = arith.constant 0 : index
    %get3A_730 = vector.load %arg3[%get3A_728, %get3A_729] : memref<16384x128xf32, #tpu.memory_space<vmem>>, vector<128x128xf32>
    %dot_general3A_731 = arith.constant dense<0.000000e+00> : vector<64x128xf32>
    %dot_general3A_732 = tpu.matmul %get3A_727, %get3A_730, %dot_general3A_731 {dimension_numbers = #tpu.dot_dimension_numbers<[1], [1], [0], [0], [0, 0, 1, 0], [], []>, transpose_lhs_hint = false} : vector<64x128xf32>, vector<128x128xf32>, vector<64x128xf32> -> vector<64x128xf32>
    %swap3A_733 = arith.constant 3328 : index
    %swap3A_734 = arith.constant 0 : index
    %swap3A_735 = vector.load %arg4[%swap3A_733, %swap3A_734] : memref<8192x128xf32, #tpu.memory_space<vmem>>, vector<64x128xf32>
    tpu.vector_store %arg4[%swap3A_733, %swap3A_734], %dot_general3A_732 {strides = array<i32>} : memref<8192x128xf32, #tpu.memory_space<vmem>>, vector<64x128xf32>,
    %reduce_max3A_736 = arith.constant dense<0xFF800000> : vector<64xf32>
    %reduce_max3A_737 = vector.multi_reduction <maximumf>, %dot_general3A_732, %reduce_max3A_736 [1] : vector<64x128xf32> to vector<64xf32>
    %broadcast_in_dim3A_738 = vector.shape_cast %reduce_max3A_737 : vector<64xf32> to vector<64x1xf32>
    %get3A_739 = arith.constant 0 : index
    %get3A_740 = arith.constant 0 : index
    %get3A_741 = vector.load %arg7[%get3A_739, %get3A_740] : memref<64x128xf32, #tpu.memory_space<vmem>>, vector<64x128xf32>
    %get3A_742 = arith.constant 6784 : index
    %get3A_743 = arith.constant 0 : index
    %get3A_744 = vector.load %arg3[%get3A_742, %get3A_743] : memref<16384x128xf32, #tpu.memory_space<vmem>>, vector<128x128xf32>
    %dot_general3A_745 = arith.constant dense<0.000000e+00> : vector<64x128xf32>
    %dot_general3A_746 = tpu.matmul %get3A_741, %get3A_744, %dot_general3A_745 {dimension_numbers = #tpu.dot_dimension_numbers<[1], [1], [0], [0], [0, 0, 1, 0], [], []>, transpose_lhs_hint = false} : vector<64x128xf32>, vector<128x128xf32>, vector<64x128xf32> -> vector<64x128xf32>
    %swap3A_747 = arith.constant 3392 : index
    %swap3A_748 = arith.constant 0 : index
    %swap3A_749 = vector.load %arg4[%swap3A_747, %swap3A_748] : memref<8192x128xf32, #tpu.memory_space<vmem>>, vector<64x128xf32>
    tpu.vector_store %arg4[%swap3A_747, %swap3A_748], %dot_general3A_746 {strides = array<i32>} : memref<8192x128xf32, #tpu.memory_space<vmem>>, vector<64x128xf32>,
    %reduce_max3A_750 = arith.constant dense<0xFF800000> : vector<64xf32>
    %reduce_max3A_751 = vector.multi_reduction <maximumf>, %dot_general3A_746, %reduce_max3A_750 [1] : vector<64x128xf32> to vector<64xf32>
    %broadcast_in_dim3A_752 = vector.shape_cast %reduce_max3A_751 : vector<64xf32> to vector<64x1xf32>
    %get3A_753 = arith.constant 0 : index
    %get3A_754 = arith.constant 0 : index
    %get3A_755 = vector.load %arg7[%get3A_753, %get3A_754] : memref<64x128xf32, #tpu.memory_space<vmem>>, vector<64x128xf32>
    %get3A_756 = arith.constant 6912 : index
    %get3A_757 = arith.constant 0 : index
    %get3A_758 = vector.load %arg3[%get3A_756, %get3A_757] : memref<16384x128xf32, #tpu.memory_space<vmem>>, vector<128x128xf32>
    %dot_general3A_759 = arith.constant dense<0.000000e+00> : vector<64x128xf32>
    %dot_general3A_760 = tpu.matmul %get3A_755, %get3A_758, %dot_general3A_759 {dimension_numbers = #tpu.dot_dimension_numbers<[1], [1], [0], [0], [0, 0, 1, 0], [], []>, transpose_lhs_hint = false} : vector<64x128xf32>, vector<128x128xf32>, vector<64x128xf32> -> vector<64x128xf32>
    %swap3A_761 = arith.constant 3456 : index
    %swap3A_762 = arith.constant 0 : index
    %swap3A_763 = vector.load %arg4[%swap3A_761, %swap3A_762] : memref<8192x128xf32, #tpu.memory_space<vmem>>, vector<64x128xf32>
    tpu.vector_store %arg4[%swap3A_761, %swap3A_762], %dot_general3A_760 {strides = array<i32>} : memref<8192x128xf32, #tpu.memory_space<vmem>>, vector<64x128xf32>,
    %reduce_max3A_764 = arith.constant dense<0xFF800000> : vector<64xf32>
    %reduce_max3A_765 = vector.multi_reduction <maximumf>, %dot_general3A_760, %reduce_max3A_764 [1] : vector<64x128xf32> to vector<64xf32>
    %broadcast_in_dim3A_766 = vector.shape_cast %reduce_max3A_765 : vector<64xf32> to vector<64x1xf32>
    %get3A_767 = arith.constant 0 : index
    %get3A_768 = arith.constant 0 : index
    %get3A_769 = vector.load %arg7[%get3A_767, %get3A_768] : memref<64x128xf32, #tpu.memory_space<vmem>>, vector<64x128xf32>
    %get3A_770 = arith.constant 7040 : index
    %get3A_771 = arith.constant 0 : index
    %get3A_772 = vector.load %arg3[%get3A_770, %get3A_771] : memref<16384x128xf32, #tpu.memory_space<vmem>>, vector<128x128xf32>
    %dot_general3A_773 = arith.constant dense<0.000000e+00> : vector<64x128xf32>
    %dot_general3A_774 = tpu.matmul %get3A_769, %get3A_772, %dot_general3A_773 {dimension_numbers = #tpu.dot_dimension_numbers<[1], [1], [0], [0], [0, 0, 1, 0], [], []>, transpose_lhs_hint = false} : vector<64x128xf32>, vector<128x128xf32>, vector<64x128xf32> -> vector<64x128xf32>
    %swap3A_775 = arith.constant 3520 : index
    %swap3A_776 = arith.constant 0 : index
    %swap3A_777 = vector.load %arg4[%swap3A_775, %swap3A_776] : memref<8192x128xf32, #tpu.memory_space<vmem>>, vector<64x128xf32>
    tpu.vector_store %arg4[%swap3A_775, %swap3A_776], %dot_general3A_774 {strides = array<i32>} : memref<8192x128xf32, #tpu.memory_space<vmem>>, vector<64x128xf32>,
    %reduce_max3A_778 = arith.constant dense<0xFF800000> : vector<64xf32>
    %reduce_max3A_779 = vector.multi_reduction <maximumf>, %dot_general3A_774, %reduce_max3A_778 [1] : vector<64x128xf32> to vector<64xf32>
    %broadcast_in_dim3A_780 = vector.shape_cast %reduce_max3A_779 : vector<64xf32> to vector<64x1xf32>
    %get3A_781 = arith.constant 0 : index
    %get3A_782 = arith.constant 0 : index
    %get3A_783 = vector.load %arg7[%get3A_781, %get3A_782] : memref<64x128xf32, #tpu.memory_space<vmem>>, vector<64x128xf32>
    %get3A_784 = arith.constant 7168 : index
    %get3A_785 = arith.constant 0 : index
    %get3A_786 = vector.load %arg3[%get3A_784, %get3A_785] : memref<16384x128xf32, #tpu.memory_space<vmem>>, vector<128x128xf32>
    %dot_general3A_787 = arith.constant dense<0.000000e+00> : vector<64x128xf32>
    %dot_general3A_788 = tpu.matmul %get3A_783, %get3A_786, %dot_general3A_787 {dimension_numbers = #tpu.dot_dimension_numbers<[1], [1], [0], [0], [0, 0, 1, 0], [], []>, transpose_lhs_hint = false} : vector<64x128xf32>, vector<128x128xf32>, vector<64x128xf32> -> vector<64x128xf32>
    %swap3A_789 = arith.constant 3584 : index
    %swap3A_790 = arith.constant 0 : index
    %swap3A_791 = vector.load %arg4[%swap3A_789, %swap3A_790] : memref<8192x128xf32, #tpu.memory_space<vmem>>, vector<64x128xf32>
    tpu.vector_store %arg4[%swap3A_789, %swap3A_790], %dot_general3A_788 {strides = array<i32>} : memref<8192x128xf32, #tpu.memory_space<vmem>>, vector<64x128xf32>,
    %reduce_max3A_792 = arith.constant dense<0xFF800000> : vector<64xf32>
    %reduce_max3A_793 = vector.multi_reduction <maximumf>, %dot_general3A_788, %reduce_max3A_792 [1] : vector<64x128xf32> to vector<64xf32>
    %broadcast_in_dim3A_794 = vector.shape_cast %reduce_max3A_793 : vector<64xf32> to vector<64x1xf32>
    %get3A_795 = arith.constant 0 : index
    %get3A_796 = arith.constant 0 : index
    %get3A_797 = vector.load %arg7[%get3A_795, %get3A_796] : memref<64x128xf32, #tpu.memory_space<vmem>>, vector<64x128xf32>
    %get3A_798 = arith.constant 7296 : index
    %get3A_799 = arith.constant 0 : index
    %get3A_800 = vector.load %arg3[%get3A_798, %get3A_799] : memref<16384x128xf32, #tpu.memory_space<vmem>>, vector<128x128xf32>
    %dot_general3A_801 = arith.constant dense<0.000000e+00> : vector<64x128xf32>
    %dot_general3A_802 = tpu.matmul %get3A_797, %get3A_800, %dot_general3A_801 {dimension_numbers = #tpu.dot_dimension_numbers<[1], [1], [0], [0], [0, 0, 1, 0], [], []>, transpose_lhs_hint = false} : vector<64x128xf32>, vector<128x128xf32>, vector<64x128xf32> -> vector<64x128xf32>
    %swap3A_803 = arith.constant 3648 : index
    %swap3A_804 = arith.constant 0 : index
    %swap3A_805 = vector.load %arg4[%swap3A_803, %swap3A_804] : memref<8192x128xf32, #tpu.memory_space<vmem>>, vector<64x128xf32>
    tpu.vector_store %arg4[%swap3A_803, %swap3A_804], %dot_general3A_802 {strides = array<i32>} : memref<8192x128xf32, #tpu.memory_space<vmem>>, vector<64x128xf32>,
    %reduce_max3A_806 = arith.constant dense<0xFF800000> : vector<64xf32>
    %reduce_max3A_807 = vector.multi_reduction <maximumf>, %dot_general3A_802, %reduce_max3A_806 [1] : vector<64x128xf32> to vector<64xf32>
    %broadcast_in_dim3A_808 = vector.shape_cast %reduce_max3A_807 : vector<64xf32> to vector<64x1xf32>
    %get3A_809 = arith.constant 0 : index
    %get3A_810 = arith.constant 0 : index
    %get3A_811 = vector.load %arg7[%get3A_809, %get3A_810] : memref<64x128xf32, #tpu.memory_space<vmem>>, vector<64x128xf32>
    %get3A_812 = arith.constant 7424 : index
    %get3A_813 = arith.constant 0 : index
    %get3A_814 = vector.load %arg3[%get3A_812, %get3A_813] : memref<16384x128xf32, #tpu.memory_space<vmem>>, vector<128x128xf32>
    %dot_general3A_815 = arith.constant dense<0.000000e+00> : vector<64x128xf32>
    %dot_general3A_816 = tpu.matmul %get3A_811, %get3A_814, %dot_general3A_815 {dimension_numbers = #tpu.dot_dimension_numbers<[1], [1], [0], [0], [0, 0, 1, 0], [], []>, transpose_lhs_hint = false} : vector<64x128xf32>, vector<128x128xf32>, vector<64x128xf32> -> vector<64x128xf32>
    %swap3A_817 = arith.constant 3712 : index
    %swap3A_818 = arith.constant 0 : index
    %swap3A_819 = vector.load %arg4[%swap3A_817, %swap3A_818] : memref<8192x128xf32, #tpu.memory_space<vmem>>, vector<64x128xf32>
    tpu.vector_store %arg4[%swap3A_817, %swap3A_818], %dot_general3A_816 {strides = array<i32>} : memref<8192x128xf32, #tpu.memory_space<vmem>>, vector<64x128xf32>,
    %reduce_max3A_820 = arith.constant dense<0xFF800000> : vector<64xf32>
    %reduce_max3A_821 = vector.multi_reduction <maximumf>, %dot_general3A_816, %reduce_max3A_820 [1] : vector<64x128xf32> to vector<64xf32>
    %broadcast_in_dim3A_822 = vector.shape_cast %reduce_max3A_821 : vector<64xf32> to vector<64x1xf32>
    %get3A_823 = arith.constant 0 : index
    %get3A_824 = arith.constant 0 : index
    %get3A_825 = vector.load %arg7[%get3A_823, %get3A_824] : memref<64x128xf32, #tpu.memory_space<vmem>>, vector<64x128xf32>
    %get3A_826 = arith.constant 7552 : index
    %get3A_827 = arith.constant 0 : index
    %get3A_828 = vector.load %arg3[%get3A_826, %get3A_827] : memref<16384x128xf32, #tpu.memory_space<vmem>>, vector<128x128xf32>
    %dot_general3A_829 = arith.constant dense<0.000000e+00> : vector<64x128xf32>
    %dot_general3A_830 = tpu.matmul %get3A_825, %get3A_828, %dot_general3A_829 {dimension_numbers = #tpu.dot_dimension_numbers<[1], [1], [0], [0], [0, 0, 1, 0], [], []>, transpose_lhs_hint = false} : vector<64x128xf32>, vector<128x128xf32>, vector<64x128xf32> -> vector<64x128xf32>
    %swap3A_831 = arith.constant 3776 : index
    %swap3A_832 = arith.constant 0 : index
    %swap3A_833 = vector.load %arg4[%swap3A_831, %swap3A_832] : memref<8192x128xf32, #tpu.memory_space<vmem>>, vector<64x128xf32>
    tpu.vector_store %arg4[%swap3A_831, %swap3A_832], %dot_general3A_830 {strides = array<i32>} : memref<8192x128xf32, #tpu.memory_space<vmem>>, vector<64x128xf32>,
    %reduce_max3A_834 = arith.constant dense<0xFF800000> : vector<64xf32>
    %reduce_max3A_835 = vector.multi_reduction <maximumf>, %dot_general3A_830, %reduce_max3A_834 [1] : vector<64x128xf32> to vector<64xf32>
    %broadcast_in_dim3A_836 = vector.shape_cast %reduce_max3A_835 : vector<64xf32> to vector<64x1xf32>
    %get3A_837 = arith.constant 0 : index
    %get3A_838 = arith.constant 0 : index
    %get3A_839 = vector.load %arg7[%get3A_837, %get3A_838] : memref<64x128xf32, #tpu.memory_space<vmem>>, vector<64x128xf32>
    %get3A_840 = arith.constant 7680 : index
    %get3A_841 = arith.constant 0 : index
    %get3A_842 = vector.load %arg3[%get3A_840, %get3A_841] : memref<16384x128xf32, #tpu.memory_space<vmem>>, vector<128x128xf32>
    %dot_general3A_843 = arith.constant dense<0.000000e+00> : vector<64x128xf32>
    %dot_general3A_844 = tpu.matmul %get3A_839, %get3A_842, %dot_general3A_843 {dimension_numbers = #tpu.dot_dimension_numbers<[1], [1], [0], [0], [0, 0, 1, 0], [], []>, transpose_lhs_hint = false} : vector<64x128xf32>, vector<128x128xf32>, vector<64x128xf32> -> vector<64x128xf32>
    %swap3A_845 = arith.constant 3840 : index
    %swap3A_846 = arith.constant 0 : index
    %swap3A_847 = vector.load %arg4[%swap3A_845, %swap3A_846] : memref<8192x128xf32, #tpu.memory_space<vmem>>, vector<64x128xf32>
    tpu.vector_store %arg4[%swap3A_845, %swap3A_846], %dot_general3A_844 {strides = array<i32>} : memref<8192x128xf32, #tpu.memory_space<vmem>>, vector<64x128xf32>,
    %reduce_max3A_848 = arith.constant dense<0xFF800000> : vector<64xf32>
    %reduce_max3A_849 = vector.multi_reduction <maximumf>, %dot_general3A_844, %reduce_max3A_848 [1] : vector<64x128xf32> to vector<64xf32>
    %broadcast_in_dim3A_850 = vector.shape_cast %reduce_max3A_849 : vector<64xf32> to vector<64x1xf32>
    %get3A_851 = arith.constant 0 : index
    %get3A_852 = arith.constant 0 : index
    %get3A_853 = vector.load %arg7[%get3A_851, %get3A_852] : memref<64x128xf32, #tpu.memory_space<vmem>>, vector<64x128xf32>
    %get3A_854 = arith.constant 7808 : index
    %get3A_855 = arith.constant 0 : index
    %get3A_856 = vector.load %arg3[%get3A_854, %get3A_855] : memref<16384x128xf32, #tpu.memory_space<vmem>>, vector<128x128xf32>
    %dot_general3A_857 = arith.constant dense<0.000000e+00> : vector<64x128xf32>
    %dot_general3A_858 = tpu.matmul %get3A_853, %get3A_856, %dot_general3A_857 {dimension_numbers = #tpu.dot_dimension_numbers<[1], [1], [0], [0], [0, 0, 1, 0], [], []>, transpose_lhs_hint = false} : vector<64x128xf32>, vector<128x128xf32>, vector<64x128xf32> -> vector<64x128xf32>
    %swap3A_859 = arith.constant 3904 : index
    %swap3A_860 = arith.constant 0 : index
    %swap3A_861 = vector.load %arg4[%swap3A_859, %swap3A_860] : memref<8192x128xf32, #tpu.memory_space<vmem>>, vector<64x128xf32>
    tpu.vector_store %arg4[%swap3A_859, %swap3A_860], %dot_general3A_858 {strides = array<i32>} : memref<8192x128xf32, #tpu.memory_space<vmem>>, vector<64x128xf32>,
    %reduce_max3A_862 = arith.constant dense<0xFF800000> : vector<64xf32>
    %reduce_max3A_863 = vector.multi_reduction <maximumf>, %dot_general3A_858, %reduce_max3A_862 [1] : vector<64x128xf32> to vector<64xf32>
    %broadcast_in_dim3A_864 = vector.shape_cast %reduce_max3A_863 : vector<64xf32> to vector<64x1xf32>
    %get3A_865 = arith.constant 0 : index
    %get3A_866 = arith.constant 0 : index
    %get3A_867 = vector.load %arg7[%get3A_865, %get3A_866] : memref<64x128xf32, #tpu.memory_space<vmem>>, vector<64x128xf32>
    %get3A_868 = arith.constant 7936 : index
    %get3A_869 = arith.constant 0 : index
    %get3A_870 = vector.load %arg3[%get3A_868, %get3A_869] : memref<16384x128xf32, #tpu.memory_space<vmem>>, vector<128x128xf32>
    %dot_general3A_871 = arith.constant dense<0.000000e+00> : vector<64x128xf32>
    %dot_general3A_872 = tpu.matmul %get3A_867, %get3A_870, %dot_general3A_871 {dimension_numbers = #tpu.dot_dimension_numbers<[1], [1], [0], [0], [0, 0, 1, 0], [], []>, transpose_lhs_hint = false} : vector<64x128xf32>, vector<128x128xf32>, vector<64x128xf32> -> vector<64x128xf32>
    %swap3A_873 = arith.constant 3968 : index
    %swap3A_874 = arith.constant 0 : index
    %swap3A_875 = vector.load %arg4[%swap3A_873, %swap3A_874] : memref<8192x128xf32, #tpu.memory_space<vmem>>, vector<64x128xf32>
    tpu.vector_store %arg4[%swap3A_873, %swap3A_874], %dot_general3A_872 {strides = array<i32>} : memref<8192x128xf32, #tpu.memory_space<vmem>>, vector<64x128xf32>,
    %reduce_max3A_876 = arith.constant dense<0xFF800000> : vector<64xf32>
    %reduce_max3A_877 = vector.multi_reduction <maximumf>, %dot_general3A_872, %reduce_max3A_876 [1] : vector<64x128xf32> to vector<64xf32>
    %broadcast_in_dim3A_878 = vector.shape_cast %reduce_max3A_877 : vector<64xf32> to vector<64x1xf32>
    %get3A_879 = arith.constant 0 : index
    %get3A_880 = arith.constant 0 : index
    %get3A_881 = vector.load %arg7[%get3A_879, %get3A_880] : memref<64x128xf32, #tpu.memory_space<vmem>>, vector<64x128xf32>
    %get3A_882 = arith.constant 8064 : index
    %get3A_883 = arith.constant 0 : index
    %get3A_884 = vector.load %arg3[%get3A_882, %get3A_883] : memref<16384x128xf32, #tpu.memory_space<vmem>>, vector<128x128xf32>
    %dot_general3A_885 = arith.constant dense<0.000000e+00> : vector<64x128xf32>
    %dot_general3A_886 = tpu.matmul %get3A_881, %get3A_884, %dot_general3A_885 {dimension_numbers = #tpu.dot_dimension_numbers<[1], [1], [0], [0], [0, 0, 1, 0], [], []>, transpose_lhs_hint = false} : vector<64x128xf32>, vector<128x128xf32>, vector<64x128xf32> -> vector<64x128xf32>
    %swap3A_887 = arith.constant 4032 : index
    %swap3A_888 = arith.constant 0 : index
    %swap3A_889 = vector.load %arg4[%swap3A_887, %swap3A_888] : memref<8192x128xf32, #tpu.memory_space<vmem>>, vector<64x128xf32>
    tpu.vector_store %arg4[%swap3A_887, %swap3A_888], %dot_general3A_886 {strides = array<i32>} : memref<8192x128xf32, #tpu.memory_space<vmem>>, vector<64x128xf32>,
    %reduce_max3A_890 = arith.constant dense<0xFF800000> : vector<64xf32>
    %reduce_max3A_891 = vector.multi_reduction <maximumf>, %dot_general3A_886, %reduce_max3A_890 [1] : vector<64x128xf32> to vector<64xf32>
    %broadcast_in_dim3A_892 = vector.shape_cast %reduce_max3A_891 : vector<64xf32> to vector<64x1xf32>
    %get3A_893 = arith.constant 0 : index
    %get3A_894 = arith.constant 0 : index
    %get3A_895 = vector.load %arg7[%get3A_893, %get3A_894] : memref<64x128xf32, #tpu.memory_space<vmem>>, vector<64x128xf32>
    %get3A_896 = arith.constant 8192 : index
    %get3A_897 = arith.constant 0 : index
    %get3A_898 = vector.load %arg3[%get3A_896, %get3A_897] : memref<16384x128xf32, #tpu.memory_space<vmem>>, vector<128x128xf32>
    %dot_general3A_899 = arith.constant dense<0.000000e+00> : vector<64x128xf32>
    %dot_general3A_900 = tpu.matmul %get3A_895, %get3A_898, %dot_general3A_899 {dimension_numbers = #tpu.dot_dimension_numbers<[1], [1], [0], [0], [0, 0, 1, 0], [], []>, transpose_lhs_hint = false} : vector<64x128xf32>, vector<128x128xf32>, vector<64x128xf32> -> vector<64x128xf32>
    %swap3A_901 = arith.constant 4096 : index
    %swap3A_902 = arith.constant 0 : index
    %swap3A_903 = vector.load %arg4[%swap3A_901, %swap3A_902] : memref<8192x128xf32, #tpu.memory_space<vmem>>, vector<64x128xf32>
    tpu.vector_store %arg4[%swap3A_901, %swap3A_902], %dot_general3A_900 {strides = array<i32>} : memref<8192x128xf32, #tpu.memory_space<vmem>>, vector<64x128xf32>,
    %reduce_max3A_904 = arith.constant dense<0xFF800000> : vector<64xf32>
    %reduce_max3A_905 = vector.multi_reduction <maximumf>, %dot_general3A_900, %reduce_max3A_904 [1] : vector<64x128xf32> to vector<64xf32>
    %broadcast_in_dim3A_906 = vector.shape_cast %reduce_max3A_905 : vector<64xf32> to vector<64x1xf32>
    %get3A_907 = arith.constant 0 : index
    %get3A_908 = arith.constant 0 : index
    %get3A_909 = vector.load %arg7[%get3A_907, %get3A_908] : memref<64x128xf32, #tpu.memory_space<vmem>>, vector<64x128xf32>
    %get3A_910 = arith.constant 8320 : index
    %get3A_911 = arith.constant 0 : index
    %get3A_912 = vector.load %arg3[%get3A_910, %get3A_911] : memref<16384x128xf32, #tpu.memory_space<vmem>>, vector<128x128xf32>
    %dot_general3A_913 = arith.constant dense<0.000000e+00> : vector<64x128xf32>
    %dot_general3A_914 = tpu.matmul %get3A_909, %get3A_912, %dot_general3A_913 {dimension_numbers = #tpu.dot_dimension_numbers<[1], [1], [0], [0], [0, 0, 1, 0], [], []>, transpose_lhs_hint = false} : vector<64x128xf32>, vector<128x128xf32>, vector<64x128xf32> -> vector<64x128xf32>
    %swap3A_915 = arith.constant 4160 : index
    %swap3A_916 = arith.constant 0 : index
    %swap3A_917 = vector.load %arg4[%swap3A_915, %swap3A_916] : memref<8192x128xf32, #tpu.memory_space<vmem>>, vector<64x128xf32>
    tpu.vector_store %arg4[%swap3A_915, %swap3A_916], %dot_general3A_914 {strides = array<i32>} : memref<8192x128xf32, #tpu.memory_space<vmem>>, vector<64x128xf32>,
    %reduce_max3A_918 = arith.constant dense<0xFF800000> : vector<64xf32>
    %reduce_max3A_919 = vector.multi_reduction <maximumf>, %dot_general3A_914, %reduce_max3A_918 [1] : vector<64x128xf32> to vector<64xf32>
    %broadcast_in_dim3A_920 = vector.shape_cast %reduce_max3A_919 : vector<64xf32> to vector<64x1xf32>
    %get3A_921 = arith.constant 0 : index
    %get3A_922 = arith.constant 0 : index
    %get3A_923 = vector.load %arg7[%get3A_921, %get3A_922] : memref<64x128xf32, #tpu.memory_space<vmem>>, vector<64x128xf32>
    %get3A_924 = arith.constant 8448 : index
    %get3A_925 = arith.constant 0 : index
    %get3A_926 = vector.load %arg3[%get3A_924, %get3A_925] : memref<16384x128xf32, #tpu.memory_space<vmem>>, vector<128x128xf32>
    %dot_general3A_927 = arith.constant dense<0.000000e+00> : vector<64x128xf32>
    %dot_general3A_928 = tpu.matmul %get3A_923, %get3A_926, %dot_general3A_927 {dimension_numbers = #tpu.dot_dimension_numbers<[1], [1], [0], [0], [0, 0, 1, 0], [], []>, transpose_lhs_hint = false} : vector<64x128xf32>, vector<128x128xf32>, vector<64x128xf32> -> vector<64x128xf32>
    %swap3A_929 = arith.constant 4224 : index
    %swap3A_930 = arith.constant 0 : index
    %swap3A_931 = vector.load %arg4[%swap3A_929, %swap3A_930] : memref<8192x128xf32, #tpu.memory_space<vmem>>, vector<64x128xf32>
    tpu.vector_store %arg4[%swap3A_929, %swap3A_930], %dot_general3A_928 {strides = array<i32>} : memref<8192x128xf32, #tpu.memory_space<vmem>>, vector<64x128xf32>,
    %reduce_max3A_932 = arith.constant dense<0xFF800000> : vector<64xf32>
    %reduce_max3A_933 = vector.multi_reduction <maximumf>, %dot_general3A_928, %reduce_max3A_932 [1] : vector<64x128xf32> to vector<64xf32>
    %broadcast_in_dim3A_934 = vector.shape_cast %reduce_max3A_933 : vector<64xf32> to vector<64x1xf32>
    %get3A_935 = arith.constant 0 : index
    %get3A_936 = arith.constant 0 : index
    %get3A_937 = vector.load %arg7[%get3A_935, %get3A_936] : memref<64x128xf32, #tpu.memory_space<vmem>>, vector<64x128xf32>
    %get3A_938 = arith.constant 8576 : index
    %get3A_939 = arith.constant 0 : index
    %get3A_940 = vector.load %arg3[%get3A_938, %get3A_939] : memref<16384x128xf32, #tpu.memory_space<vmem>>, vector<128x128xf32>
    %dot_general3A_941 = arith.constant dense<0.000000e+00> : vector<64x128xf32>
    %dot_general3A_942 = tpu.matmul %get3A_937, %get3A_940, %dot_general3A_941 {dimension_numbers = #tpu.dot_dimension_numbers<[1], [1], [0], [0], [0, 0, 1, 0], [], []>, transpose_lhs_hint = false} : vector<64x128xf32>, vector<128x128xf32>, vector<64x128xf32> -> vector<64x128xf32>
    %swap3A_943 = arith.constant 4288 : index
    %swap3A_944 = arith.constant 0 : index
    %swap3A_945 = vector.load %arg4[%swap3A_943, %swap3A_944] : memref<8192x128xf32, #tpu.memory_space<vmem>>, vector<64x128xf32>
    tpu.vector_store %arg4[%swap3A_943, %swap3A_944], %dot_general3A_942 {strides = array<i32>} : memref<8192x128xf32, #tpu.memory_space<vmem>>, vector<64x128xf32>,
    %reduce_max3A_946 = arith.constant dense<0xFF800000> : vector<64xf32>
    %reduce_max3A_947 = vector.multi_reduction <maximumf>, %dot_general3A_942, %reduce_max3A_946 [1] : vector<64x128xf32> to vector<64xf32>
    %broadcast_in_dim3A_948 = vector.shape_cast %reduce_max3A_947 : vector<64xf32> to vector<64x1xf32>
    %get3A_949 = arith.constant 0 : index
    %get3A_950 = arith.constant 0 : index
    %get3A_951 = vector.load %arg7[%get3A_949, %get3A_950] : memref<64x128xf32, #tpu.memory_space<vmem>>, vector<64x128xf32>
    %get3A_952 = arith.constant 8704 : index
    %get3A_953 = arith.constant 0 : index
    %get3A_954 = vector.load %arg3[%get3A_952, %get3A_953] : memref<16384x128xf32, #tpu.memory_space<vmem>>, vector<128x128xf32>
    %dot_general3A_955 = arith.constant dense<0.000000e+00> : vector<64x128xf32>
    %dot_general3A_956 = tpu.matmul %get3A_951, %get3A_954, %dot_general3A_955 {dimension_numbers = #tpu.dot_dimension_numbers<[1], [1], [0], [0], [0, 0, 1, 0], [], []>, transpose_lhs_hint = false} : vector<64x128xf32>, vector<128x128xf32>, vector<64x128xf32> -> vector<64x128xf32>
    %swap3A_957 = arith.constant 4352 : index
    %swap3A_958 = arith.constant 0 : index
    %swap3A_959 = vector.load %arg4[%swap3A_957, %swap3A_958] : memref<8192x128xf32, #tpu.memory_space<vmem>>, vector<64x128xf32>
    tpu.vector_store %arg4[%swap3A_957, %swap3A_958], %dot_general3A_956 {strides = array<i32>} : memref<8192x128xf32, #tpu.memory_space<vmem>>, vector<64x128xf32>,
    %reduce_max3A_960 = arith.constant dense<0xFF800000> : vector<64xf32>
    %reduce_max3A_961 = vector.multi_reduction <maximumf>, %dot_general3A_956, %reduce_max3A_960 [1] : vector<64x128xf32> to vector<64xf32>
    %broadcast_in_dim3A_962 = vector.shape_cast %reduce_max3A_961 : vector<64xf32> to vector<64x1xf32>
    %get3A_963 = arith.constant 0 : index
    %get3A_964 = arith.constant 0 : index
    %get3A_965 = vector.load %arg7[%get3A_963, %get3A_964] : memref<64x128xf32, #tpu.memory_space<vmem>>, vector<64x128xf32>
    %get3A_966 = arith.constant 8832 : index
    %get3A_967 = arith.constant 0 : index
    %get3A_968 = vector.load %arg3[%get3A_966, %get3A_967] : memref<16384x128xf32, #tpu.memory_space<vmem>>, vector<128x128xf32>
    %dot_general3A_969 = arith.constant dense<0.000000e+00> : vector<64x128xf32>
    %dot_general3A_970 = tpu.matmul %get3A_965, %get3A_968, %dot_general3A_969 {dimension_numbers = #tpu.dot_dimension_numbers<[1], [1], [0], [0], [0, 0, 1, 0], [], []>, transpose_lhs_hint = false} : vector<64x128xf32>, vector<128x128xf32>, vector<64x128xf32> -> vector<64x128xf32>
    %swap3A_971 = arith.constant 4416 : index
    %swap3A_972 = arith.constant 0 : index
    %swap3A_973 = vector.load %arg4[%swap3A_971, %swap3A_972] : memref<8192x128xf32, #tpu.memory_space<vmem>>, vector<64x128xf32>
    tpu.vector_store %arg4[%swap3A_971, %swap3A_972], %dot_general3A_970 {strides = array<i32>} : memref<8192x128xf32, #tpu.memory_space<vmem>>, vector<64x128xf32>,
    %reduce_max3A_974 = arith.constant dense<0xFF800000> : vector<64xf32>
    %reduce_max3A_975 = vector.multi_reduction <maximumf>, %dot_general3A_970, %reduce_max3A_974 [1] : vector<64x128xf32> to vector<64xf32>
    %broadcast_in_dim3A_976 = vector.shape_cast %reduce_max3A_975 : vector<64xf32> to vector<64x1xf32>
    %get3A_977 = arith.constant 0 : index
    %get3A_978 = arith.constant 0 : index
    %get3A_979 = vector.load %arg7[%get3A_977, %get3A_978] : memref<64x128xf32, #tpu.memory_space<vmem>>, vector<64x128xf32>
    %get3A_980 = arith.constant 8960 : index
    %get3A_981 = arith.constant 0 : index
    %get3A_982 = vector.load %arg3[%get3A_980, %get3A_981] : memref<16384x128xf32, #tpu.memory_space<vmem>>, vector<128x128xf32>
    %dot_general3A_983 = arith.constant dense<0.000000e+00> : vector<64x128xf32>
    %dot_general3A_984 = tpu.matmul %get3A_979, %get3A_982, %dot_general3A_983 {dimension_numbers = #tpu.dot_dimension_numbers<[1], [1], [0], [0], [0, 0, 1, 0], [], []>, transpose_lhs_hint = false} : vector<64x128xf32>, vector<128x128xf32>, vector<64x128xf32> -> vector<64x128xf32>
    %swap3A_985 = arith.constant 4480 : index
    %swap3A_986 = arith.constant 0 : index
    %swap3A_987 = vector.load %arg4[%swap3A_985, %swap3A_986] : memref<8192x128xf32, #tpu.memory_space<vmem>>, vector<64x128xf32>
    tpu.vector_store %arg4[%swap3A_985, %swap3A_986], %dot_general3A_984 {strides = array<i32>} : memref<8192x128xf32, #tpu.memory_space<vmem>>, vector<64x128xf32>,
    %reduce_max3A_988 = arith.constant dense<0xFF800000> : vector<64xf32>
    %reduce_max3A_989 = vector.multi_reduction <maximumf>, %dot_general3A_984, %reduce_max3A_988 [1] : vector<64x128xf32> to vector<64xf32>
    %broadcast_in_dim3A_990 = vector.shape_cast %reduce_max3A_989 : vector<64xf32> to vector<64x1xf32>
    %get3A_991 = arith.constant 0 : index
    %get3A_992 = arith.constant 0 : index
    %get3A_993 = vector.load %arg7[%get3A_991, %get3A_992] : memref<64x128xf32, #tpu.memory_space<vmem>>, vector<64x128xf32>
    %get3A_994 = arith.constant 9088 : index
    %get3A_995 = arith.constant 0 : index
    %get3A_996 = vector.load %arg3[%get3A_994, %get3A_995] : memref<16384x128xf32, #tpu.memory_space<vmem>>, vector<128x128xf32>
    %dot_general3A_997 = arith.constant dense<0.000000e+00> : vector<64x128xf32>
    %dot_general3A_998 = tpu.matmul %get3A_993, %get3A_996, %dot_general3A_997 {dimension_numbers = #tpu.dot_dimension_numbers<[1], [1], [0], [0], [0, 0, 1, 0], [], []>, transpose_lhs_hint = false} : vector<64x128xf32>, vector<128x128xf32>, vector<64x128xf32> -> vector<64x128xf32>
    %swap3A_999 = arith.constant 4544 : index
    %swap3A_1000 = arith.constant 0 : index
    %swap3A_1001 = vector.load %arg4[%swap3A_999, %swap3A_1000] : memref<8192x128xf32, #tpu.memory_space<vmem>>, vector<64x128xf32>
    tpu.vector_store %arg4[%swap3A_999, %swap3A_1000], %dot_general3A_998 {strides = array<i32>} : memref<8192x128xf32, #tpu.memory_space<vmem>>, vector<64x128xf32>,
    %reduce_max3A_1002 = arith.constant dense<0xFF800000> : vector<64xf32>
    %reduce_max3A_1003 = vector.multi_reduction <maximumf>, %dot_general3A_998, %reduce_max3A_1002 [1] : vector<64x128xf32> to vector<64xf32>
    %broadcast_in_dim3A_1004 = vector.shape_cast %reduce_max3A_1003 : vector<64xf32> to vector<64x1xf32>
    %get3A_1005 = arith.constant 0 : index
    %get3A_1006 = arith.constant 0 : index
    %get3A_1007 = vector.load %arg7[%get3A_1005, %get3A_1006] : memref<64x128xf32, #tpu.memory_space<vmem>>, vector<64x128xf32>
    %get3A_1008 = arith.constant 9216 : index
    %get3A_1009 = arith.constant 0 : index
    %get3A_1010 = vector.load %arg3[%get3A_1008, %get3A_1009] : memref<16384x128xf32, #tpu.memory_space<vmem>>, vector<128x128xf32>
    %dot_general3A_1011 = arith.constant dense<0.000000e+00> : vector<64x128xf32>
    %dot_general3A_1012 = tpu.matmul %get3A_1007, %get3A_1010, %dot_general3A_1011 {dimension_numbers = #tpu.dot_dimension_numbers<[1], [1], [0], [0], [0, 0, 1, 0], [], []>, transpose_lhs_hint = false} : vector<64x128xf32>, vector<128x128xf32>, vector<64x128xf32> -> vector<64x128xf32>
    %swap3A_1013 = arith.constant 4608 : index
    %swap3A_1014 = arith.constant 0 : index
    %swap3A_1015 = vector.load %arg4[%swap3A_1013, %swap3A_1014] : memref<8192x128xf32, #tpu.memory_space<vmem>>, vector<64x128xf32>
    tpu.vector_store %arg4[%swap3A_1013, %swap3A_1014], %dot_general3A_1012 {strides = array<i32>} : memref<8192x128xf32, #tpu.memory_space<vmem>>, vector<64x128xf32>,
    %reduce_max3A_1016 = arith.constant dense<0xFF800000> : vector<64xf32>
    %reduce_max3A_1017 = vector.multi_reduction <maximumf>, %dot_general3A_1012, %reduce_max3A_1016 [1] : vector<64x128xf32> to vector<64xf32>
    %broadcast_in_dim3A_1018 = vector.shape_cast %reduce_max3A_1017 : vector<64xf32> to vector<64x1xf32>
    %get3A_1019 = arith.constant 0 : index
    %get3A_1020 = arith.constant 0 : index
    %get3A_1021 = vector.load %arg7[%get3A_1019, %get3A_1020] : memref<64x128xf32, #tpu.memory_space<vmem>>, vector<64x128xf32>
    %get3A_1022 = arith.constant 9344 : index
    %get3A_1023 = arith.constant 0 : index
    %get3A_1024 = vector.load %arg3[%get3A_1022, %get3A_1023] : memref<16384x128xf32, #tpu.memory_space<vmem>>, vector<128x128xf32>
    %dot_general3A_1025 = arith.constant dense<0.000000e+00> : vector<64x128xf32>
    %dot_general3A_1026 = tpu.matmul %get3A_1021, %get3A_1024, %dot_general3A_1025 {dimension_numbers = #tpu.dot_dimension_numbers<[1], [1], [0], [0], [0, 0, 1, 0], [], []>, transpose_lhs_hint = false} : vector<64x128xf32>, vector<128x128xf32>, vector<64x128xf32> -> vector<64x128xf32>
    %swap3A_1027 = arith.constant 4672 : index
    %swap3A_1028 = arith.constant 0 : index
    %swap3A_1029 = vector.load %arg4[%swap3A_1027, %swap3A_1028] : memref<8192x128xf32, #tpu.memory_space<vmem>>, vector<64x128xf32>
    tpu.vector_store %arg4[%swap3A_1027, %swap3A_1028], %dot_general3A_1026 {strides = array<i32>} : memref<8192x128xf32, #tpu.memory_space<vmem>>, vector<64x128xf32>,
    %reduce_max3A_1030 = arith.constant dense<0xFF800000> : vector<64xf32>
    %reduce_max3A_1031 = vector.multi_reduction <maximumf>, %dot_general3A_1026, %reduce_max3A_1030 [1] : vector<64x128xf32> to vector<64xf32>
    %broadcast_in_dim3A_1032 = vector.shape_cast %reduce_max3A_1031 : vector<64xf32> to vector<64x1xf32>
    %get3A_1033 = arith.constant 0 : index
    %get3A_1034 = arith.constant 0 : index
    %get3A_1035 = vector.load %arg7[%get3A_1033, %get3A_1034] : memref<64x128xf32, #tpu.memory_space<vmem>>, vector<64x128xf32>
    %get3A_1036 = arith.constant 9472 : index
    %get3A_1037 = arith.constant 0 : index
    %get3A_1038 = vector.load %arg3[%get3A_1036, %get3A_1037] : memref<16384x128xf32, #tpu.memory_space<vmem>>, vector<128x128xf32>
    %dot_general3A_1039 = arith.constant dense<0.000000e+00> : vector<64x128xf32>
    %dot_general3A_1040 = tpu.matmul %get3A_1035, %get3A_1038, %dot_general3A_1039 {dimension_numbers = #tpu.dot_dimension_numbers<[1], [1], [0], [0], [0, 0, 1, 0], [], []>, transpose_lhs_hint = false} : vector<64x128xf32>, vector<128x128xf32>, vector<64x128xf32> -> vector<64x128xf32>
    %swap3A_1041 = arith.constant 4736 : index
    %swap3A_1042 = arith.constant 0 : index
    %swap3A_1043 = vector.load %arg4[%swap3A_1041, %swap3A_1042] : memref<8192x128xf32, #tpu.memory_space<vmem>>, vector<64x128xf32>
    tpu.vector_store %arg4[%swap3A_1041, %swap3A_1042], %dot_general3A_1040 {strides = array<i32>} : memref<8192x128xf32, #tpu.memory_space<vmem>>, vector<64x128xf32>,
    %reduce_max3A_1044 = arith.constant dense<0xFF800000> : vector<64xf32>
    %reduce_max3A_1045 = vector.multi_reduction <maximumf>, %dot_general3A_1040, %reduce_max3A_1044 [1] : vector<64x128xf32> to vector<64xf32>
    %broadcast_in_dim3A_1046 = vector.shape_cast %reduce_max3A_1045 : vector<64xf32> to vector<64x1xf32>
    %get3A_1047 = arith.constant 0 : index
    %get3A_1048 = arith.constant 0 : index
    %get3A_1049 = vector.load %arg7[%get3A_1047, %get3A_1048] : memref<64x128xf32, #tpu.memory_space<vmem>>, vector<64x128xf32>
    %get3A_1050 = arith.constant 9600 : index
    %get3A_1051 = arith.constant 0 : index
    %get3A_1052 = vector.load %arg3[%get3A_1050, %get3A_1051] : memref<16384x128xf32, #tpu.memory_space<vmem>>, vector<128x128xf32>
    %dot_general3A_1053 = arith.constant dense<0.000000e+00> : vector<64x128xf32>
    %dot_general3A_1054 = tpu.matmul %get3A_1049, %get3A_1052, %dot_general3A_1053 {dimension_numbers = #tpu.dot_dimension_numbers<[1], [1], [0], [0], [0, 0, 1, 0], [], []>, transpose_lhs_hint = false} : vector<64x128xf32>, vector<128x128xf32>, vector<64x128xf32> -> vector<64x128xf32>
    %swap3A_1055 = arith.constant 4800 : index
    %swap3A_1056 = arith.constant 0 : index
    %swap3A_1057 = vector.load %arg4[%swap3A_1055, %swap3A_1056] : memref<8192x128xf32, #tpu.memory_space<vmem>>, vector<64x128xf32>
    tpu.vector_store %arg4[%swap3A_1055, %swap3A_1056], %dot_general3A_1054 {strides = array<i32>} : memref<8192x128xf32, #tpu.memory_space<vmem>>, vector<64x128xf32>,
    %reduce_max3A_1058 = arith.constant dense<0xFF800000> : vector<64xf32>
    %reduce_max3A_1059 = vector.multi_reduction <maximumf>, %dot_general3A_1054, %reduce_max3A_1058 [1] : vector<64x128xf32> to vector<64xf32>
    %broadcast_in_dim3A_1060 = vector.shape_cast %reduce_max3A_1059 : vector<64xf32> to vector<64x1xf32>
    %get3A_1061 = arith.constant 0 : index
    %get3A_1062 = arith.constant 0 : index
    %get3A_1063 = vector.load %arg7[%get3A_1061, %get3A_1062] : memref<64x128xf32, #tpu.memory_space<vmem>>, vector<64x128xf32>
    %get3A_1064 = arith.constant 9728 : index
    %get3A_1065 = arith.constant 0 : index
    %get3A_1066 = vector.load %arg3[%get3A_1064, %get3A_1065] : memref<16384x128xf32, #tpu.memory_space<vmem>>, vector<128x128xf32>
    %dot_general3A_1067 = arith.constant dense<0.000000e+00> : vector<64x128xf32>
    %dot_general3A_1068 = tpu.matmul %get3A_1063, %get3A_1066, %dot_general3A_1067 {dimension_numbers = #tpu.dot_dimension_numbers<[1], [1], [0], [0], [0, 0, 1, 0], [], []>, transpose_lhs_hint = false} : vector<64x128xf32>, vector<128x128xf32>, vector<64x128xf32> -> vector<64x128xf32>
    %swap3A_1069 = arith.constant 4864 : index
    %swap3A_1070 = arith.constant 0 : index
    %swap3A_1071 = vector.load %arg4[%swap3A_1069, %swap3A_1070] : memref<8192x128xf32, #tpu.memory_space<vmem>>, vector<64x128xf32>
    tpu.vector_store %arg4[%swap3A_1069, %swap3A_1070], %dot_general3A_1068 {strides = array<i32>} : memref<8192x128xf32, #tpu.memory_space<vmem>>, vector<64x128xf32>,
    %reduce_max3A_1072 = arith.constant dense<0xFF800000> : vector<64xf32>
    %reduce_max3A_1073 = vector.multi_reduction <maximumf>, %dot_general3A_1068, %reduce_max3A_1072 [1] : vector<64x128xf32> to vector<64xf32>
    %broadcast_in_dim3A_1074 = vector.shape_cast %reduce_max3A_1073 : vector<64xf32> to vector<64x1xf32>
    %get3A_1075 = arith.constant 0 : index
    %get3A_1076 = arith.constant 0 : index
    %get3A_1077 = vector.load %arg7[%get3A_1075, %get3A_1076] : memref<64x128xf32, #tpu.memory_space<vmem>>, vector<64x128xf32>
    %get3A_1078 = arith.constant 9856 : index
    %get3A_1079 = arith.constant 0 : index
    %get3A_1080 = vector.load %arg3[%get3A_1078, %get3A_1079] : memref<16384x128xf32, #tpu.memory_space<vmem>>, vector<128x128xf32>
    %dot_general3A_1081 = arith.constant dense<0.000000e+00> : vector<64x128xf32>
    %dot_general3A_1082 = tpu.matmul %get3A_1077, %get3A_1080, %dot_general3A_1081 {dimension_numbers = #tpu.dot_dimension_numbers<[1], [1], [0], [0], [0, 0, 1, 0], [], []>, transpose_lhs_hint = false} : vector<64x128xf32>, vector<128x128xf32>, vector<64x128xf32> -> vector<64x128xf32>
    %swap3A_1083 = arith.constant 4928 : index
    %swap3A_1084 = arith.constant 0 : index
    %swap3A_1085 = vector.load %arg4[%swap3A_1083, %swap3A_1084] : memref<8192x128xf32, #tpu.memory_space<vmem>>, vector<64x128xf32>
    tpu.vector_store %arg4[%swap3A_1083, %swap3A_1084], %dot_general3A_1082 {strides = array<i32>} : memref<8192x128xf32, #tpu.memory_space<vmem>>, vector<64x128xf32>,
    %reduce_max3A_1086 = arith.constant dense<0xFF800000> : vector<64xf32>
    %reduce_max3A_1087 = vector.multi_reduction <maximumf>, %dot_general3A_1082, %reduce_max3A_1086 [1] : vector<64x128xf32> to vector<64xf32>
    %broadcast_in_dim3A_1088 = vector.shape_cast %reduce_max3A_1087 : vector<64xf32> to vector<64x1xf32>
    %get3A_1089 = arith.constant 0 : index
    %get3A_1090 = arith.constant 0 : index
    %get3A_1091 = vector.load %arg7[%get3A_1089, %get3A_1090] : memref<64x128xf32, #tpu.memory_space<vmem>>, vector<64x128xf32>
    %get3A_1092 = arith.constant 9984 : index
    %get3A_1093 = arith.constant 0 : index
    %get3A_1094 = vector.load %arg3[%get3A_1092, %get3A_1093] : memref<16384x128xf32, #tpu.memory_space<vmem>>, vector<128x128xf32>
    %dot_general3A_1095 = arith.constant dense<0.000000e+00> : vector<64x128xf32>
    %dot_general3A_1096 = tpu.matmul %get3A_1091, %get3A_1094, %dot_general3A_1095 {dimension_numbers = #tpu.dot_dimension_numbers<[1], [1], [0], [0], [0, 0, 1, 0], [], []>, transpose_lhs_hint = false} : vector<64x128xf32>, vector<128x128xf32>, vector<64x128xf32> -> vector<64x128xf32>
    %swap3A_1097 = arith.constant 4992 : index
    %swap3A_1098 = arith.constant 0 : index
    %swap3A_1099 = vector.load %arg4[%swap3A_1097, %swap3A_1098] : memref<8192x128xf32, #tpu.memory_space<vmem>>, vector<64x128xf32>
    tpu.vector_store %arg4[%swap3A_1097, %swap3A_1098], %dot_general3A_1096 {strides = array<i32>} : memref<8192x128xf32, #tpu.memory_space<vmem>>, vector<64x128xf32>,
    %reduce_max3A_1100 = arith.constant dense<0xFF800000> : vector<64xf32>
    %reduce_max3A_1101 = vector.multi_reduction <maximumf>, %dot_general3A_1096, %reduce_max3A_1100 [1] : vector<64x128xf32> to vector<64xf32>
    %broadcast_in_dim3A_1102 = vector.shape_cast %reduce_max3A_1101 : vector<64xf32> to vector<64x1xf32>
    %get3A_1103 = arith.constant 0 : index
    %get3A_1104 = arith.constant 0 : index
    %get3A_1105 = vector.load %arg7[%get3A_1103, %get3A_1104] : memref<64x128xf32, #tpu.memory_space<vmem>>, vector<64x128xf32>
    %get3A_1106 = arith.constant 10112 : index
    %get3A_1107 = arith.constant 0 : index
    %get3A_1108 = vector.load %arg3[%get3A_1106, %get3A_1107] : memref<16384x128xf32, #tpu.memory_space<vmem>>, vector<128x128xf32>
    %dot_general3A_1109 = arith.constant dense<0.000000e+00> : vector<64x128xf32>
    %dot_general3A_1110 = tpu.matmul %get3A_1105, %get3A_1108, %dot_general3A_1109 {dimension_numbers = #tpu.dot_dimension_numbers<[1], [1], [0], [0], [0, 0, 1, 0], [], []>, transpose_lhs_hint = false} : vector<64x128xf32>, vector<128x128xf32>, vector<64x128xf32> -> vector<64x128xf32>
    %swap3A_1111 = arith.constant 5056 : index
    %swap3A_1112 = arith.constant 0 : index
    %swap3A_1113 = vector.load %arg4[%swap3A_1111, %swap3A_1112] : memref<8192x128xf32, #tpu.memory_space<vmem>>, vector<64x128xf32>
    tpu.vector_store %arg4[%swap3A_1111, %swap3A_1112], %dot_general3A_1110 {strides = array<i32>} : memref<8192x128xf32, #tpu.memory_space<vmem>>, vector<64x128xf32>,
    %reduce_max3A_1114 = arith.constant dense<0xFF800000> : vector<64xf32>
    %reduce_max3A_1115 = vector.multi_reduction <maximumf>, %dot_general3A_1110, %reduce_max3A_1114 [1] : vector<64x128xf32> to vector<64xf32>
    %broadcast_in_dim3A_1116 = vector.shape_cast %reduce_max3A_1115 : vector<64xf32> to vector<64x1xf32>
    %get3A_1117 = arith.constant 0 : index
    %get3A_1118 = arith.constant 0 : index
    %get3A_1119 = vector.load %arg7[%get3A_1117, %get3A_1118] : memref<64x128xf32, #tpu.memory_space<vmem>>, vector<64x128xf32>
    %get3A_1120 = arith.constant 10240 : index
    %get3A_1121 = arith.constant 0 : index
    %get3A_1122 = vector.load %arg3[%get3A_1120, %get3A_1121] : memref<16384x128xf32, #tpu.memory_space<vmem>>, vector<128x128xf32>
    %dot_general3A_1123 = arith.constant dense<0.000000e+00> : vector<64x128xf32>
    %dot_general3A_1124 = tpu.matmul %get3A_1119, %get3A_1122, %dot_general3A_1123 {dimension_numbers = #tpu.dot_dimension_numbers<[1], [1], [0], [0], [0, 0, 1, 0], [], []>, transpose_lhs_hint = false} : vector<64x128xf32>, vector<128x128xf32>, vector<64x128xf32> -> vector<64x128xf32>
    %swap3A_1125 = arith.constant 5120 : index
    %swap3A_1126 = arith.constant 0 : index
    %swap3A_1127 = vector.load %arg4[%swap3A_1125, %swap3A_1126] : memref<8192x128xf32, #tpu.memory_space<vmem>>, vector<64x128xf32>
    tpu.vector_store %arg4[%swap3A_1125, %swap3A_1126], %dot_general3A_1124 {strides = array<i32>} : memref<8192x128xf32, #tpu.memory_space<vmem>>, vector<64x128xf32>,
    %reduce_max3A_1128 = arith.constant dense<0xFF800000> : vector<64xf32>
    %reduce_max3A_1129 = vector.multi_reduction <maximumf>, %dot_general3A_1124, %reduce_max3A_1128 [1] : vector<64x128xf32> to vector<64xf32>
    %broadcast_in_dim3A_1130 = vector.shape_cast %reduce_max3A_1129 : vector<64xf32> to vector<64x1xf32>
    %get3A_1131 = arith.constant 0 : index
    %get3A_1132 = arith.constant 0 : index
    %get3A_1133 = vector.load %arg7[%get3A_1131, %get3A_1132] : memref<64x128xf32, #tpu.memory_space<vmem>>, vector<64x128xf32>
    %get3A_1134 = arith.constant 10368 : index
    %get3A_1135 = arith.constant 0 : index
    %get3A_1136 = vector.load %arg3[%get3A_1134, %get3A_1135] : memref<16384x128xf32, #tpu.memory_space<vmem>>, vector<128x128xf32>
    %dot_general3A_1137 = arith.constant dense<0.000000e+00> : vector<64x128xf32>
    %dot_general3A_1138 = tpu.matmul %get3A_1133, %get3A_1136, %dot_general3A_1137 {dimension_numbers = #tpu.dot_dimension_numbers<[1], [1], [0], [0], [0, 0, 1, 0], [], []>, transpose_lhs_hint = false} : vector<64x128xf32>, vector<128x128xf32>, vector<64x128xf32> -> vector<64x128xf32>
    %swap3A_1139 = arith.constant 5184 : index
    %swap3A_1140 = arith.constant 0 : index
    %swap3A_1141 = vector.load %arg4[%swap3A_1139, %swap3A_1140] : memref<8192x128xf32, #tpu.memory_space<vmem>>, vector<64x128xf32>
    tpu.vector_store %arg4[%swap3A_1139, %swap3A_1140], %dot_general3A_1138 {strides = array<i32>} : memref<8192x128xf32, #tpu.memory_space<vmem>>, vector<64x128xf32>,
    %reduce_max3A_1142 = arith.constant dense<0xFF800000> : vector<64xf32>
    %reduce_max3A_1143 = vector.multi_reduction <maximumf>, %dot_general3A_1138, %reduce_max3A_1142 [1] : vector<64x128xf32> to vector<64xf32>
    %broadcast_in_dim3A_1144 = vector.shape_cast %reduce_max3A_1143 : vector<64xf32> to vector<64x1xf32>
    %get3A_1145 = arith.constant 0 : index
    %get3A_1146 = arith.constant 0 : index
    %get3A_1147 = vector.load %arg7[%get3A_1145, %get3A_1146] : memref<64x128xf32, #tpu.memory_space<vmem>>, vector<64x128xf32>
    %get3A_1148 = arith.constant 10496 : index
    %get3A_1149 = arith.constant 0 : index
    %get3A_1150 = vector.load %arg3[%get3A_1148, %get3A_1149] : memref<16384x128xf32, #tpu.memory_space<vmem>>, vector<128x128xf32>
    %dot_general3A_1151 = arith.constant dense<0.000000e+00> : vector<64x128xf32>
    %dot_general3A_1152 = tpu.matmul %get3A_1147, %get3A_1150, %dot_general3A_1151 {dimension_numbers = #tpu.dot_dimension_numbers<[1], [1], [0], [0], [0, 0, 1, 0], [], []>, transpose_lhs_hint = false} : vector<64x128xf32>, vector<128x128xf32>, vector<64x128xf32> -> vector<64x128xf32>
    %swap3A_1153 = arith.constant 5248 : index
    %swap3A_1154 = arith.constant 0 : index
    %swap3A_1155 = vector.load %arg4[%swap3A_1153, %swap3A_1154] : memref<8192x128xf32, #tpu.memory_space<vmem>>, vector<64x128xf32>
    tpu.vector_store %arg4[%swap3A_1153, %swap3A_1154], %dot_general3A_1152 {strides = array<i32>} : memref<8192x128xf32, #tpu.memory_space<vmem>>, vector<64x128xf32>,
    %reduce_max3A_1156 = arith.constant dense<0xFF800000> : vector<64xf32>
    %reduce_max3A_1157 = vector.multi_reduction <maximumf>, %dot_general3A_1152, %reduce_max3A_1156 [1] : vector<64x128xf32> to vector<64xf32>
    %broadcast_in_dim3A_1158 = vector.shape_cast %reduce_max3A_1157 : vector<64xf32> to vector<64x1xf32>
    %get3A_1159 = arith.constant 0 : index
    %get3A_1160 = arith.constant 0 : index
    %get3A_1161 = vector.load %arg7[%get3A_1159, %get3A_1160] : memref<64x128xf32, #tpu.memory_space<vmem>>, vector<64x128xf32>
    %get3A_1162 = arith.constant 10624 : index
    %get3A_1163 = arith.constant 0 : index
    %get3A_1164 = vector.load %arg3[%get3A_1162, %get3A_1163] : memref<16384x128xf32, #tpu.memory_space<vmem>>, vector<128x128xf32>
    %dot_general3A_1165 = arith.constant dense<0.000000e+00> : vector<64x128xf32>
    %dot_general3A_1166 = tpu.matmul %get3A_1161, %get3A_1164, %dot_general3A_1165 {dimension_numbers = #tpu.dot_dimension_numbers<[1], [1], [0], [0], [0, 0, 1, 0], [], []>, transpose_lhs_hint = false} : vector<64x128xf32>, vector<128x128xf32>, vector<64x128xf32> -> vector<64x128xf32>
    %swap3A_1167 = arith.constant 5312 : index
    %swap3A_1168 = arith.constant 0 : index
    %swap3A_1169 = vector.load %arg4[%swap3A_1167, %swap3A_1168] : memref<8192x128xf32, #tpu.memory_space<vmem>>, vector<64x128xf32>
    tpu.vector_store %arg4[%swap3A_1167, %swap3A_1168], %dot_general3A_1166 {strides = array<i32>} : memref<8192x128xf32, #tpu.memory_space<vmem>>, vector<64x128xf32>,
    %reduce_max3A_1170 = arith.constant dense<0xFF800000> : vector<64xf32>
    %reduce_max3A_1171 = vector.multi_reduction <maximumf>, %dot_general3A_1166, %reduce_max3A_1170 [1] : vector<64x128xf32> to vector<64xf32>
    %broadcast_in_dim3A_1172 = vector.shape_cast %reduce_max3A_1171 : vector<64xf32> to vector<64x1xf32>
    %get3A_1173 = arith.constant 0 : index
    %get3A_1174 = arith.constant 0 : index
    %get3A_1175 = vector.load %arg7[%get3A_1173, %get3A_1174] : memref<64x128xf32, #tpu.memory_space<vmem>>, vector<64x128xf32>
    %get3A_1176 = arith.constant 10752 : index
    %get3A_1177 = arith.constant 0 : index
    %get3A_1178 = vector.load %arg3[%get3A_1176, %get3A_1177] : memref<16384x128xf32, #tpu.memory_space<vmem>>, vector<128x128xf32>
    %dot_general3A_1179 = arith.constant dense<0.000000e+00> : vector<64x128xf32>
    %dot_general3A_1180 = tpu.matmul %get3A_1175, %get3A_1178, %dot_general3A_1179 {dimension_numbers = #tpu.dot_dimension_numbers<[1], [1], [0], [0], [0, 0, 1, 0], [], []>, transpose_lhs_hint = false} : vector<64x128xf32>, vector<128x128xf32>, vector<64x128xf32> -> vector<64x128xf32>
    %swap3A_1181 = arith.constant 5376 : index
    %swap3A_1182 = arith.constant 0 : index
    %swap3A_1183 = vector.load %arg4[%swap3A_1181, %swap3A_1182] : memref<8192x128xf32, #tpu.memory_space<vmem>>, vector<64x128xf32>
    tpu.vector_store %arg4[%swap3A_1181, %swap3A_1182], %dot_general3A_1180 {strides = array<i32>} : memref<8192x128xf32, #tpu.memory_space<vmem>>, vector<64x128xf32>,
    %reduce_max3A_1184 = arith.constant dense<0xFF800000> : vector<64xf32>
    %reduce_max3A_1185 = vector.multi_reduction <maximumf>, %dot_general3A_1180, %reduce_max3A_1184 [1] : vector<64x128xf32> to vector<64xf32>
    %broadcast_in_dim3A_1186 = vector.shape_cast %reduce_max3A_1185 : vector<64xf32> to vector<64x1xf32>
    %get3A_1187 = arith.constant 0 : index
    %get3A_1188 = arith.constant 0 : index
    %get3A_1189 = vector.load %arg7[%get3A_1187, %get3A_1188] : memref<64x128xf32, #tpu.memory_space<vmem>>, vector<64x128xf32>
    %get3A_1190 = arith.constant 10880 : index
    %get3A_1191 = arith.constant 0 : index
    %get3A_1192 = vector.load %arg3[%get3A_1190, %get3A_1191] : memref<16384x128xf32, #tpu.memory_space<vmem>>, vector<128x128xf32>
    %dot_general3A_1193 = arith.constant dense<0.000000e+00> : vector<64x128xf32>
    %dot_general3A_1194 = tpu.matmul %get3A_1189, %get3A_1192, %dot_general3A_1193 {dimension_numbers = #tpu.dot_dimension_numbers<[1], [1], [0], [0], [0, 0, 1, 0], [], []>, transpose_lhs_hint = false} : vector<64x128xf32>, vector<128x128xf32>, vector<64x128xf32> -> vector<64x128xf32>
    %swap3A_1195 = arith.constant 5440 : index
    %swap3A_1196 = arith.constant 0 : index
    %swap3A_1197 = vector.load %arg4[%swap3A_1195, %swap3A_1196] : memref<8192x128xf32, #tpu.memory_space<vmem>>, vector<64x128xf32>
    tpu.vector_store %arg4[%swap3A_1195, %swap3A_1196], %dot_general3A_1194 {strides = array<i32>} : memref<8192x128xf32, #tpu.memory_space<vmem>>, vector<64x128xf32>,
    %reduce_max3A_1198 = arith.constant dense<0xFF800000> : vector<64xf32>
    %reduce_max3A_1199 = vector.multi_reduction <maximumf>, %dot_general3A_1194, %reduce_max3A_1198 [1] : vector<64x128xf32> to vector<64xf32>
    %broadcast_in_dim3A_1200 = vector.shape_cast %reduce_max3A_1199 : vector<64xf32> to vector<64x1xf32>
    %get3A_1201 = arith.constant 0 : index
    %get3A_1202 = arith.constant 0 : index
    %get3A_1203 = vector.load %arg7[%get3A_1201, %get3A_1202] : memref<64x128xf32, #tpu.memory_space<vmem>>, vector<64x128xf32>
    %get3A_1204 = arith.constant 11008 : index
    %get3A_1205 = arith.constant 0 : index
    %get3A_1206 = vector.load %arg3[%get3A_1204, %get3A_1205] : memref<16384x128xf32, #tpu.memory_space<vmem>>, vector<128x128xf32>
    %dot_general3A_1207 = arith.constant dense<0.000000e+00> : vector<64x128xf32>
    %dot_general3A_1208 = tpu.matmul %get3A_1203, %get3A_1206, %dot_general3A_1207 {dimension_numbers = #tpu.dot_dimension_numbers<[1], [1], [0], [0], [0, 0, 1, 0], [], []>, transpose_lhs_hint = false} : vector<64x128xf32>, vector<128x128xf32>, vector<64x128xf32> -> vector<64x128xf32>
    %swap3A_1209 = arith.constant 5504 : index
    %swap3A_1210 = arith.constant 0 : index
    %swap3A_1211 = vector.load %arg4[%swap3A_1209, %swap3A_1210] : memref<8192x128xf32, #tpu.memory_space<vmem>>, vector<64x128xf32>
    tpu.vector_store %arg4[%swap3A_1209, %swap3A_1210], %dot_general3A_1208 {strides = array<i32>} : memref<8192x128xf32, #tpu.memory_space<vmem>>, vector<64x128xf32>,
    %reduce_max3A_1212 = arith.constant dense<0xFF800000> : vector<64xf32>
    %reduce_max3A_1213 = vector.multi_reduction <maximumf>, %dot_general3A_1208, %reduce_max3A_1212 [1] : vector<64x128xf32> to vector<64xf32>
    %broadcast_in_dim3A_1214 = vector.shape_cast %reduce_max3A_1213 : vector<64xf32> to vector<64x1xf32>
    %get3A_1215 = arith.constant 0 : index
    %get3A_1216 = arith.constant 0 : index
    %get3A_1217 = vector.load %arg7[%get3A_1215, %get3A_1216] : memref<64x128xf32, #tpu.memory_space<vmem>>, vector<64x128xf32>
    %get3A_1218 = arith.constant 11136 : index
    %get3A_1219 = arith.constant 0 : index
    %get3A_1220 = vector.load %arg3[%get3A_1218, %get3A_1219] : memref<16384x128xf32, #tpu.memory_space<vmem>>, vector<128x128xf32>
    %dot_general3A_1221 = arith.constant dense<0.000000e+00> : vector<64x128xf32>
    %dot_general3A_1222 = tpu.matmul %get3A_1217, %get3A_1220, %dot_general3A_1221 {dimension_numbers = #tpu.dot_dimension_numbers<[1], [1], [0], [0], [0, 0, 1, 0], [], []>, transpose_lhs_hint = false} : vector<64x128xf32>, vector<128x128xf32>, vector<64x128xf32> -> vector<64x128xf32>
    %swap3A_1223 = arith.constant 5568 : index
    %swap3A_1224 = arith.constant 0 : index
    %swap3A_1225 = vector.load %arg4[%swap3A_1223, %swap3A_1224] : memref<8192x128xf32, #tpu.memory_space<vmem>>, vector<64x128xf32>
    tpu.vector_store %arg4[%swap3A_1223, %swap3A_1224], %dot_general3A_1222 {strides = array<i32>} : memref<8192x128xf32, #tpu.memory_space<vmem>>, vector<64x128xf32>,
    %reduce_max3A_1226 = arith.constant dense<0xFF800000> : vector<64xf32>
    %reduce_max3A_1227 = vector.multi_reduction <maximumf>, %dot_general3A_1222, %reduce_max3A_1226 [1] : vector<64x128xf32> to vector<64xf32>
    %broadcast_in_dim3A_1228 = vector.shape_cast %reduce_max3A_1227 : vector<64xf32> to vector<64x1xf32>
    %get3A_1229 = arith.constant 0 : index
    %get3A_1230 = arith.constant 0 : index
    %get3A_1231 = vector.load %arg7[%get3A_1229, %get3A_1230] : memref<64x128xf32, #tpu.memory_space<vmem>>, vector<64x128xf32>
    %get3A_1232 = arith.constant 11264 : index
    %get3A_1233 = arith.constant 0 : index
    %get3A_1234 = vector.load %arg3[%get3A_1232, %get3A_1233] : memref<16384x128xf32, #tpu.memory_space<vmem>>, vector<128x128xf32>
    %dot_general3A_1235 = arith.constant dense<0.000000e+00> : vector<64x128xf32>
    %dot_general3A_1236 = tpu.matmul %get3A_1231, %get3A_1234, %dot_general3A_1235 {dimension_numbers = #tpu.dot_dimension_numbers<[1], [1], [0], [0], [0, 0, 1, 0], [], []>, transpose_lhs_hint = false} : vector<64x128xf32>, vector<128x128xf32>, vector<64x128xf32> -> vector<64x128xf32>
    %swap3A_1237 = arith.constant 5632 : index
    %swap3A_1238 = arith.constant 0 : index
    %swap3A_1239 = vector.load %arg4[%swap3A_1237, %swap3A_1238] : memref<8192x128xf32, #tpu.memory_space<vmem>>, vector<64x128xf32>
    tpu.vector_store %arg4[%swap3A_1237, %swap3A_1238], %dot_general3A_1236 {strides = array<i32>} : memref<8192x128xf32, #tpu.memory_space<vmem>>, vector<64x128xf32>,
    %reduce_max3A_1240 = arith.constant dense<0xFF800000> : vector<64xf32>
    %reduce_max3A_1241 = vector.multi_reduction <maximumf>, %dot_general3A_1236, %reduce_max3A_1240 [1] : vector<64x128xf32> to vector<64xf32>
    %broadcast_in_dim3A_1242 = vector.shape_cast %reduce_max3A_1241 : vector<64xf32> to vector<64x1xf32>
    %get3A_1243 = arith.constant 0 : index
    %get3A_1244 = arith.constant 0 : index
    %get3A_1245 = vector.load %arg7[%get3A_1243, %get3A_1244] : memref<64x128xf32, #tpu.memory_space<vmem>>, vector<64x128xf32>
    %get3A_1246 = arith.constant 11392 : index
    %get3A_1247 = arith.constant 0 : index
    %get3A_1248 = vector.load %arg3[%get3A_1246, %get3A_1247] : memref<16384x128xf32, #tpu.memory_space<vmem>>, vector<128x128xf32>
    %dot_general3A_1249 = arith.constant dense<0.000000e+00> : vector<64x128xf32>
    %dot_general3A_1250 = tpu.matmul %get3A_1245, %get3A_1248, %dot_general3A_1249 {dimension_numbers = #tpu.dot_dimension_numbers<[1], [1], [0], [0], [0, 0, 1, 0], [], []>, transpose_lhs_hint = false} : vector<64x128xf32>, vector<128x128xf32>, vector<64x128xf32> -> vector<64x128xf32>
    %swap3A_1251 = arith.constant 5696 : index
    %swap3A_1252 = arith.constant 0 : index
    %swap3A_1253 = vector.load %arg4[%swap3A_1251, %swap3A_1252] : memref<8192x128xf32, #tpu.memory_space<vmem>>, vector<64x128xf32>
    tpu.vector_store %arg4[%swap3A_1251, %swap3A_1252], %dot_general3A_1250 {strides = array<i32>} : memref<8192x128xf32, #tpu.memory_space<vmem>>, vector<64x128xf32>,
    %reduce_max3A_1254 = arith.constant dense<0xFF800000> : vector<64xf32>
    %reduce_max3A_1255 = vector.multi_reduction <maximumf>, %dot_general3A_1250, %reduce_max3A_1254 [1] : vector<64x128xf32> to vector<64xf32>
    %broadcast_in_dim3A_1256 = vector.shape_cast %reduce_max3A_1255 : vector<64xf32> to vector<64x1xf32>
    %get3A_1257 = arith.constant 0 : index
    %get3A_1258 = arith.constant 0 : index
    %get3A_1259 = vector.load %arg7[%get3A_1257, %get3A_1258] : memref<64x128xf32, #tpu.memory_space<vmem>>, vector<64x128xf32>
    %get3A_1260 = arith.constant 11520 : index
    %get3A_1261 = arith.constant 0 : index
    %get3A_1262 = vector.load %arg3[%get3A_1260, %get3A_1261] : memref<16384x128xf32, #tpu.memory_space<vmem>>, vector<128x128xf32>
    %dot_general3A_1263 = arith.constant dense<0.000000e+00> : vector<64x128xf32>
    %dot_general3A_1264 = tpu.matmul %get3A_1259, %get3A_1262, %dot_general3A_1263 {dimension_numbers = #tpu.dot_dimension_numbers<[1], [1], [0], [0], [0, 0, 1, 0], [], []>, transpose_lhs_hint = false} : vector<64x128xf32>, vector<128x128xf32>, vector<64x128xf32> -> vector<64x128xf32>
    %swap3A_1265 = arith.constant 5760 : index
    %swap3A_1266 = arith.constant 0 : index
    %swap3A_1267 = vector.load %arg4[%swap3A_1265, %swap3A_1266] : memref<8192x128xf32, #tpu.memory_space<vmem>>, vector<64x128xf32>
    tpu.vector_store %arg4[%swap3A_1265, %swap3A_1266], %dot_general3A_1264 {strides = array<i32>} : memref<8192x128xf32, #tpu.memory_space<vmem>>, vector<64x128xf32>,
    %reduce_max3A_1268 = arith.constant dense<0xFF800000> : vector<64xf32>
    %reduce_max3A_1269 = vector.multi_reduction <maximumf>, %dot_general3A_1264, %reduce_max3A_1268 [1] : vector<64x128xf32> to vector<64xf32>
    %broadcast_in_dim3A_1270 = vector.shape_cast %reduce_max3A_1269 : vector<64xf32> to vector<64x1xf32>
    %get3A_1271 = arith.constant 0 : index
    %get3A_1272 = arith.constant 0 : index
    %get3A_1273 = vector.load %arg7[%get3A_1271, %get3A_1272] : memref<64x128xf32, #tpu.memory_space<vmem>>, vector<64x128xf32>
    %get3A_1274 = arith.constant 11648 : index
    %get3A_1275 = arith.constant 0 : index
    %get3A_1276 = vector.load %arg3[%get3A_1274, %get3A_1275] : memref<16384x128xf32, #tpu.memory_space<vmem>>, vector<128x128xf32>
    %dot_general3A_1277 = arith.constant dense<0.000000e+00> : vector<64x128xf32>
    %dot_general3A_1278 = tpu.matmul %get3A_1273, %get3A_1276, %dot_general3A_1277 {dimension_numbers = #tpu.dot_dimension_numbers<[1], [1], [0], [0], [0, 0, 1, 0], [], []>, transpose_lhs_hint = false} : vector<64x128xf32>, vector<128x128xf32>, vector<64x128xf32> -> vector<64x128xf32>
    %swap3A_1279 = arith.constant 5824 : index
    %swap3A_1280 = arith.constant 0 : index
    %swap3A_1281 = vector.load %arg4[%swap3A_1279, %swap3A_1280] : memref<8192x128xf32, #tpu.memory_space<vmem>>, vector<64x128xf32>
    tpu.vector_store %arg4[%swap3A_1279, %swap3A_1280], %dot_general3A_1278 {strides = array<i32>} : memref<8192x128xf32, #tpu.memory_space<vmem>>, vector<64x128xf32>,
    %reduce_max3A_1282 = arith.constant dense<0xFF800000> : vector<64xf32>
    %reduce_max3A_1283 = vector.multi_reduction <maximumf>, %dot_general3A_1278, %reduce_max3A_1282 [1] : vector<64x128xf32> to vector<64xf32>
    %broadcast_in_dim3A_1284 = vector.shape_cast %reduce_max3A_1283 : vector<64xf32> to vector<64x1xf32>
    %get3A_1285 = arith.constant 0 : index
    %get3A_1286 = arith.constant 0 : index
    %get3A_1287 = vector.load %arg7[%get3A_1285, %get3A_1286] : memref<64x128xf32, #tpu.memory_space<vmem>>, vector<64x128xf32>
    %get3A_1288 = arith.constant 11776 : index
    %get3A_1289 = arith.constant 0 : index
    %get3A_1290 = vector.load %arg3[%get3A_1288, %get3A_1289] : memref<16384x128xf32, #tpu.memory_space<vmem>>, vector<128x128xf32>
    %dot_general3A_1291 = arith.constant dense<0.000000e+00> : vector<64x128xf32>
    %dot_general3A_1292 = tpu.matmul %get3A_1287, %get3A_1290, %dot_general3A_1291 {dimension_numbers = #tpu.dot_dimension_numbers<[1], [1], [0], [0], [0, 0, 1, 0], [], []>, transpose_lhs_hint = false} : vector<64x128xf32>, vector<128x128xf32>, vector<64x128xf32> -> vector<64x128xf32>
    %swap3A_1293 = arith.constant 5888 : index
    %swap3A_1294 = arith.constant 0 : index
    %swap3A_1295 = vector.load %arg4[%swap3A_1293, %swap3A_1294] : memref<8192x128xf32, #tpu.memory_space<vmem>>, vector<64x128xf32>
    tpu.vector_store %arg4[%swap3A_1293, %swap3A_1294], %dot_general3A_1292 {strides = array<i32>} : memref<8192x128xf32, #tpu.memory_space<vmem>>, vector<64x128xf32>,
    %reduce_max3A_1296 = arith.constant dense<0xFF800000> : vector<64xf32>
    %reduce_max3A_1297 = vector.multi_reduction <maximumf>, %dot_general3A_1292, %reduce_max3A_1296 [1] : vector<64x128xf32> to vector<64xf32>
    %broadcast_in_dim3A_1298 = vector.shape_cast %reduce_max3A_1297 : vector<64xf32> to vector<64x1xf32>
    %get3A_1299 = arith.constant 0 : index
    %get3A_1300 = arith.constant 0 : index
    %get3A_1301 = vector.load %arg7[%get3A_1299, %get3A_1300] : memref<64x128xf32, #tpu.memory_space<vmem>>, vector<64x128xf32>
    %get3A_1302 = arith.constant 11904 : index
    %get3A_1303 = arith.constant 0 : index
    %get3A_1304 = vector.load %arg3[%get3A_1302, %get3A_1303] : memref<16384x128xf32, #tpu.memory_space<vmem>>, vector<128x128xf32>
    %dot_general3A_1305 = arith.constant dense<0.000000e+00> : vector<64x128xf32>
    %dot_general3A_1306 = tpu.matmul %get3A_1301, %get3A_1304, %dot_general3A_1305 {dimension_numbers = #tpu.dot_dimension_numbers<[1], [1], [0], [0], [0, 0, 1, 0], [], []>, transpose_lhs_hint = false} : vector<64x128xf32>, vector<128x128xf32>, vector<64x128xf32> -> vector<64x128xf32>
    %swap3A_1307 = arith.constant 5952 : index
    %swap3A_1308 = arith.constant 0 : index
    %swap3A_1309 = vector.load %arg4[%swap3A_1307, %swap3A_1308] : memref<8192x128xf32, #tpu.memory_space<vmem>>, vector<64x128xf32>
    tpu.vector_store %arg4[%swap3A_1307, %swap3A_1308], %dot_general3A_1306 {strides = array<i32>} : memref<8192x128xf32, #tpu.memory_space<vmem>>, vector<64x128xf32>,
    %reduce_max3A_1310 = arith.constant dense<0xFF800000> : vector<64xf32>
    %reduce_max3A_1311 = vector.multi_reduction <maximumf>, %dot_general3A_1306, %reduce_max3A_1310 [1] : vector<64x128xf32> to vector<64xf32>
    %broadcast_in_dim3A_1312 = vector.shape_cast %reduce_max3A_1311 : vector<64xf32> to vector<64x1xf32>
    %get3A_1313 = arith.constant 0 : index
    %get3A_1314 = arith.constant 0 : index
    %get3A_1315 = vector.load %arg7[%get3A_1313, %get3A_1314] : memref<64x128xf32, #tpu.memory_space<vmem>>, vector<64x128xf32>
    %get3A_1316 = arith.constant 12032 : index
    %get3A_1317 = arith.constant 0 : index
    %get3A_1318 = vector.load %arg3[%get3A_1316, %get3A_1317] : memref<16384x128xf32, #tpu.memory_space<vmem>>, vector<128x128xf32>
    %dot_general3A_1319 = arith.constant dense<0.000000e+00> : vector<64x128xf32>
    %dot_general3A_1320 = tpu.matmul %get3A_1315, %get3A_1318, %dot_general3A_1319 {dimension_numbers = #tpu.dot_dimension_numbers<[1], [1], [0], [0], [0, 0, 1, 0], [], []>, transpose_lhs_hint = false} : vector<64x128xf32>, vector<128x128xf32>, vector<64x128xf32> -> vector<64x128xf32>
    %swap3A_1321 = arith.constant 6016 : index
    %swap3A_1322 = arith.constant 0 : index
    %swap3A_1323 = vector.load %arg4[%swap3A_1321, %swap3A_1322] : memref<8192x128xf32, #tpu.memory_space<vmem>>, vector<64x128xf32>
    tpu.vector_store %arg4[%swap3A_1321, %swap3A_1322], %dot_general3A_1320 {strides = array<i32>} : memref<8192x128xf32, #tpu.memory_space<vmem>>, vector<64x128xf32>,
    %reduce_max3A_1324 = arith.constant dense<0xFF800000> : vector<64xf32>
    %reduce_max3A_1325 = vector.multi_reduction <maximumf>, %dot_general3A_1320, %reduce_max3A_1324 [1] : vector<64x128xf32> to vector<64xf32>
    %broadcast_in_dim3A_1326 = vector.shape_cast %reduce_max3A_1325 : vector<64xf32> to vector<64x1xf32>
    %get3A_1327 = arith.constant 0 : index
    %get3A_1328 = arith.constant 0 : index
    %get3A_1329 = vector.load %arg7[%get3A_1327, %get3A_1328] : memref<64x128xf32, #tpu.memory_space<vmem>>, vector<64x128xf32>
    %get3A_1330 = arith.constant 12160 : index
    %get3A_1331 = arith.constant 0 : index
    %get3A_1332 = vector.load %arg3[%get3A_1330, %get3A_1331] : memref<16384x128xf32, #tpu.memory_space<vmem>>, vector<128x128xf32>
    %dot_general3A_1333 = arith.constant dense<0.000000e+00> : vector<64x128xf32>
    %dot_general3A_1334 = tpu.matmul %get3A_1329, %get3A_1332, %dot_general3A_1333 {dimension_numbers = #tpu.dot_dimension_numbers<[1], [1], [0], [0], [0, 0, 1, 0], [], []>, transpose_lhs_hint = false} : vector<64x128xf32>, vector<128x128xf32>, vector<64x128xf32> -> vector<64x128xf32>
    %swap3A_1335 = arith.constant 6080 : index
    %swap3A_1336 = arith.constant 0 : index
    %swap3A_1337 = vector.load %arg4[%swap3A_1335, %swap3A_1336] : memref<8192x128xf32, #tpu.memory_space<vmem>>, vector<64x128xf32>
    tpu.vector_store %arg4[%swap3A_1335, %swap3A_1336], %dot_general3A_1334 {strides = array<i32>} : memref<8192x128xf32, #tpu.memory_space<vmem>>, vector<64x128xf32>,
    %reduce_max3A_1338 = arith.constant dense<0xFF800000> : vector<64xf32>
    %reduce_max3A_1339 = vector.multi_reduction <maximumf>, %dot_general3A_1334, %reduce_max3A_1338 [1] : vector<64x128xf32> to vector<64xf32>
    %broadcast_in_dim3A_1340 = vector.shape_cast %reduce_max3A_1339 : vector<64xf32> to vector<64x1xf32>
    %get3A_1341 = arith.constant 0 : index
    %get3A_1342 = arith.constant 0 : index
    %get3A_1343 = vector.load %arg7[%get3A_1341, %get3A_1342] : memref<64x128xf32, #tpu.memory_space<vmem>>, vector<64x128xf32>
    %get3A_1344 = arith.constant 12288 : index
    %get3A_1345 = arith.constant 0 : index
    %get3A_1346 = vector.load %arg3[%get3A_1344, %get3A_1345] : memref<16384x128xf32, #tpu.memory_space<vmem>>, vector<128x128xf32>
    %dot_general3A_1347 = arith.constant dense<0.000000e+00> : vector<64x128xf32>
    %dot_general3A_1348 = tpu.matmul %get3A_1343, %get3A_1346, %dot_general3A_1347 {dimension_numbers = #tpu.dot_dimension_numbers<[1], [1], [0], [0], [0, 0, 1, 0], [], []>, transpose_lhs_hint = false} : vector<64x128xf32>, vector<128x128xf32>, vector<64x128xf32> -> vector<64x128xf32>
    %swap3A_1349 = arith.constant 6144 : index
    %swap3A_1350 = arith.constant 0 : index
    %swap3A_1351 = vector.load %arg4[%swap3A_1349, %swap3A_1350] : memref<8192x128xf32, #tpu.memory_space<vmem>>, vector<64x128xf32>
    tpu.vector_store %arg4[%swap3A_1349, %swap3A_1350], %dot_general3A_1348 {strides = array<i32>} : memref<8192x128xf32, #tpu.memory_space<vmem>>, vector<64x128xf32>,
    %reduce_max3A_1352 = arith.constant dense<0xFF800000> : vector<64xf32>
    %reduce_max3A_1353 = vector.multi_reduction <maximumf>, %dot_general3A_1348, %reduce_max3A_1352 [1] : vector<64x128xf32> to vector<64xf32>
    %broadcast_in_dim3A_1354 = vector.shape_cast %reduce_max3A_1353 : vector<64xf32> to vector<64x1xf32>
    %get3A_1355 = arith.constant 0 : index
    %get3A_1356 = arith.constant 0 : index
    %get3A_1357 = vector.load %arg7[%get3A_1355, %get3A_1356] : memref<64x128xf32, #tpu.memory_space<vmem>>, vector<64x128xf32>
    %get3A_1358 = arith.constant 12416 : index
    %get3A_1359 = arith.constant 0 : index
    %get3A_1360 = vector.load %arg3[%get3A_1358, %get3A_1359] : memref<16384x128xf32, #tpu.memory_space<vmem>>, vector<128x128xf32>
    %dot_general3A_1361 = arith.constant dense<0.000000e+00> : vector<64x128xf32>
    %dot_general3A_1362 = tpu.matmul %get3A_1357, %get3A_1360, %dot_general3A_1361 {dimension_numbers = #tpu.dot_dimension_numbers<[1], [1], [0], [0], [0, 0, 1, 0], [], []>, transpose_lhs_hint = false} : vector<64x128xf32>, vector<128x128xf32>, vector<64x128xf32> -> vector<64x128xf32>
    %swap3A_1363 = arith.constant 6208 : index
    %swap3A_1364 = arith.constant 0 : index
    %swap3A_1365 = vector.load %arg4[%swap3A_1363, %swap3A_1364] : memref<8192x128xf32, #tpu.memory_space<vmem>>, vector<64x128xf32>
    tpu.vector_store %arg4[%swap3A_1363, %swap3A_1364], %dot_general3A_1362 {strides = array<i32>} : memref<8192x128xf32, #tpu.memory_space<vmem>>, vector<64x128xf32>,
    %reduce_max3A_1366 = arith.constant dense<0xFF800000> : vector<64xf32>
    %reduce_max3A_1367 = vector.multi_reduction <maximumf>, %dot_general3A_1362, %reduce_max3A_1366 [1] : vector<64x128xf32> to vector<64xf32>
    %broadcast_in_dim3A_1368 = vector.shape_cast %reduce_max3A_1367 : vector<64xf32> to vector<64x1xf32>
    %get3A_1369 = arith.constant 0 : index
    %get3A_1370 = arith.constant 0 : index
    %get3A_1371 = vector.load %arg7[%get3A_1369, %get3A_1370] : memref<64x128xf32, #tpu.memory_space<vmem>>, vector<64x128xf32>
    %get3A_1372 = arith.constant 12544 : index
    %get3A_1373 = arith.constant 0 : index
    %get3A_1374 = vector.load %arg3[%get3A_1372, %get3A_1373] : memref<16384x128xf32, #tpu.memory_space<vmem>>, vector<128x128xf32>
    %dot_general3A_1375 = arith.constant dense<0.000000e+00> : vector<64x128xf32>
    %dot_general3A_1376 = tpu.matmul %get3A_1371, %get3A_1374, %dot_general3A_1375 {dimension_numbers = #tpu.dot_dimension_numbers<[1], [1], [0], [0], [0, 0, 1, 0], [], []>, transpose_lhs_hint = false} : vector<64x128xf32>, vector<128x128xf32>, vector<64x128xf32> -> vector<64x128xf32>
    %swap3A_1377 = arith.constant 6272 : index
    %swap3A_1378 = arith.constant 0 : index
    %swap3A_1379 = vector.load %arg4[%swap3A_1377, %swap3A_1378] : memref<8192x128xf32, #tpu.memory_space<vmem>>, vector<64x128xf32>
    tpu.vector_store %arg4[%swap3A_1377, %swap3A_1378], %dot_general3A_1376 {strides = array<i32>} : memref<8192x128xf32, #tpu.memory_space<vmem>>, vector<64x128xf32>,
    %reduce_max3A_1380 = arith.constant dense<0xFF800000> : vector<64xf32>
    %reduce_max3A_1381 = vector.multi_reduction <maximumf>, %dot_general3A_1376, %reduce_max3A_1380 [1] : vector<64x128xf32> to vector<64xf32>
    %broadcast_in_dim3A_1382 = vector.shape_cast %reduce_max3A_1381 : vector<64xf32> to vector<64x1xf32>
    %get3A_1383 = arith.constant 0 : index
    %get3A_1384 = arith.constant 0 : index
    %get3A_1385 = vector.load %arg7[%get3A_1383, %get3A_1384] : memref<64x128xf32, #tpu.memory_space<vmem>>, vector<64x128xf32>
    %get3A_1386 = arith.constant 12672 : index
    %get3A_1387 = arith.constant 0 : index
    %get3A_1388 = vector.load %arg3[%get3A_1386, %get3A_1387] : memref<16384x128xf32, #tpu.memory_space<vmem>>, vector<128x128xf32>
    %dot_general3A_1389 = arith.constant dense<0.000000e+00> : vector<64x128xf32>
    %dot_general3A_1390 = tpu.matmul %get3A_1385, %get3A_1388, %dot_general3A_1389 {dimension_numbers = #tpu.dot_dimension_numbers<[1], [1], [0], [0], [0, 0, 1, 0], [], []>, transpose_lhs_hint = false} : vector<64x128xf32>, vector<128x128xf32>, vector<64x128xf32> -> vector<64x128xf32>
    %swap3A_1391 = arith.constant 6336 : index
    %swap3A_1392 = arith.constant 0 : index
    %swap3A_1393 = vector.load %arg4[%swap3A_1391, %swap3A_1392] : memref<8192x128xf32, #tpu.memory_space<vmem>>, vector<64x128xf32>
    tpu.vector_store %arg4[%swap3A_1391, %swap3A_1392], %dot_general3A_1390 {strides = array<i32>} : memref<8192x128xf32, #tpu.memory_space<vmem>>, vector<64x128xf32>,
    %reduce_max3A_1394 = arith.constant dense<0xFF800000> : vector<64xf32>
    %reduce_max3A_1395 = vector.multi_reduction <maximumf>, %dot_general3A_1390, %reduce_max3A_1394 [1] : vector<64x128xf32> to vector<64xf32>
    %broadcast_in_dim3A_1396 = vector.shape_cast %reduce_max3A_1395 : vector<64xf32> to vector<64x1xf32>
    %get3A_1397 = arith.constant 0 : index
    %get3A_1398 = arith.constant 0 : index
    %get3A_1399 = vector.load %arg7[%get3A_1397, %get3A_1398] : memref<64x128xf32, #tpu.memory_space<vmem>>, vector<64x128xf32>
    %get3A_1400 = arith.constant 12800 : index
    %get3A_1401 = arith.constant 0 : index
    %get3A_1402 = vector.load %arg3[%get3A_1400, %get3A_1401] : memref<16384x128xf32, #tpu.memory_space<vmem>>, vector<128x128xf32>
    %dot_general3A_1403 = arith.constant dense<0.000000e+00> : vector<64x128xf32>
    %dot_general3A_1404 = tpu.matmul %get3A_1399, %get3A_1402, %dot_general3A_1403 {dimension_numbers = #tpu.dot_dimension_numbers<[1], [1], [0], [0], [0, 0, 1, 0], [], []>, transpose_lhs_hint = false} : vector<64x128xf32>, vector<128x128xf32>, vector<64x128xf32> -> vector<64x128xf32>
    %swap3A_1405 = arith.constant 6400 : index
    %swap3A_1406 = arith.constant 0 : index
    %swap3A_1407 = vector.load %arg4[%swap3A_1405, %swap3A_1406] : memref<8192x128xf32, #tpu.memory_space<vmem>>, vector<64x128xf32>
    tpu.vector_store %arg4[%swap3A_1405, %swap3A_1406], %dot_general3A_1404 {strides = array<i32>} : memref<8192x128xf32, #tpu.memory_space<vmem>>, vector<64x128xf32>,
    %reduce_max3A_1408 = arith.constant dense<0xFF800000> : vector<64xf32>
    %reduce_max3A_1409 = vector.multi_reduction <maximumf>, %dot_general3A_1404, %reduce_max3A_1408 [1] : vector<64x128xf32> to vector<64xf32>
    %broadcast_in_dim3A_1410 = vector.shape_cast %reduce_max3A_1409 : vector<64xf32> to vector<64x1xf32>
    %get3A_1411 = arith.constant 0 : index
    %get3A_1412 = arith.constant 0 : index
    %get3A_1413 = vector.load %arg7[%get3A_1411, %get3A_1412] : memref<64x128xf32, #tpu.memory_space<vmem>>, vector<64x128xf32>
    %get3A_1414 = arith.constant 12928 : index
    %get3A_1415 = arith.constant 0 : index
    %get3A_1416 = vector.load %arg3[%get3A_1414, %get3A_1415] : memref<16384x128xf32, #tpu.memory_space<vmem>>, vector<128x128xf32>
    %dot_general3A_1417 = arith.constant dense<0.000000e+00> : vector<64x128xf32>
    %dot_general3A_1418 = tpu.matmul %get3A_1413, %get3A_1416, %dot_general3A_1417 {dimension_numbers = #tpu.dot_dimension_numbers<[1], [1], [0], [0], [0, 0, 1, 0], [], []>, transpose_lhs_hint = false} : vector<64x128xf32>, vector<128x128xf32>, vector<64x128xf32> -> vector<64x128xf32>
    %swap3A_1419 = arith.constant 6464 : index
    %swap3A_1420 = arith.constant 0 : index
    %swap3A_1421 = vector.load %arg4[%swap3A_1419, %swap3A_1420] : memref<8192x128xf32, #tpu.memory_space<vmem>>, vector<64x128xf32>
    tpu.vector_store %arg4[%swap3A_1419, %swap3A_1420], %dot_general3A_1418 {strides = array<i32>} : memref<8192x128xf32, #tpu.memory_space<vmem>>, vector<64x128xf32>,
    %reduce_max3A_1422 = arith.constant dense<0xFF800000> : vector<64xf32>
    %reduce_max3A_1423 = vector.multi_reduction <maximumf>, %dot_general3A_1418, %reduce_max3A_1422 [1] : vector<64x128xf32> to vector<64xf32>
    %broadcast_in_dim3A_1424 = vector.shape_cast %reduce_max3A_1423 : vector<64xf32> to vector<64x1xf32>
    %get3A_1425 = arith.constant 0 : index
    %get3A_1426 = arith.constant 0 : index
    %get3A_1427 = vector.load %arg7[%get3A_1425, %get3A_1426] : memref<64x128xf32, #tpu.memory_space<vmem>>, vector<64x128xf32>
    %get3A_1428 = arith.constant 13056 : index
    %get3A_1429 = arith.constant 0 : index
    %get3A_1430 = vector.load %arg3[%get3A_1428, %get3A_1429] : memref<16384x128xf32, #tpu.memory_space<vmem>>, vector<128x128xf32>
    %dot_general3A_1431 = arith.constant dense<0.000000e+00> : vector<64x128xf32>
    %dot_general3A_1432 = tpu.matmul %get3A_1427, %get3A_1430, %dot_general3A_1431 {dimension_numbers = #tpu.dot_dimension_numbers<[1], [1], [0], [0], [0, 0, 1, 0], [], []>, transpose_lhs_hint = false} : vector<64x128xf32>, vector<128x128xf32>, vector<64x128xf32> -> vector<64x128xf32>
    %swap3A_1433 = arith.constant 6528 : index
    %swap3A_1434 = arith.constant 0 : index
    %swap3A_1435 = vector.load %arg4[%swap3A_1433, %swap3A_1434] : memref<8192x128xf32, #tpu.memory_space<vmem>>, vector<64x128xf32>
    tpu.vector_store %arg4[%swap3A_1433, %swap3A_1434], %dot_general3A_1432 {strides = array<i32>} : memref<8192x128xf32, #tpu.memory_space<vmem>>, vector<64x128xf32>,
    %reduce_max3A_1436 = arith.constant dense<0xFF800000> : vector<64xf32>
    %reduce_max3A_1437 = vector.multi_reduction <maximumf>, %dot_general3A_1432, %reduce_max3A_1436 [1] : vector<64x128xf32> to vector<64xf32>
    %broadcast_in_dim3A_1438 = vector.shape_cast %reduce_max3A_1437 : vector<64xf32> to vector<64x1xf32>
    %get3A_1439 = arith.constant 0 : index
    %get3A_1440 = arith.constant 0 : index
    %get3A_1441 = vector.load %arg7[%get3A_1439, %get3A_1440] : memref<64x128xf32, #tpu.memory_space<vmem>>, vector<64x128xf32>
    %get3A_1442 = arith.constant 13184 : index
    %get3A_1443 = arith.constant 0 : index
    %get3A_1444 = vector.load %arg3[%get3A_1442, %get3A_1443] : memref<16384x128xf32, #tpu.memory_space<vmem>>, vector<128x128xf32>
    %dot_general3A_1445 = arith.constant dense<0.000000e+00> : vector<64x128xf32>
    %dot_general3A_1446 = tpu.matmul %get3A_1441, %get3A_1444, %dot_general3A_1445 {dimension_numbers = #tpu.dot_dimension_numbers<[1], [1], [0], [0], [0, 0, 1, 0], [], []>, transpose_lhs_hint = false} : vector<64x128xf32>, vector<128x128xf32>, vector<64x128xf32> -> vector<64x128xf32>
    %swap3A_1447 = arith.constant 6592 : index
    %swap3A_1448 = arith.constant 0 : index
    %swap3A_1449 = vector.load %arg4[%swap3A_1447, %swap3A_1448] : memref<8192x128xf32, #tpu.memory_space<vmem>>, vector<64x128xf32>
    tpu.vector_store %arg4[%swap3A_1447, %swap3A_1448], %dot_general3A_1446 {strides = array<i32>} : memref<8192x128xf32, #tpu.memory_space<vmem>>, vector<64x128xf32>,
    %reduce_max3A_1450 = arith.constant dense<0xFF800000> : vector<64xf32>
    %reduce_max3A_1451 = vector.multi_reduction <maximumf>, %dot_general3A_1446, %reduce_max3A_1450 [1] : vector<64x128xf32> to vector<64xf32>
    %broadcast_in_dim3A_1452 = vector.shape_cast %reduce_max3A_1451 : vector<64xf32> to vector<64x1xf32>
    %get3A_1453 = arith.constant 0 : index
    %get3A_1454 = arith.constant 0 : index
    %get3A_1455 = vector.load %arg7[%get3A_1453, %get3A_1454] : memref<64x128xf32, #tpu.memory_space<vmem>>, vector<64x128xf32>
    %get3A_1456 = arith.constant 13312 : index
    %get3A_1457 = arith.constant 0 : index
    %get3A_1458 = vector.load %arg3[%get3A_1456, %get3A_1457] : memref<16384x128xf32, #tpu.memory_space<vmem>>, vector<128x128xf32>
    %dot_general3A_1459 = arith.constant dense<0.000000e+00> : vector<64x128xf32>
    %dot_general3A_1460 = tpu.matmul %get3A_1455, %get3A_1458, %dot_general3A_1459 {dimension_numbers = #tpu.dot_dimension_numbers<[1], [1], [0], [0], [0, 0, 1, 0], [], []>, transpose_lhs_hint = false} : vector<64x128xf32>, vector<128x128xf32>, vector<64x128xf32> -> vector<64x128xf32>
    %swap3A_1461 = arith.constant 6656 : index
    %swap3A_1462 = arith.constant 0 : index
    %swap3A_1463 = vector.load %arg4[%swap3A_1461, %swap3A_1462] : memref<8192x128xf32, #tpu.memory_space<vmem>>, vector<64x128xf32>
    tpu.vector_store %arg4[%swap3A_1461, %swap3A_1462], %dot_general3A_1460 {strides = array<i32>} : memref<8192x128xf32, #tpu.memory_space<vmem>>, vector<64x128xf32>,
    %reduce_max3A_1464 = arith.constant dense<0xFF800000> : vector<64xf32>
    %reduce_max3A_1465 = vector.multi_reduction <maximumf>, %dot_general3A_1460, %reduce_max3A_1464 [1] : vector<64x128xf32> to vector<64xf32>
    %broadcast_in_dim3A_1466 = vector.shape_cast %reduce_max3A_1465 : vector<64xf32> to vector<64x1xf32>
    %get3A_1467 = arith.constant 0 : index
    %get3A_1468 = arith.constant 0 : index
    %get3A_1469 = vector.load %arg7[%get3A_1467, %get3A_1468] : memref<64x128xf32, #tpu.memory_space<vmem>>, vector<64x128xf32>
    %get3A_1470 = arith.constant 13440 : index
    %get3A_1471 = arith.constant 0 : index
    %get3A_1472 = vector.load %arg3[%get3A_1470, %get3A_1471] : memref<16384x128xf32, #tpu.memory_space<vmem>>, vector<128x128xf32>
    %dot_general3A_1473 = arith.constant dense<0.000000e+00> : vector<64x128xf32>
    %dot_general3A_1474 = tpu.matmul %get3A_1469, %get3A_1472, %dot_general3A_1473 {dimension_numbers = #tpu.dot_dimension_numbers<[1], [1], [0], [0], [0, 0, 1, 0], [], []>, transpose_lhs_hint = false} : vector<64x128xf32>, vector<128x128xf32>, vector<64x128xf32> -> vector<64x128xf32>
    %swap3A_1475 = arith.constant 6720 : index
    %swap3A_1476 = arith.constant 0 : index
    %swap3A_1477 = vector.load %arg4[%swap3A_1475, %swap3A_1476] : memref<8192x128xf32, #tpu.memory_space<vmem>>, vector<64x128xf32>
    tpu.vector_store %arg4[%swap3A_1475, %swap3A_1476], %dot_general3A_1474 {strides = array<i32>} : memref<8192x128xf32, #tpu.memory_space<vmem>>, vector<64x128xf32>,
    %reduce_max3A_1478 = arith.constant dense<0xFF800000> : vector<64xf32>
    %reduce_max3A_1479 = vector.multi_reduction <maximumf>, %dot_general3A_1474, %reduce_max3A_1478 [1] : vector<64x128xf32> to vector<64xf32>
    %broadcast_in_dim3A_1480 = vector.shape_cast %reduce_max3A_1479 : vector<64xf32> to vector<64x1xf32>
    %get3A_1481 = arith.constant 0 : index
    %get3A_1482 = arith.constant 0 : index
    %get3A_1483 = vector.load %arg7[%get3A_1481, %get3A_1482] : memref<64x128xf32, #tpu.memory_space<vmem>>, vector<64x128xf32>
    %get3A_1484 = arith.constant 13568 : index
    %get3A_1485 = arith.constant 0 : index
    %get3A_1486 = vector.load %arg3[%get3A_1484, %get3A_1485] : memref<16384x128xf32, #tpu.memory_space<vmem>>, vector<128x128xf32>
    %dot_general3A_1487 = arith.constant dense<0.000000e+00> : vector<64x128xf32>
    %dot_general3A_1488 = tpu.matmul %get3A_1483, %get3A_1486, %dot_general3A_1487 {dimension_numbers = #tpu.dot_dimension_numbers<[1], [1], [0], [0], [0, 0, 1, 0], [], []>, transpose_lhs_hint = false} : vector<64x128xf32>, vector<128x128xf32>, vector<64x128xf32> -> vector<64x128xf32>
    %swap3A_1489 = arith.constant 6784 : index
    %swap3A_1490 = arith.constant 0 : index
    %swap3A_1491 = vector.load %arg4[%swap3A_1489, %swap3A_1490] : memref<8192x128xf32, #tpu.memory_space<vmem>>, vector<64x128xf32>
    tpu.vector_store %arg4[%swap3A_1489, %swap3A_1490], %dot_general3A_1488 {strides = array<i32>} : memref<8192x128xf32, #tpu.memory_space<vmem>>, vector<64x128xf32>,
    %reduce_max3A_1492 = arith.constant dense<0xFF800000> : vector<64xf32>
    %reduce_max3A_1493 = vector.multi_reduction <maximumf>, %dot_general3A_1488, %reduce_max3A_1492 [1] : vector<64x128xf32> to vector<64xf32>
    %broadcast_in_dim3A_1494 = vector.shape_cast %reduce_max3A_1493 : vector<64xf32> to vector<64x1xf32>
    %get3A_1495 = arith.constant 0 : index
    %get3A_1496 = arith.constant 0 : index
    %get3A_1497 = vector.load %arg7[%get3A_1495, %get3A_1496] : memref<64x128xf32, #tpu.memory_space<vmem>>, vector<64x128xf32>
    %get3A_1498 = arith.constant 13696 : index
    %get3A_1499 = arith.constant 0 : index
    %get3A_1500 = vector.load %arg3[%get3A_1498, %get3A_1499] : memref<16384x128xf32, #tpu.memory_space<vmem>>, vector<128x128xf32>
    %dot_general3A_1501 = arith.constant dense<0.000000e+00> : vector<64x128xf32>
    %dot_general3A_1502 = tpu.matmul %get3A_1497, %get3A_1500, %dot_general3A_1501 {dimension_numbers = #tpu.dot_dimension_numbers<[1], [1], [0], [0], [0, 0, 1, 0], [], []>, transpose_lhs_hint = false} : vector<64x128xf32>, vector<128x128xf32>, vector<64x128xf32> -> vector<64x128xf32>
    %swap3A_1503 = arith.constant 6848 : index
    %swap3A_1504 = arith.constant 0 : index
    %swap3A_1505 = vector.load %arg4[%swap3A_1503, %swap3A_1504] : memref<8192x128xf32, #tpu.memory_space<vmem>>, vector<64x128xf32>
    tpu.vector_store %arg4[%swap3A_1503, %swap3A_1504], %dot_general3A_1502 {strides = array<i32>} : memref<8192x128xf32, #tpu.memory_space<vmem>>, vector<64x128xf32>,
    %reduce_max3A_1506 = arith.constant dense<0xFF800000> : vector<64xf32>
    %reduce_max3A_1507 = vector.multi_reduction <maximumf>, %dot_general3A_1502, %reduce_max3A_1506 [1] : vector<64x128xf32> to vector<64xf32>
    %broadcast_in_dim3A_1508 = vector.shape_cast %reduce_max3A_1507 : vector<64xf32> to vector<64x1xf32>
    %get3A_1509 = arith.constant 0 : index
    %get3A_1510 = arith.constant 0 : index
    %get3A_1511 = vector.load %arg7[%get3A_1509, %get3A_1510] : memref<64x128xf32, #tpu.memory_space<vmem>>, vector<64x128xf32>
    %get3A_1512 = arith.constant 13824 : index
    %get3A_1513 = arith.constant 0 : index
    %get3A_1514 = vector.load %arg3[%get3A_1512, %get3A_1513] : memref<16384x128xf32, #tpu.memory_space<vmem>>, vector<128x128xf32>
    %dot_general3A_1515 = arith.constant dense<0.000000e+00> : vector<64x128xf32>
    %dot_general3A_1516 = tpu.matmul %get3A_1511, %get3A_1514, %dot_general3A_1515 {dimension_numbers = #tpu.dot_dimension_numbers<[1], [1], [0], [0], [0, 0, 1, 0], [], []>, transpose_lhs_hint = false} : vector<64x128xf32>, vector<128x128xf32>, vector<64x128xf32> -> vector<64x128xf32>
    %swap3A_1517 = arith.constant 6912 : index
    %swap3A_1518 = arith.constant 0 : index
    %swap3A_1519 = vector.load %arg4[%swap3A_1517, %swap3A_1518] : memref<8192x128xf32, #tpu.memory_space<vmem>>, vector<64x128xf32>
    tpu.vector_store %arg4[%swap3A_1517, %swap3A_1518], %dot_general3A_1516 {strides = array<i32>} : memref<8192x128xf32, #tpu.memory_space<vmem>>, vector<64x128xf32>,
    %reduce_max3A_1520 = arith.constant dense<0xFF800000> : vector<64xf32>
    %reduce_max3A_1521 = vector.multi_reduction <maximumf>, %dot_general3A_1516, %reduce_max3A_1520 [1] : vector<64x128xf32> to vector<64xf32>
    %broadcast_in_dim3A_1522 = vector.shape_cast %reduce_max3A_1521 : vector<64xf32> to vector<64x1xf32>
    %get3A_1523 = arith.constant 0 : index
    %get3A_1524 = arith.constant 0 : index
    %get3A_1525 = vector.load %arg7[%get3A_1523, %get3A_1524] : memref<64x128xf32, #tpu.memory_space<vmem>>, vector<64x128xf32>
    %get3A_1526 = arith.constant 13952 : index
    %get3A_1527 = arith.constant 0 : index
    %get3A_1528 = vector.load %arg3[%get3A_1526, %get3A_1527] : memref<16384x128xf32, #tpu.memory_space<vmem>>, vector<128x128xf32>
    %dot_general3A_1529 = arith.constant dense<0.000000e+00> : vector<64x128xf32>
    %dot_general3A_1530 = tpu.matmul %get3A_1525, %get3A_1528, %dot_general3A_1529 {dimension_numbers = #tpu.dot_dimension_numbers<[1], [1], [0], [0], [0, 0, 1, 0], [], []>, transpose_lhs_hint = false} : vector<64x128xf32>, vector<128x128xf32>, vector<64x128xf32> -> vector<64x128xf32>
    %swap3A_1531 = arith.constant 6976 : index
    %swap3A_1532 = arith.constant 0 : index
    %swap3A_1533 = vector.load %arg4[%swap3A_1531, %swap3A_1532] : memref<8192x128xf32, #tpu.memory_space<vmem>>, vector<64x128xf32>
    tpu.vector_store %arg4[%swap3A_1531, %swap3A_1532], %dot_general3A_1530 {strides = array<i32>} : memref<8192x128xf32, #tpu.memory_space<vmem>>, vector<64x128xf32>,
    %reduce_max3A_1534 = arith.constant dense<0xFF800000> : vector<64xf32>
    %reduce_max3A_1535 = vector.multi_reduction <maximumf>, %dot_general3A_1530, %reduce_max3A_1534 [1] : vector<64x128xf32> to vector<64xf32>
    %broadcast_in_dim3A_1536 = vector.shape_cast %reduce_max3A_1535 : vector<64xf32> to vector<64x1xf32>
    %get3A_1537 = arith.constant 0 : index
    %get3A_1538 = arith.constant 0 : index
    %get3A_1539 = vector.load %arg7[%get3A_1537, %get3A_1538] : memref<64x128xf32, #tpu.memory_space<vmem>>, vector<64x128xf32>
    %get3A_1540 = arith.constant 14080 : index
    %get3A_1541 = arith.constant 0 : index
    %get3A_1542 = vector.load %arg3[%get3A_1540, %get3A_1541] : memref<16384x128xf32, #tpu.memory_space<vmem>>, vector<128x128xf32>
    %dot_general3A_1543 = arith.constant dense<0.000000e+00> : vector<64x128xf32>
    %dot_general3A_1544 = tpu.matmul %get3A_1539, %get3A_1542, %dot_general3A_1543 {dimension_numbers = #tpu.dot_dimension_numbers<[1], [1], [0], [0], [0, 0, 1, 0], [], []>, transpose_lhs_hint = false} : vector<64x128xf32>, vector<128x128xf32>, vector<64x128xf32> -> vector<64x128xf32>
    %swap3A_1545 = arith.constant 7040 : index
    %swap3A_1546 = arith.constant 0 : index
    %swap3A_1547 = vector.load %arg4[%swap3A_1545, %swap3A_1546] : memref<8192x128xf32, #tpu.memory_space<vmem>>, vector<64x128xf32>
    tpu.vector_store %arg4[%swap3A_1545, %swap3A_1546], %dot_general3A_1544 {strides = array<i32>} : memref<8192x128xf32, #tpu.memory_space<vmem>>, vector<64x128xf32>,
    %reduce_max3A_1548 = arith.constant dense<0xFF800000> : vector<64xf32>
    %reduce_max3A_1549 = vector.multi_reduction <maximumf>, %dot_general3A_1544, %reduce_max3A_1548 [1] : vector<64x128xf32> to vector<64xf32>
    %broadcast_in_dim3A_1550 = vector.shape_cast %reduce_max3A_1549 : vector<64xf32> to vector<64x1xf32>
    %get3A_1551 = arith.constant 0 : index
    %get3A_1552 = arith.constant 0 : index
    %get3A_1553 = vector.load %arg7[%get3A_1551, %get3A_1552] : memref<64x128xf32, #tpu.memory_space<vmem>>, vector<64x128xf32>
    %get3A_1554 = arith.constant 14208 : index
    %get3A_1555 = arith.constant 0 : index
    %get3A_1556 = vector.load %arg3[%get3A_1554, %get3A_1555] : memref<16384x128xf32, #tpu.memory_space<vmem>>, vector<128x128xf32>
    %dot_general3A_1557 = arith.constant dense<0.000000e+00> : vector<64x128xf32>
    %dot_general3A_1558 = tpu.matmul %get3A_1553, %get3A_1556, %dot_general3A_1557 {dimension_numbers = #tpu.dot_dimension_numbers<[1], [1], [0], [0], [0, 0, 1, 0], [], []>, transpose_lhs_hint = false} : vector<64x128xf32>, vector<128x128xf32>, vector<64x128xf32> -> vector<64x128xf32>
    %swap3A_1559 = arith.constant 7104 : index
    %swap3A_1560 = arith.constant 0 : index
    %swap3A_1561 = vector.load %arg4[%swap3A_1559, %swap3A_1560] : memref<8192x128xf32, #tpu.memory_space<vmem>>, vector<64x128xf32>
    tpu.vector_store %arg4[%swap3A_1559, %swap3A_1560], %dot_general3A_1558 {strides = array<i32>} : memref<8192x128xf32, #tpu.memory_space<vmem>>, vector<64x128xf32>,
    %reduce_max3A_1562 = arith.constant dense<0xFF800000> : vector<64xf32>
    %reduce_max3A_1563 = vector.multi_reduction <maximumf>, %dot_general3A_1558, %reduce_max3A_1562 [1] : vector<64x128xf32> to vector<64xf32>
    %broadcast_in_dim3A_1564 = vector.shape_cast %reduce_max3A_1563 : vector<64xf32> to vector<64x1xf32>
    %get3A_1565 = arith.constant 0 : index
    %get3A_1566 = arith.constant 0 : index
    %get3A_1567 = vector.load %arg7[%get3A_1565, %get3A_1566] : memref<64x128xf32, #tpu.memory_space<vmem>>, vector<64x128xf32>
    %get3A_1568 = arith.constant 14336 : index
    %get3A_1569 = arith.constant 0 : index
    %get3A_1570 = vector.load %arg3[%get3A_1568, %get3A_1569] : memref<16384x128xf32, #tpu.memory_space<vmem>>, vector<128x128xf32>
    %dot_general3A_1571 = arith.constant dense<0.000000e+00> : vector<64x128xf32>
    %dot_general3A_1572 = tpu.matmul %get3A_1567, %get3A_1570, %dot_general3A_1571 {dimension_numbers = #tpu.dot_dimension_numbers<[1], [1], [0], [0], [0, 0, 1, 0], [], []>, transpose_lhs_hint = false} : vector<64x128xf32>, vector<128x128xf32>, vector<64x128xf32> -> vector<64x128xf32>
    %swap3A_1573 = arith.constant 7168 : index
    %swap3A_1574 = arith.constant 0 : index
    %swap3A_1575 = vector.load %arg4[%swap3A_1573, %swap3A_1574] : memref<8192x128xf32, #tpu.memory_space<vmem>>, vector<64x128xf32>
    tpu.vector_store %arg4[%swap3A_1573, %swap3A_1574], %dot_general3A_1572 {strides = array<i32>} : memref<8192x128xf32, #tpu.memory_space<vmem>>, vector<64x128xf32>,
    %reduce_max3A_1576 = arith.constant dense<0xFF800000> : vector<64xf32>
    %reduce_max3A_1577 = vector.multi_reduction <maximumf>, %dot_general3A_1572, %reduce_max3A_1576 [1] : vector<64x128xf32> to vector<64xf32>
    %broadcast_in_dim3A_1578 = vector.shape_cast %reduce_max3A_1577 : vector<64xf32> to vector<64x1xf32>
    %get3A_1579 = arith.constant 0 : index
    %get3A_1580 = arith.constant 0 : index
    %get3A_1581 = vector.load %arg7[%get3A_1579, %get3A_1580] : memref<64x128xf32, #tpu.memory_space<vmem>>, vector<64x128xf32>
    %get3A_1582 = arith.constant 14464 : index
    %get3A_1583 = arith.constant 0 : index
    %get3A_1584 = vector.load %arg3[%get3A_1582, %get3A_1583] : memref<16384x128xf32, #tpu.memory_space<vmem>>, vector<128x128xf32>
    %dot_general3A_1585 = arith.constant dense<0.000000e+00> : vector<64x128xf32>
    %dot_general3A_1586 = tpu.matmul %get3A_1581, %get3A_1584, %dot_general3A_1585 {dimension_numbers = #tpu.dot_dimension_numbers<[1], [1], [0], [0], [0, 0, 1, 0], [], []>, transpose_lhs_hint = false} : vector<64x128xf32>, vector<128x128xf32>, vector<64x128xf32> -> vector<64x128xf32>
    %swap3A_1587 = arith.constant 7232 : index
    %swap3A_1588 = arith.constant 0 : index
    %swap3A_1589 = vector.load %arg4[%swap3A_1587, %swap3A_1588] : memref<8192x128xf32, #tpu.memory_space<vmem>>, vector<64x128xf32>
    tpu.vector_store %arg4[%swap3A_1587, %swap3A_1588], %dot_general3A_1586 {strides = array<i32>} : memref<8192x128xf32, #tpu.memory_space<vmem>>, vector<64x128xf32>,
    %reduce_max3A_1590 = arith.constant dense<0xFF800000> : vector<64xf32>
    %reduce_max3A_1591 = vector.multi_reduction <maximumf>, %dot_general3A_1586, %reduce_max3A_1590 [1] : vector<64x128xf32> to vector<64xf32>
    %broadcast_in_dim3A_1592 = vector.shape_cast %reduce_max3A_1591 : vector<64xf32> to vector<64x1xf32>
    %get3A_1593 = arith.constant 0 : index
    %get3A_1594 = arith.constant 0 : index
    %get3A_1595 = vector.load %arg7[%get3A_1593, %get3A_1594] : memref<64x128xf32, #tpu.memory_space<vmem>>, vector<64x128xf32>
    %get3A_1596 = arith.constant 14592 : index
    %get3A_1597 = arith.constant 0 : index
    %get3A_1598 = vector.load %arg3[%get3A_1596, %get3A_1597] : memref<16384x128xf32, #tpu.memory_space<vmem>>, vector<128x128xf32>
    %dot_general3A_1599 = arith.constant dense<0.000000e+00> : vector<64x128xf32>
    %dot_general3A_1600 = tpu.matmul %get3A_1595, %get3A_1598, %dot_general3A_1599 {dimension_numbers = #tpu.dot_dimension_numbers<[1], [1], [0], [0], [0, 0, 1, 0], [], []>, transpose_lhs_hint = false} : vector<64x128xf32>, vector<128x128xf32>, vector<64x128xf32> -> vector<64x128xf32>
    %swap3A_1601 = arith.constant 7296 : index
    %swap3A_1602 = arith.constant 0 : index
    %swap3A_1603 = vector.load %arg4[%swap3A_1601, %swap3A_1602] : memref<8192x128xf32, #tpu.memory_space<vmem>>, vector<64x128xf32>
    tpu.vector_store %arg4[%swap3A_1601, %swap3A_1602], %dot_general3A_1600 {strides = array<i32>} : memref<8192x128xf32, #tpu.memory_space<vmem>>, vector<64x128xf32>,
    %reduce_max3A_1604 = arith.constant dense<0xFF800000> : vector<64xf32>
    %reduce_max3A_1605 = vector.multi_reduction <maximumf>, %dot_general3A_1600, %reduce_max3A_1604 [1] : vector<64x128xf32> to vector<64xf32>
    %broadcast_in_dim3A_1606 = vector.shape_cast %reduce_max3A_1605 : vector<64xf32> to vector<64x1xf32>
    %get3A_1607 = arith.constant 0 : index
    %get3A_1608 = arith.constant 0 : index
    %get3A_1609 = vector.load %arg7[%get3A_1607, %get3A_1608] : memref<64x128xf32, #tpu.memory_space<vmem>>, vector<64x128xf32>
    %get3A_1610 = arith.constant 14720 : index
    %get3A_1611 = arith.constant 0 : index
    %get3A_1612 = vector.load %arg3[%get3A_1610, %get3A_1611] : memref<16384x128xf32, #tpu.memory_space<vmem>>, vector<128x128xf32>
    %dot_general3A_1613 = arith.constant dense<0.000000e+00> : vector<64x128xf32>
    %dot_general3A_1614 = tpu.matmul %get3A_1609, %get3A_1612, %dot_general3A_1613 {dimension_numbers = #tpu.dot_dimension_numbers<[1], [1], [0], [0], [0, 0, 1, 0], [], []>, transpose_lhs_hint = false} : vector<64x128xf32>, vector<128x128xf32>, vector<64x128xf32> -> vector<64x128xf32>
    %swap3A_1615 = arith.constant 7360 : index
    %swap3A_1616 = arith.constant 0 : index
    %swap3A_1617 = vector.load %arg4[%swap3A_1615, %swap3A_1616] : memref<8192x128xf32, #tpu.memory_space<vmem>>, vector<64x128xf32>
    tpu.vector_store %arg4[%swap3A_1615, %swap3A_1616], %dot_general3A_1614 {strides = array<i32>} : memref<8192x128xf32, #tpu.memory_space<vmem>>, vector<64x128xf32>,
    %reduce_max3A_1618 = arith.constant dense<0xFF800000> : vector<64xf32>
    %reduce_max3A_1619 = vector.multi_reduction <maximumf>, %dot_general3A_1614, %reduce_max3A_1618 [1] : vector<64x128xf32> to vector<64xf32>
    %broadcast_in_dim3A_1620 = vector.shape_cast %reduce_max3A_1619 : vector<64xf32> to vector<64x1xf32>
    %get3A_1621 = arith.constant 0 : index
    %get3A_1622 = arith.constant 0 : index
    %get3A_1623 = vector.load %arg7[%get3A_1621, %get3A_1622] : memref<64x128xf32, #tpu.memory_space<vmem>>, vector<64x128xf32>
    %get3A_1624 = arith.constant 14848 : index
    %get3A_1625 = arith.constant 0 : index
    %get3A_1626 = vector.load %arg3[%get3A_1624, %get3A_1625] : memref<16384x128xf32, #tpu.memory_space<vmem>>, vector<128x128xf32>
    %dot_general3A_1627 = arith.constant dense<0.000000e+00> : vector<64x128xf32>
    %dot_general3A_1628 = tpu.matmul %get3A_1623, %get3A_1626, %dot_general3A_1627 {dimension_numbers = #tpu.dot_dimension_numbers<[1], [1], [0], [0], [0, 0, 1, 0], [], []>, transpose_lhs_hint = false} : vector<64x128xf32>, vector<128x128xf32>, vector<64x128xf32> -> vector<64x128xf32>
    %swap3A_1629 = arith.constant 7424 : index
    %swap3A_1630 = arith.constant 0 : index
    %swap3A_1631 = vector.load %arg4[%swap3A_1629, %swap3A_1630] : memref<8192x128xf32, #tpu.memory_space<vmem>>, vector<64x128xf32>
    tpu.vector_store %arg4[%swap3A_1629, %swap3A_1630], %dot_general3A_1628 {strides = array<i32>} : memref<8192x128xf32, #tpu.memory_space<vmem>>, vector<64x128xf32>,
    %reduce_max3A_1632 = arith.constant dense<0xFF800000> : vector<64xf32>
    %reduce_max3A_1633 = vector.multi_reduction <maximumf>, %dot_general3A_1628, %reduce_max3A_1632 [1] : vector<64x128xf32> to vector<64xf32>
    %broadcast_in_dim3A_1634 = vector.shape_cast %reduce_max3A_1633 : vector<64xf32> to vector<64x1xf32>
    %get3A_1635 = arith.constant 0 : index
    %get3A_1636 = arith.constant 0 : index
    %get3A_1637 = vector.load %arg7[%get3A_1635, %get3A_1636] : memref<64x128xf32, #tpu.memory_space<vmem>>, vector<64x128xf32>
    %get3A_1638 = arith.constant 14976 : index
    %get3A_1639 = arith.constant 0 : index
    %get3A_1640 = vector.load %arg3[%get3A_1638, %get3A_1639] : memref<16384x128xf32, #tpu.memory_space<vmem>>, vector<128x128xf32>
    %dot_general3A_1641 = arith.constant dense<0.000000e+00> : vector<64x128xf32>
    %dot_general3A_1642 = tpu.matmul %get3A_1637, %get3A_1640, %dot_general3A_1641 {dimension_numbers = #tpu.dot_dimension_numbers<[1], [1], [0], [0], [0, 0, 1, 0], [], []>, transpose_lhs_hint = false} : vector<64x128xf32>, vector<128x128xf32>, vector<64x128xf32> -> vector<64x128xf32>
    %swap3A_1643 = arith.constant 7488 : index
    %swap3A_1644 = arith.constant 0 : index
    %swap3A_1645 = vector.load %arg4[%swap3A_1643, %swap3A_1644] : memref<8192x128xf32, #tpu.memory_space<vmem>>, vector<64x128xf32>
    tpu.vector_store %arg4[%swap3A_1643, %swap3A_1644], %dot_general3A_1642 {strides = array<i32>} : memref<8192x128xf32, #tpu.memory_space<vmem>>, vector<64x128xf32>,
    %reduce_max3A_1646 = arith.constant dense<0xFF800000> : vector<64xf32>
    %reduce_max3A_1647 = vector.multi_reduction <maximumf>, %dot_general3A_1642, %reduce_max3A_1646 [1] : vector<64x128xf32> to vector<64xf32>
    %broadcast_in_dim3A_1648 = vector.shape_cast %reduce_max3A_1647 : vector<64xf32> to vector<64x1xf32>
    %get3A_1649 = arith.constant 0 : index
    %get3A_1650 = arith.constant 0 : index
    %get3A_1651 = vector.load %arg7[%get3A_1649, %get3A_1650] : memref<64x128xf32, #tpu.memory_space<vmem>>, vector<64x128xf32>
    %get3A_1652 = arith.constant 15104 : index
    %get3A_1653 = arith.constant 0 : index
    %get3A_1654 = vector.load %arg3[%get3A_1652, %get3A_1653] : memref<16384x128xf32, #tpu.memory_space<vmem>>, vector<128x128xf32>
    %dot_general3A_1655 = arith.constant dense<0.000000e+00> : vector<64x128xf32>
    %dot_general3A_1656 = tpu.matmul %get3A_1651, %get3A_1654, %dot_general3A_1655 {dimension_numbers = #tpu.dot_dimension_numbers<[1], [1], [0], [0], [0, 0, 1, 0], [], []>, transpose_lhs_hint = false} : vector<64x128xf32>, vector<128x128xf32>, vector<64x128xf32> -> vector<64x128xf32>
    %swap3A_1657 = arith.constant 7552 : index
    %swap3A_1658 = arith.constant 0 : index
    %swap3A_1659 = vector.load %arg4[%swap3A_1657, %swap3A_1658] : memref<8192x128xf32, #tpu.memory_space<vmem>>, vector<64x128xf32>
    tpu.vector_store %arg4[%swap3A_1657, %swap3A_1658], %dot_general3A_1656 {strides = array<i32>} : memref<8192x128xf32, #tpu.memory_space<vmem>>, vector<64x128xf32>,
    %reduce_max3A_1660 = arith.constant dense<0xFF800000> : vector<64xf32>
    %reduce_max3A_1661 = vector.multi_reduction <maximumf>, %dot_general3A_1656, %reduce_max3A_1660 [1] : vector<64x128xf32> to vector<64xf32>
    %broadcast_in_dim3A_1662 = vector.shape_cast %reduce_max3A_1661 : vector<64xf32> to vector<64x1xf32>
    %get3A_1663 = arith.constant 0 : index
    %get3A_1664 = arith.constant 0 : index
    %get3A_1665 = vector.load %arg7[%get3A_1663, %get3A_1664] : memref<64x128xf32, #tpu.memory_space<vmem>>, vector<64x128xf32>
    %get3A_1666 = arith.constant 15232 : index
    %get3A_1667 = arith.constant 0 : index
    %get3A_1668 = vector.load %arg3[%get3A_1666, %get3A_1667] : memref<16384x128xf32, #tpu.memory_space<vmem>>, vector<128x128xf32>
    %dot_general3A_1669 = arith.constant dense<0.000000e+00> : vector<64x128xf32>
    %dot_general3A_1670 = tpu.matmul %get3A_1665, %get3A_1668, %dot_general3A_1669 {dimension_numbers = #tpu.dot_dimension_numbers<[1], [1], [0], [0], [0, 0, 1, 0], [], []>, transpose_lhs_hint = false} : vector<64x128xf32>, vector<128x128xf32>, vector<64x128xf32> -> vector<64x128xf32>
    %swap3A_1671 = arith.constant 7616 : index
    %swap3A_1672 = arith.constant 0 : index
    %swap3A_1673 = vector.load %arg4[%swap3A_1671, %swap3A_1672] : memref<8192x128xf32, #tpu.memory_space<vmem>>, vector<64x128xf32>
    tpu.vector_store %arg4[%swap3A_1671, %swap3A_1672], %dot_general3A_1670 {strides = array<i32>} : memref<8192x128xf32, #tpu.memory_space<vmem>>, vector<64x128xf32>,
    %reduce_max3A_1674 = arith.constant dense<0xFF800000> : vector<64xf32>
    %reduce_max3A_1675 = vector.multi_reduction <maximumf>, %dot_general3A_1670, %reduce_max3A_1674 [1] : vector<64x128xf32> to vector<64xf32>
    %broadcast_in_dim3A_1676 = vector.shape_cast %reduce_max3A_1675 : vector<64xf32> to vector<64x1xf32>
    %get3A_1677 = arith.constant 0 : index
    %get3A_1678 = arith.constant 0 : index
    %get3A_1679 = vector.load %arg7[%get3A_1677, %get3A_1678] : memref<64x128xf32, #tpu.memory_space<vmem>>, vector<64x128xf32>
    %get3A_1680 = arith.constant 15360 : index
    %get3A_1681 = arith.constant 0 : index
    %get3A_1682 = vector.load %arg3[%get3A_1680, %get3A_1681] : memref<16384x128xf32, #tpu.memory_space<vmem>>, vector<128x128xf32>
    %dot_general3A_1683 = arith.constant dense<0.000000e+00> : vector<64x128xf32>
    %dot_general3A_1684 = tpu.matmul %get3A_1679, %get3A_1682, %dot_general3A_1683 {dimension_numbers = #tpu.dot_dimension_numbers<[1], [1], [0], [0], [0, 0, 1, 0], [], []>, transpose_lhs_hint = false} : vector<64x128xf32>, vector<128x128xf32>, vector<64x128xf32> -> vector<64x128xf32>
    %swap3A_1685 = arith.constant 7680 : index
    %swap3A_1686 = arith.constant 0 : index
    %swap3A_1687 = vector.load %arg4[%swap3A_1685, %swap3A_1686] : memref<8192x128xf32, #tpu.memory_space<vmem>>, vector<64x128xf32>
    tpu.vector_store %arg4[%swap3A_1685, %swap3A_1686], %dot_general3A_1684 {strides = array<i32>} : memref<8192x128xf32, #tpu.memory_space<vmem>>, vector<64x128xf32>,
    %reduce_max3A_1688 = arith.constant dense<0xFF800000> : vector<64xf32>
    %reduce_max3A_1689 = vector.multi_reduction <maximumf>, %dot_general3A_1684, %reduce_max3A_1688 [1] : vector<64x128xf32> to vector<64xf32>
    %broadcast_in_dim3A_1690 = vector.shape_cast %reduce_max3A_1689 : vector<64xf32> to vector<64x1xf32>
    %get3A_1691 = arith.constant 0 : index
    %get3A_1692 = arith.constant 0 : index
    %get3A_1693 = vector.load %arg7[%get3A_1691, %get3A_1692] : memref<64x128xf32, #tpu.memory_space<vmem>>, vector<64x128xf32>
    %get3A_1694 = arith.constant 15488 : index
    %get3A_1695 = arith.constant 0 : index
    %get3A_1696 = vector.load %arg3[%get3A_1694, %get3A_1695] : memref<16384x128xf32, #tpu.memory_space<vmem>>, vector<128x128xf32>
    %dot_general3A_1697 = arith.constant dense<0.000000e+00> : vector<64x128xf32>
    %dot_general3A_1698 = tpu.matmul %get3A_1693, %get3A_1696, %dot_general3A_1697 {dimension_numbers = #tpu.dot_dimension_numbers<[1], [1], [0], [0], [0, 0, 1, 0], [], []>, transpose_lhs_hint = false} : vector<64x128xf32>, vector<128x128xf32>, vector<64x128xf32> -> vector<64x128xf32>
    %swap3A_1699 = arith.constant 7744 : index
    %swap3A_1700 = arith.constant 0 : index
    %swap3A_1701 = vector.load %arg4[%swap3A_1699, %swap3A_1700] : memref<8192x128xf32, #tpu.memory_space<vmem>>, vector<64x128xf32>
    tpu.vector_store %arg4[%swap3A_1699, %swap3A_1700], %dot_general3A_1698 {strides = array<i32>} : memref<8192x128xf32, #tpu.memory_space<vmem>>, vector<64x128xf32>,
    %reduce_max3A_1702 = arith.constant dense<0xFF800000> : vector<64xf32>
    %reduce_max3A_1703 = vector.multi_reduction <maximumf>, %dot_general3A_1698, %reduce_max3A_1702 [1] : vector<64x128xf32> to vector<64xf32>
    %broadcast_in_dim3A_1704 = vector.shape_cast %reduce_max3A_1703 : vector<64xf32> to vector<64x1xf32>
    %get3A_1705 = arith.constant 0 : index
    %get3A_1706 = arith.constant 0 : index
    %get3A_1707 = vector.load %arg7[%get3A_1705, %get3A_1706] : memref<64x128xf32, #tpu.memory_space<vmem>>, vector<64x128xf32>
    %get3A_1708 = arith.constant 15616 : index
    %get3A_1709 = arith.constant 0 : index
    %get3A_1710 = vector.load %arg3[%get3A_1708, %get3A_1709] : memref<16384x128xf32, #tpu.memory_space<vmem>>, vector<128x128xf32>
    %dot_general3A_1711 = arith.constant dense<0.000000e+00> : vector<64x128xf32>
    %dot_general3A_1712 = tpu.matmul %get3A_1707, %get3A_1710, %dot_general3A_1711 {dimension_numbers = #tpu.dot_dimension_numbers<[1], [1], [0], [0], [0, 0, 1, 0], [], []>, transpose_lhs_hint = false} : vector<64x128xf32>, vector<128x128xf32>, vector<64x128xf32> -> vector<64x128xf32>
    %swap3A_1713 = arith.constant 7808 : index
    %swap3A_1714 = arith.constant 0 : index
    %swap3A_1715 = vector.load %arg4[%swap3A_1713, %swap3A_1714] : memref<8192x128xf32, #tpu.memory_space<vmem>>, vector<64x128xf32>
    tpu.vector_store %arg4[%swap3A_1713, %swap3A_1714], %dot_general3A_1712 {strides = array<i32>} : memref<8192x128xf32, #tpu.memory_space<vmem>>, vector<64x128xf32>,
    %reduce_max3A_1716 = arith.constant dense<0xFF800000> : vector<64xf32>
    %reduce_max3A_1717 = vector.multi_reduction <maximumf>, %dot_general3A_1712, %reduce_max3A_1716 [1] : vector<64x128xf32> to vector<64xf32>
    %broadcast_in_dim3A_1718 = vector.shape_cast %reduce_max3A_1717 : vector<64xf32> to vector<64x1xf32>
    %get3A_1719 = arith.constant 0 : index
    %get3A_1720 = arith.constant 0 : index
    %get3A_1721 = vector.load %arg7[%get3A_1719, %get3A_1720] : memref<64x128xf32, #tpu.memory_space<vmem>>, vector<64x128xf32>
    %get3A_1722 = arith.constant 15744 : index
    %get3A_1723 = arith.constant 0 : index
    %get3A_1724 = vector.load %arg3[%get3A_1722, %get3A_1723] : memref<16384x128xf32, #tpu.memory_space<vmem>>, vector<128x128xf32>
    %dot_general3A_1725 = arith.constant dense<0.000000e+00> : vector<64x128xf32>
    %dot_general3A_1726 = tpu.matmul %get3A_1721, %get3A_1724, %dot_general3A_1725 {dimension_numbers = #tpu.dot_dimension_numbers<[1], [1], [0], [0], [0, 0, 1, 0], [], []>, transpose_lhs_hint = false} : vector<64x128xf32>, vector<128x128xf32>, vector<64x128xf32> -> vector<64x128xf32>
    %swap3A_1727 = arith.constant 7872 : index
    %swap3A_1728 = arith.constant 0 : index
    %swap3A_1729 = vector.load %arg4[%swap3A_1727, %swap3A_1728] : memref<8192x128xf32, #tpu.memory_space<vmem>>, vector<64x128xf32>
    tpu.vector_store %arg4[%swap3A_1727, %swap3A_1728], %dot_general3A_1726 {strides = array<i32>} : memref<8192x128xf32, #tpu.memory_space<vmem>>, vector<64x128xf32>,
    %reduce_max3A_1730 = arith.constant dense<0xFF800000> : vector<64xf32>
    %reduce_max3A_1731 = vector.multi_reduction <maximumf>, %dot_general3A_1726, %reduce_max3A_1730 [1] : vector<64x128xf32> to vector<64xf32>
    %broadcast_in_dim3A_1732 = vector.shape_cast %reduce_max3A_1731 : vector<64xf32> to vector<64x1xf32>
    %get3A_1733 = arith.constant 0 : index
    %get3A_1734 = arith.constant 0 : index
    %get3A_1735 = vector.load %arg7[%get3A_1733, %get3A_1734] : memref<64x128xf32, #tpu.memory_space<vmem>>, vector<64x128xf32>
    %get3A_1736 = arith.constant 15872 : index
    %get3A_1737 = arith.constant 0 : index
    %get3A_1738 = vector.load %arg3[%get3A_1736, %get3A_1737] : memref<16384x128xf32, #tpu.memory_space<vmem>>, vector<128x128xf32>
    %dot_general3A_1739 = arith.constant dense<0.000000e+00> : vector<64x128xf32>
    %dot_general3A_1740 = tpu.matmul %get3A_1735, %get3A_1738, %dot_general3A_1739 {dimension_numbers = #tpu.dot_dimension_numbers<[1], [1], [0], [0], [0, 0, 1, 0], [], []>, transpose_lhs_hint = false} : vector<64x128xf32>, vector<128x128xf32>, vector<64x128xf32> -> vector<64x128xf32>
    %swap3A_1741 = arith.constant 7936 : index
    %swap3A_1742 = arith.constant 0 : index
    %swap3A_1743 = vector.load %arg4[%swap3A_1741, %swap3A_1742] : memref<8192x128xf32, #tpu.memory_space<vmem>>, vector<64x128xf32>
    tpu.vector_store %arg4[%swap3A_1741, %swap3A_1742], %dot_general3A_1740 {strides = array<i32>} : memref<8192x128xf32, #tpu.memory_space<vmem>>, vector<64x128xf32>,
    %reduce_max3A_1744 = arith.constant dense<0xFF800000> : vector<64xf32>
    %reduce_max3A_1745 = vector.multi_reduction <maximumf>, %dot_general3A_1740, %reduce_max3A_1744 [1] : vector<64x128xf32> to vector<64xf32>
    %broadcast_in_dim3A_1746 = vector.shape_cast %reduce_max3A_1745 : vector<64xf32> to vector<64x1xf32>
    %get3A_1747 = arith.constant 0 : index
    %get3A_1748 = arith.constant 0 : index
    %get3A_1749 = vector.load %arg7[%get3A_1747, %get3A_1748] : memref<64x128xf32, #tpu.memory_space<vmem>>, vector<64x128xf32>
    %get3A_1750 = arith.constant 16000 : index
    %get3A_1751 = arith.constant 0 : index
    %get3A_1752 = vector.load %arg3[%get3A_1750, %get3A_1751] : memref<16384x128xf32, #tpu.memory_space<vmem>>, vector<128x128xf32>
    %dot_general3A_1753 = arith.constant dense<0.000000e+00> : vector<64x128xf32>
    %dot_general3A_1754 = tpu.matmul %get3A_1749, %get3A_1752, %dot_general3A_1753 {dimension_numbers = #tpu.dot_dimension_numbers<[1], [1], [0], [0], [0, 0, 1, 0], [], []>, transpose_lhs_hint = false} : vector<64x128xf32>, vector<128x128xf32>, vector<64x128xf32> -> vector<64x128xf32>
    %swap3A_1755 = arith.constant 8000 : index
    %swap3A_1756 = arith.constant 0 : index
    %swap3A_1757 = vector.load %arg4[%swap3A_1755, %swap3A_1756] : memref<8192x128xf32, #tpu.memory_space<vmem>>, vector<64x128xf32>
    tpu.vector_store %arg4[%swap3A_1755, %swap3A_1756], %dot_general3A_1754 {strides = array<i32>} : memref<8192x128xf32, #tpu.memory_space<vmem>>, vector<64x128xf32>,
    %reduce_max3A_1758 = arith.constant dense<0xFF800000> : vector<64xf32>
    %reduce_max3A_1759 = vector.multi_reduction <maximumf>, %dot_general3A_1754, %reduce_max3A_1758 [1] : vector<64x128xf32> to vector<64xf32>
    %broadcast_in_dim3A_1760 = vector.shape_cast %reduce_max3A_1759 : vector<64xf32> to vector<64x1xf32>
    %get3A_1761 = arith.constant 0 : index
    %get3A_1762 = arith.constant 0 : index
    %get3A_1763 = vector.load %arg7[%get3A_1761, %get3A_1762] : memref<64x128xf32, #tpu.memory_space<vmem>>, vector<64x128xf32>
    %get3A_1764 = arith.constant 16128 : index
    %get3A_1765 = arith.constant 0 : index
    %get3A_1766 = vector.load %arg3[%get3A_1764, %get3A_1765] : memref<16384x128xf32, #tpu.memory_space<vmem>>, vector<128x128xf32>
    %dot_general3A_1767 = arith.constant dense<0.000000e+00> : vector<64x128xf32>
    %dot_general3A_1768 = tpu.matmul %get3A_1763, %get3A_1766, %dot_general3A_1767 {dimension_numbers = #tpu.dot_dimension_numbers<[1], [1], [0], [0], [0, 0, 1, 0], [], []>, transpose_lhs_hint = false} : vector<64x128xf32>, vector<128x128xf32>, vector<64x128xf32> -> vector<64x128xf32>
    %swap3A_1769 = arith.constant 8064 : index
    %swap3A_1770 = arith.constant 0 : index
    %swap3A_1771 = vector.load %arg4[%swap3A_1769, %swap3A_1770] : memref<8192x128xf32, #tpu.memory_space<vmem>>, vector<64x128xf32>
    tpu.vector_store %arg4[%swap3A_1769, %swap3A_1770], %dot_general3A_1768 {strides = array<i32>} : memref<8192x128xf32, #tpu.memory_space<vmem>>, vector<64x128xf32>,
    %reduce_max3A_1772 = arith.constant dense<0xFF800000> : vector<64xf32>
    %reduce_max3A_1773 = vector.multi_reduction <maximumf>, %dot_general3A_1768, %reduce_max3A_1772 [1] : vector<64x128xf32> to vector<64xf32>
    %broadcast_in_dim3A_1774 = vector.shape_cast %reduce_max3A_1773 : vector<64xf32> to vector<64x1xf32>
    %get3A_1775 = arith.constant 0 : index
    %get3A_1776 = arith.constant 0 : index
    %get3A_1777 = vector.load %arg7[%get3A_1775, %get3A_1776] : memref<64x128xf32, #tpu.memory_space<vmem>>, vector<64x128xf32>
    %get3A_1778 = arith.constant 16256 : index
    %get3A_1779 = arith.constant 0 : index
    %get3A_1780 = vector.load %arg3[%get3A_1778, %get3A_1779] : memref<16384x128xf32, #tpu.memory_space<vmem>>, vector<128x128xf32>
    %dot_general3A_1781 = arith.constant dense<0.000000e+00> : vector<64x128xf32>
    %dot_general3A_1782 = tpu.matmul %get3A_1777, %get3A_1780, %dot_general3A_1781 {dimension_numbers = #tpu.dot_dimension_numbers<[1], [1], [0], [0], [0, 0, 1, 0], [], []>, transpose_lhs_hint = false} : vector<64x128xf32>, vector<128x128xf32>, vector<64x128xf32> -> vector<64x128xf32>
    %swap3A_1783 = arith.constant 8128 : index
    %swap3A_1784 = arith.constant 0 : index
    %swap3A_1785 = vector.load %arg4[%swap3A_1783, %swap3A_1784] : memref<8192x128xf32, #tpu.memory_space<vmem>>, vector<64x128xf32>
    tpu.vector_store %arg4[%swap3A_1783, %swap3A_1784], %dot_general3A_1782 {strides = array<i32>} : memref<8192x128xf32, #tpu.memory_space<vmem>>, vector<64x128xf32>,
    %reduce_max3A_1786 = arith.constant dense<0xFF800000> : vector<64xf32>
    %reduce_max3A_1787 = vector.multi_reduction <maximumf>, %dot_general3A_1782, %reduce_max3A_1786 [1] : vector<64x128xf32> to vector<64xf32>
    %broadcast_in_dim3A_1788 = vector.shape_cast %reduce_max3A_1787 : vector<64xf32> to vector<64x1xf32>
    %concatenate3A = tpu.concatenate %broadcast_in_dim3A, %broadcast_in_dim3A_24, %broadcast_in_dim3A_38, %broadcast_in_dim3A_52, %broadcast_in_dim3A_66, %broadcast_in_dim3A_80, %broadcast_in_dim3A_94, %broadcast_in_dim3A_108, %broadcast_in_dim3A_122, %broadcast_in_dim3A_136, %broadcast_in_dim3A_150, %broadcast_in_dim3A_164, %broadcast_in_dim3A_178, %broadcast_in_dim3A_192, %broadcast_in_dim3A_206, %broadcast_in_dim3A_220, %broadcast_in_dim3A_234, %broadcast_in_dim3A_248, %broadcast_in_dim3A_262, %broadcast_in_dim3A_276, %broadcast_in_dim3A_290, %broadcast_in_dim3A_304, %broadcast_in_dim3A_318, %broadcast_in_dim3A_332, %broadcast_in_dim3A_346, %broadcast_in_dim3A_360, %broadcast_in_dim3A_374, %broadcast_in_dim3A_388, %broadcast_in_dim3A_402, %broadcast_in_dim3A_416, %broadcast_in_dim3A_430, %broadcast_in_dim3A_444, %broadcast_in_dim3A_458, %broadcast_in_dim3A_472, %broadcast_in_dim3A_486, %broadcast_in_dim3A_500, %broadcast_in_dim3A_514, %broadcast_in_dim3A_528, %broadcast_in_dim3A_542, %broadcast_in_dim3A_556, %broadcast_in_dim3A_570, %broadcast_in_dim3A_584, %broadcast_in_dim3A_598, %broadcast_in_dim3A_612, %broadcast_in_dim3A_626, %broadcast_in_dim3A_640, %broadcast_in_dim3A_654, %broadcast_in_dim3A_668, %broadcast_in_dim3A_682, %broadcast_in_dim3A_696, %broadcast_in_dim3A_710, %broadcast_in_dim3A_724, %broadcast_in_dim3A_738, %broadcast_in_dim3A_752, %broadcast_in_dim3A_766, %broadcast_in_dim3A_780, %broadcast_in_dim3A_794, %broadcast_in_dim3A_808, %broadcast_in_dim3A_822, %broadcast_in_dim3A_836, %broadcast_in_dim3A_850, %broadcast_in_dim3A_864, %broadcast_in_dim3A_878, %broadcast_in_dim3A_892, %broadcast_in_dim3A_906, %broadcast_in_dim3A_920, %broadcast_in_dim3A_934, %broadcast_in_dim3A_948, %broadcast_in_dim3A_962, %broadcast_in_dim3A_976, %broadcast_in_dim3A_990, %broadcast_in_dim3A_1004, %broadcast_in_dim3A_1018, %broadcast_in_dim3A_1032, %broadcast_in_dim3A_1046, %broadcast_in_dim3A_1060, %broadcast_in_dim3A_1074, %broadcast_in_dim3A_1088, %broadcast_in_dim3A_1102, %broadcast_in_dim3A_1116, %broadcast_in_dim3A_1130, %broadcast_in_dim3A_1144, %broadcast_in_dim3A_1158, %broadcast_in_dim3A_1172, %broadcast_in_dim3A_1186, %broadcast_in_dim3A_1200, %broadcast_in_dim3A_1214, %broadcast_in_dim3A_1228, %broadcast_in_dim3A_1242, %broadcast_in_dim3A_1256, %broadcast_in_dim3A_1270, %broadcast_in_dim3A_1284, %broadcast_in_dim3A_1298, %broadcast_in_dim3A_1312, %broadcast_in_dim3A_1326, %broadcast_in_dim3A_1340, %broadcast_in_dim3A_1354, %broadcast_in_dim3A_1368, %broadcast_in_dim3A_1382, %broadcast_in_dim3A_1396, %broadcast_in_dim3A_1410, %broadcast_in_dim3A_1424, %broadcast_in_dim3A_1438, %broadcast_in_dim3A_1452, %broadcast_in_dim3A_1466, %broadcast_in_dim3A_1480, %broadcast_in_dim3A_1494, %broadcast_in_dim3A_1508, %broadcast_in_dim3A_1522, %broadcast_in_dim3A_1536, %broadcast_in_dim3A_1550, %broadcast_in_dim3A_1564, %broadcast_in_dim3A_1578, %broadcast_in_dim3A_1592, %broadcast_in_dim3A_1606, %broadcast_in_dim3A_1620, %broadcast_in_dim3A_1634, %broadcast_in_dim3A_1648, %broadcast_in_dim3A_1662, %broadcast_in_dim3A_1676, %broadcast_in_dim3A_1690, %broadcast_in_dim3A_1704, %broadcast_in_dim3A_1718, %broadcast_in_dim3A_1732, %broadcast_in_dim3A_1746, %broadcast_in_dim3A_1760, %broadcast_in_dim3A_1774, %broadcast_in_dim3A_1788 in 1 : vector<64x1xf32>, vector<64x1xf32>, vector<64x1xf32>, vector<64x1xf32>, vector<64x1xf32>, vector<64x1xf32>, vector<64x1xf32>, vector<64x1xf32>, vector<64x1xf32>, vector<64x1xf32>, vector<64x1xf32>, vector<64x1xf32>, vector<64x1xf32>, vector<64x1xf32>, vector<64x1xf32>, vector<64x1xf32>, vector<64x1xf32>, vector<64x1xf32>, vector<64x1xf32>, vector<64x1xf32>, vector<64x1xf32>, vector<64x1xf32>, vector<64x1xf32>, vector<64x1xf32>, vector<64x1xf32>, vector<64x1xf32>, vector<64x1xf32>, vector<64x1xf32>, vector<64x1xf32>, vector<64x1xf32>, vector<64x1xf32>, vector<64x1xf32>, vector<64x1xf32>, vector<64x1xf32>, vector<64x1xf32>, vector<64x1xf32>, vector<64x1xf32>, vector<64x1xf32>, vector<64x1xf32>, vector<64x1xf32>, vector<64x1xf32>, vector<64x1xf32>, vector<64x1xf32>, vector<64x1xf32>, vector<64x1xf32>, vector<64x1xf32>, vector<64x1xf32>, vector<64x1xf32>, vector<64x1xf32>, vector<64x1xf32>, vector<64x1xf32>, vector<64x1xf32>, vector<64x1xf32>, vector<64x1xf32>, vector<64x1xf32>, vector<64x1xf32>, vector<64x1xf32>, vector<64x1xf32>, vector<64x1xf32>, vector<64x1xf32>, vector<64x1xf32>, vector<64x1xf32>, vector<64x1xf32>, vector<64x1xf32>, vector<64x1xf32>, vector<64x1xf32>, vector<64x1xf32>, vector<64x1xf32>, vector<64x1xf32>, vector<64x1xf32>, vector<64x1xf32>, vector<64x1xf32>, vector<64x1xf32>, vector<64x1xf32>, vector<64x1xf32>, vector<64x1xf32>, vector<64x1xf32>, vector<64x1xf32>, vector<64x1xf32>, vector<64x1xf32>, vector<64x1xf32>, vector<64x1xf32>, vector<64x1xf32>, vector<64x1xf32>, vector<64x1xf32>, vector<64x1xf32>, vector<64x1xf32>, vector<64x1xf32>, vector<64x1xf32>, vector<64x1xf32>, vector<64x1xf32>, vector<64x1xf32>, vector<64x1xf32>, vector<64x1xf32>, vector<64x1xf32>, vector<64x1xf32>, vector<64x1xf32>, vector<64x1xf32>, vector<64x1xf32>, vector<64x1xf32>, vector<64x1xf32>, vector<64x1xf32>, vector<64x1xf32>, vector<64x1xf32>, vector<64x1xf32>, vector<64x1xf32>, vector<64x1xf32>, vector<64x1xf32>, vector<64x1xf32>, vector<64x1xf32>, vector<64x1xf32>, vector<64x1xf32>, vector<64x1xf32>, vector<64x1xf32>, vector<64x1xf32>, vector<64x1xf32>, vector<64x1xf32>, vector<64x1xf32>, vector<64x1xf32>, vector<64x1xf32>, vector<64x1xf32>, vector<64x1xf32>, vector<64x1xf32>, vector<64x1xf32>, vector<64x1xf32>, vector<64x1xf32>, vector<64x1xf32>, vector<64x1xf32> -> vector<64x128xf32>
    %mul3A = arith.constant 128 : i32
    %mul3A_1789 = arith.muli %arg0, %mul3A : i32
    %swap3A_1790 = arith.constant 0 : index
    %swap3A_1791 = arith.index_cast %mul3A_1789 : i32 to index
    %swap3A_1792 = vector.load %arg8[%swap3A_1790, %swap3A_1791] : memref<64x256xf32, #tpu.memory_space<vmem>>, vector<64x128xf32>
    tpu.vector_store %arg8[%swap3A_1790, %swap3A_1791], %concatenate3A {strides = array<i32>} : memref<64x256xf32, #tpu.memory_space<vmem>>, vector<64x128xf32>,
    %eq3A_1793 = arith.constant 1 : i32
    %eq3A_1794 = arith.cmpi eq, %arg0, %eq3A_1793 : i32
    %convert_element_type3A_1795 = arith.extui %eq3A_1794 : i1 to i32
    %cond3A_1796 = arith.constant 0 : i32
    %cond3A_1797 = arith.cmpi ne, %convert_element_type3A_1795, %cond3A_1796 : i32
    scf.if %cond3A_1797 {
      %get3A_1798 = arith.constant 0 : index
      %get3A_1799 = arith.constant 0 : index
      %get3A_1800 = vector.load %arg8[%get3A_1798, %get3A_1799] : memref<64x256xf32, #tpu.memory_space<vmem>>, vector<64x256xf32>
      %reshape3A = vector.shape_cast %get3A_1800 : vector<64x256xf32> to vector<64x2x128xf32>
      %reshape3A_1801 = vector.shape_cast %reshape3A : vector<64x2x128xf32> to vector<64x256xf32>
      %iota3A = tpu.iota {dimensions = array<i32: 1>} : vector<64x256xi32>
      %reduce_max3A_1802 = arith.constant dense<0xFF800000> : vector<64xf32>
      %reduce_max3A_1803 = vector.multi_reduction <maximumf>, %reshape3A_1801, %reduce_max3A_1802 [1] : vector<64x256xf32> to vector<64xf32>
      %broadcast_in_dim3A_1804 = vector.shape_cast %reduce_max3A_1803 : vector<64xf32> to vector<64x1xf32>
      %eq3A_1805 = vector.broadcast %broadcast_in_dim3A_1804 : vector<64x1xf32> to vector<64x256xf32>
      %eq3A_1806 = arith.cmpf oeq, %reshape3A_1801, %eq3A_1805 : vector<64x256xf32>
      %jit3A = arith.constant 256 : i32
      %broadcast_in_dim3A_1807 = vector.broadcast %jit3A : i32 to vector<64x256xi32>
      %select_n3A = arith.select %eq3A_1806, %iota3A, %broadcast_in_dim3A_1807 : vector<64x256xi1>, vector<64x256xi32>
      %reduce_min3A = arith.constant dense<2147483647> : vector<64xi32>
      %reduce_min3A_1808 = vector.multi_reduction <minsi>, %select_n3A, %reduce_min3A [1] : vector<64x256xi32> to vector<64xi32>
      %broadcast_in_dim3A_1809 = vector.shape_cast %reduce_min3A_1808 : vector<64xi32> to vector<64x1xi32>
      %eq3A_1810 = vector.broadcast %broadcast_in_dim3A_1809 : vector<64x1xi32> to vector<64x256xi32>
      %eq3A_1811 = arith.cmpi eq, %iota3A, %eq3A_1810 : vector<64x256xi32>
      %jit3A_1812 = arith.constant 0xFF800000 : f32
      %broadcast_in_dim3A_1813 = vector.broadcast %jit3A_1812 : f32 to vector<64x256xf32>
      %select_n3A_1814 = arith.select %eq3A_1811, %broadcast_in_dim3A_1813, %reshape3A_1801 : vector<64x256xi1>, vector<64x256xf32>
      %reduce_max3A_1815 = arith.constant dense<0xFF800000> : vector<64xf32>
      %reduce_max3A_1816 = vector.multi_reduction <maximumf>, %select_n3A_1814, %reduce_max3A_1815 [1] : vector<64x256xf32> to vector<64xf32>
      %broadcast_in_dim3A_1817 = vector.shape_cast %reduce_max3A_1816 : vector<64xf32> to vector<64x1xf32>
      %eq3A_1818 = vector.broadcast %broadcast_in_dim3A_1817 : vector<64x1xf32> to vector<64x256xf32>
      %eq3A_1819 = arith.cmpf oeq, %select_n3A_1814, %eq3A_1818 : vector<64x256xf32>
      %jit3A_1820 = arith.constant 256 : i32
      %broadcast_in_dim3A_1821 = vector.broadcast %jit3A_1820 : i32 to vector<64x256xi32>
      %select_n3A_1822 = arith.select %eq3A_1819, %iota3A, %broadcast_in_dim3A_1821 : vector<64x256xi1>, vector<64x256xi32>
      %reduce_min3A_1823 = arith.constant dense<2147483647> : vector<64xi32>
      %reduce_min3A_1824 = vector.multi_reduction <minsi>, %select_n3A_1822, %reduce_min3A_1823 [1] : vector<64x256xi32> to vector<64xi32>
      %broadcast_in_dim3A_1825 = vector.shape_cast %reduce_min3A_1824 : vector<64xi32> to vector<64x1xi32>
      %eq3A_1826 = vector.broadcast %broadcast_in_dim3A_1825 : vector<64x1xi32> to vector<64x256xi32>
      %eq3A_1827 = arith.cmpi eq, %iota3A, %eq3A_1826 : vector<64x256xi32>
      %jit3A_1828 = arith.constant 0xFF800000 : f32
      %broadcast_in_dim3A_1829 = vector.broadcast %jit3A_1828 : f32 to vector<64x256xf32>
      %select_n3A_1830 = arith.select %eq3A_1827, %broadcast_in_dim3A_1829, %select_n3A_1814 : vector<64x256xi1>, vector<64x256xf32>
      %reduce_max3A_1831 = arith.constant dense<0xFF800000> : vector<64xf32>
      %reduce_max3A_1832 = vector.multi_reduction <maximumf>, %select_n3A_1830, %reduce_max3A_1831 [1] : vector<64x256xf32> to vector<64xf32>
      %broadcast_in_dim3A_1833 = vector.shape_cast %reduce_max3A_1832 : vector<64xf32> to vector<64x1xf32>
      %eq3A_1834 = vector.broadcast %broadcast_in_dim3A_1833 : vector<64x1xf32> to vector<64x256xf32>
      %eq3A_1835 = arith.cmpf oeq, %select_n3A_1830, %eq3A_1834 : vector<64x256xf32>
      %jit3A_1836 = arith.constant 256 : i32
      %broadcast_in_dim3A_1837 = vector.broadcast %jit3A_1836 : i32 to vector<64x256xi32>
      %select_n3A_1838 = arith.select %eq3A_1835, %iota3A, %broadcast_in_dim3A_1837 : vector<64x256xi1>, vector<64x256xi32>
      %reduce_min3A_1839 = arith.constant dense<2147483647> : vector<64xi32>
      %reduce_min3A_1840 = vector.multi_reduction <minsi>, %select_n3A_1838, %reduce_min3A_1839 [1] : vector<64x256xi32> to vector<64xi32>
      %broadcast_in_dim3A_1841 = vector.shape_cast %reduce_min3A_1840 : vector<64xi32> to vector<64x1xi32>
      %eq3A_1842 = vector.broadcast %broadcast_in_dim3A_1841 : vector<64x1xi32> to vector<64x256xi32>
      %eq3A_1843 = arith.cmpi eq, %iota3A, %eq3A_1842 : vector<64x256xi32>
      %jit3A_1844 = arith.constant 0xFF800000 : f32
      %broadcast_in_dim3A_1845 = vector.broadcast %jit3A_1844 : f32 to vector<64x256xf32>
      %select_n3A_1846 = arith.select %eq3A_1843, %broadcast_in_dim3A_1845, %select_n3A_1830 : vector<64x256xi1>, vector<64x256xf32>
      %reduce_max3A_1847 = arith.constant dense<0xFF800000> : vector<64xf32>
      %reduce_max3A_1848 = vector.multi_reduction <maximumf>, %select_n3A_1846, %reduce_max3A_1847 [1] : vector<64x256xf32> to vector<64xf32>
      %broadcast_in_dim3A_1849 = vector.shape_cast %reduce_max3A_1848 : vector<64xf32> to vector<64x1xf32>
      %eq3A_1850 = vector.broadcast %broadcast_in_dim3A_1849 : vector<64x1xf32> to vector<64x256xf32>
      %eq3A_1851 = arith.cmpf oeq, %select_n3A_1846, %eq3A_1850 : vector<64x256xf32>
      %jit3A_1852 = arith.constant 256 : i32
      %broadcast_in_dim3A_1853 = vector.broadcast %jit3A_1852 : i32 to vector<64x256xi32>
      %select_n3A_1854 = arith.select %eq3A_1851, %iota3A, %broadcast_in_dim3A_1853 : vector<64x256xi1>, vector<64x256xi32>
      %reduce_min3A_1855 = arith.constant dense<2147483647> : vector<64xi32>
      %reduce_min3A_1856 = vector.multi_reduction <minsi>, %select_n3A_1854, %reduce_min3A_1855 [1] : vector<64x256xi32> to vector<64xi32>
      %broadcast_in_dim3A_1857 = vector.shape_cast %reduce_min3A_1856 : vector<64xi32> to vector<64x1xi32>
      %eq3A_1858 = vector.broadcast %broadcast_in_dim3A_1857 : vector<64x1xi32> to vector<64x256xi32>
      %eq3A_1859 = arith.cmpi eq, %iota3A, %eq3A_1858 : vector<64x256xi32>
      %jit3A_1860 = arith.constant 0xFF800000 : f32
      %broadcast_in_dim3A_1861 = vector.broadcast %jit3A_1860 : f32 to vector<64x256xf32>
      %select_n3A_1862 = arith.select %eq3A_1859, %broadcast_in_dim3A_1861, %select_n3A_1846 : vector<64x256xi1>, vector<64x256xf32>
      %reduce_max3A_1863 = arith.constant dense<0xFF800000> : vector<64xf32>
      %reduce_max3A_1864 = vector.multi_reduction <maximumf>, %select_n3A_1862, %reduce_max3A_1863 [1] : vector<64x256xf32> to vector<64xf32>
      %broadcast_in_dim3A_1865 = vector.shape_cast %reduce_max3A_1864 : vector<64xf32> to vector<64x1xf32>
      %eq3A_1866 = vector.broadcast %broadcast_in_dim3A_1865 : vector<64x1xf32> to vector<64x256xf32>
      %eq3A_1867 = arith.cmpf oeq, %select_n3A_1862, %eq3A_1866 : vector<64x256xf32>
      %jit3A_1868 = arith.constant 256 : i32
      %broadcast_in_dim3A_1869 = vector.broadcast %jit3A_1868 : i32 to vector<64x256xi32>
      %select_n3A_1870 = arith.select %eq3A_1867, %iota3A, %broadcast_in_dim3A_1869 : vector<64x256xi1>, vector<64x256xi32>
      %reduce_min3A_1871 = arith.constant dense<2147483647> : vector<64xi32>
      %reduce_min3A_1872 = vector.multi_reduction <minsi>, %select_n3A_1870, %reduce_min3A_1871 [1] : vector<64x256xi32> to vector<64xi32>
      %broadcast_in_dim3A_1873 = vector.shape_cast %reduce_min3A_1872 : vector<64xi32> to vector<64x1xi32>
      %eq3A_1874 = vector.broadcast %broadcast_in_dim3A_1873 : vector<64x1xi32> to vector<64x256xi32>
      %eq3A_1875 = arith.cmpi eq, %iota3A, %eq3A_1874 : vector<64x256xi32>
      %jit3A_1876 = arith.constant 0xFF800000 : f32
      %broadcast_in_dim3A_1877 = vector.broadcast %jit3A_1876 : f32 to vector<64x256xf32>
      %select_n3A_1878 = arith.select %eq3A_1875, %broadcast_in_dim3A_1877, %select_n3A_1862 : vector<64x256xi1>, vector<64x256xf32>
      %reduce_max3A_1879 = arith.constant dense<0xFF800000> : vector<64xf32>
      %reduce_max3A_1880 = vector.multi_reduction <maximumf>, %select_n3A_1878, %reduce_max3A_1879 [1] : vector<64x256xf32> to vector<64xf32>
      %broadcast_in_dim3A_1881 = vector.shape_cast %reduce_max3A_1880 : vector<64xf32> to vector<64x1xf32>
      %eq3A_1882 = vector.broadcast %broadcast_in_dim3A_1881 : vector<64x1xf32> to vector<64x256xf32>
      %eq3A_1883 = arith.cmpf oeq, %select_n3A_1878, %eq3A_1882 : vector<64x256xf32>
      %jit3A_1884 = arith.constant 256 : i32
      %broadcast_in_dim3A_1885 = vector.broadcast %jit3A_1884 : i32 to vector<64x256xi32>
      %select_n3A_1886 = arith.select %eq3A_1883, %iota3A, %broadcast_in_dim3A_1885 : vector<64x256xi1>, vector<64x256xi32>
      %reduce_min3A_1887 = arith.constant dense<2147483647> : vector<64xi32>
      %reduce_min3A_1888 = vector.multi_reduction <minsi>, %select_n3A_1886, %reduce_min3A_1887 [1] : vector<64x256xi32> to vector<64xi32>
      %broadcast_in_dim3A_1889 = vector.shape_cast %reduce_min3A_1888 : vector<64xi32> to vector<64x1xi32>
      %eq3A_1890 = vector.broadcast %broadcast_in_dim3A_1889 : vector<64x1xi32> to vector<64x256xi32>
      %eq3A_1891 = arith.cmpi eq, %iota3A, %eq3A_1890 : vector<64x256xi32>
      %jit3A_1892 = arith.constant 0xFF800000 : f32
      %broadcast_in_dim3A_1893 = vector.broadcast %jit3A_1892 : f32 to vector<64x256xf32>
      %select_n3A_1894 = arith.select %eq3A_1891, %broadcast_in_dim3A_1893, %select_n3A_1878 : vector<64x256xi1>, vector<64x256xf32>
      %reduce_max3A_1895 = arith.constant dense<0xFF800000> : vector<64xf32>
      %reduce_max3A_1896 = vector.multi_reduction <maximumf>, %select_n3A_1894, %reduce_max3A_1895 [1] : vector<64x256xf32> to vector<64xf32>
      %broadcast_in_dim3A_1897 = vector.shape_cast %reduce_max3A_1896 : vector<64xf32> to vector<64x1xf32>
      %eq3A_1898 = vector.broadcast %broadcast_in_dim3A_1897 : vector<64x1xf32> to vector<64x256xf32>
      %eq3A_1899 = arith.cmpf oeq, %select_n3A_1894, %eq3A_1898 : vector<64x256xf32>
      %jit3A_1900 = arith.constant 256 : i32
      %broadcast_in_dim3A_1901 = vector.broadcast %jit3A_1900 : i32 to vector<64x256xi32>
      %select_n3A_1902 = arith.select %eq3A_1899, %iota3A, %broadcast_in_dim3A_1901 : vector<64x256xi1>, vector<64x256xi32>
      %reduce_min3A_1903 = arith.constant dense<2147483647> : vector<64xi32>
      %reduce_min3A_1904 = vector.multi_reduction <minsi>, %select_n3A_1902, %reduce_min3A_1903 [1] : vector<64x256xi32> to vector<64xi32>
      %broadcast_in_dim3A_1905 = vector.shape_cast %reduce_min3A_1904 : vector<64xi32> to vector<64x1xi32>
      %eq3A_1906 = vector.broadcast %broadcast_in_dim3A_1905 : vector<64x1xi32> to vector<64x256xi32>
      %eq3A_1907 = arith.cmpi eq, %iota3A, %eq3A_1906 : vector<64x256xi32>
      %jit3A_1908 = arith.constant 0xFF800000 : f32
      %broadcast_in_dim3A_1909 = vector.broadcast %jit3A_1908 : f32 to vector<64x256xf32>
      %select_n3A_1910 = arith.select %eq3A_1907, %broadcast_in_dim3A_1909, %select_n3A_1894 : vector<64x256xi1>, vector<64x256xf32>
      %reduce_max3A_1911 = arith.constant dense<0xFF800000> : vector<64xf32>
      %reduce_max3A_1912 = vector.multi_reduction <maximumf>, %select_n3A_1910, %reduce_max3A_1911 [1] : vector<64x256xf32> to vector<64xf32>
      %broadcast_in_dim3A_1913 = vector.shape_cast %reduce_max3A_1912 : vector<64xf32> to vector<64x1xf32>
      %eq3A_1914 = vector.broadcast %broadcast_in_dim3A_1913 : vector<64x1xf32> to vector<64x256xf32>
      %eq3A_1915 = arith.cmpf oeq, %select_n3A_1910, %eq3A_1914 : vector<64x256xf32>
      %jit3A_1916 = arith.constant 256 : i32
      %broadcast_in_dim3A_1917 = vector.broadcast %jit3A_1916 : i32 to vector<64x256xi32>
      %select_n3A_1918 = arith.select %eq3A_1915, %iota3A, %broadcast_in_dim3A_1917 : vector<64x256xi1>, vector<64x256xi32>
      %reduce_min3A_1919 = arith.constant dense<2147483647> : vector<64xi32>
      %reduce_min3A_1920 = vector.multi_reduction <minsi>, %select_n3A_1918, %reduce_min3A_1919 [1] : vector<64x256xi32> to vector<64xi32>
      %broadcast_in_dim3A_1921 = vector.shape_cast %reduce_min3A_1920 : vector<64xi32> to vector<64x1xi32>
      %eq3A_1922 = vector.broadcast %broadcast_in_dim3A_1921 : vector<64x1xi32> to vector<64x256xi32>
      %eq3A_1923 = arith.cmpi eq, %iota3A, %eq3A_1922 : vector<64x256xi32>
      %jit3A_1924 = arith.constant 0xFF800000 : f32
      %broadcast_in_dim3A_1925 = vector.broadcast %jit3A_1924 : f32 to vector<64x256xf32>
      %select_n3A_1926 = arith.select %eq3A_1923, %broadcast_in_dim3A_1925, %select_n3A_1910 : vector<64x256xi1>, vector<64x256xf32>
      %reduce_max3A_1927 = arith.constant dense<0xFF800000> : vector<64xf32>
      %reduce_max3A_1928 = vector.multi_reduction <maximumf>, %select_n3A_1926, %reduce_max3A_1927 [1] : vector<64x256xf32> to vector<64xf32>
      %broadcast_in_dim3A_1929 = vector.shape_cast %reduce_max3A_1928 : vector<64xf32> to vector<64x1xf32>
      %eq3A_1930 = vector.broadcast %broadcast_in_dim3A_1929 : vector<64x1xf32> to vector<64x256xf32>
      %eq3A_1931 = arith.cmpf oeq, %select_n3A_1926, %eq3A_1930 : vector<64x256xf32>
      %jit3A_1932 = arith.constant 256 : i32
      %broadcast_in_dim3A_1933 = vector.broadcast %jit3A_1932 : i32 to vector<64x256xi32>
      %select_n3A_1934 = arith.select %eq3A_1931, %iota3A, %broadcast_in_dim3A_1933 : vector<64x256xi1>, vector<64x256xi32>
      %reduce_min3A_1935 = arith.constant dense<2147483647> : vector<64xi32>
      %reduce_min3A_1936 = vector.multi_reduction <minsi>, %select_n3A_1934, %reduce_min3A_1935 [1] : vector<64x256xi32> to vector<64xi32>
      %broadcast_in_dim3A_1937 = vector.shape_cast %reduce_min3A_1936 : vector<64xi32> to vector<64x1xi32>
      %eq3A_1938 = vector.broadcast %broadcast_in_dim3A_1937 : vector<64x1xi32> to vector<64x256xi32>
      %eq3A_1939 = arith.cmpi eq, %iota3A, %eq3A_1938 : vector<64x256xi32>
      %jit3A_1940 = arith.constant 0xFF800000 : f32
      %broadcast_in_dim3A_1941 = vector.broadcast %jit3A_1940 : f32 to vector<64x256xf32>
      %select_n3A_1942 = arith.select %eq3A_1939, %broadcast_in_dim3A_1941, %select_n3A_1926 : vector<64x256xi1>, vector<64x256xf32>
      %reduce_max3A_1943 = arith.constant dense<0xFF800000> : vector<64xf32>
      %reduce_max3A_1944 = vector.multi_reduction <maximumf>, %select_n3A_1942, %reduce_max3A_1943 [1] : vector<64x256xf32> to vector<64xf32>
      %broadcast_in_dim3A_1945 = vector.shape_cast %reduce_max3A_1944 : vector<64xf32> to vector<64x1xf32>
      %eq3A_1946 = vector.broadcast %broadcast_in_dim3A_1945 : vector<64x1xf32> to vector<64x256xf32>
      %eq3A_1947 = arith.cmpf oeq, %select_n3A_1942, %eq3A_1946 : vector<64x256xf32>
      %jit3A_1948 = arith.constant 256 : i32
      %broadcast_in_dim3A_1949 = vector.broadcast %jit3A_1948 : i32 to vector<64x256xi32>
      %select_n3A_1950 = arith.select %eq3A_1947, %iota3A, %broadcast_in_dim3A_1949 : vector<64x256xi1>, vector<64x256xi32>
      %reduce_min3A_1951 = arith.constant dense<2147483647> : vector<64xi32>
      %reduce_min3A_1952 = vector.multi_reduction <minsi>, %select_n3A_1950, %reduce_min3A_1951 [1] : vector<64x256xi32> to vector<64xi32>
      %broadcast_in_dim3A_1953 = vector.shape_cast %reduce_min3A_1952 : vector<64xi32> to vector<64x1xi32>
      %eq3A_1954 = vector.broadcast %broadcast_in_dim3A_1953 : vector<64x1xi32> to vector<64x256xi32>
      %eq3A_1955 = arith.cmpi eq, %iota3A, %eq3A_1954 : vector<64x256xi32>
      %jit3A_1956 = arith.constant 0xFF800000 : f32
      %broadcast_in_dim3A_1957 = vector.broadcast %jit3A_1956 : f32 to vector<64x256xf32>
      %select_n3A_1958 = arith.select %eq3A_1955, %broadcast_in_dim3A_1957, %select_n3A_1942 : vector<64x256xi1>, vector<64x256xf32>
      %reduce_max3A_1959 = arith.constant dense<0xFF800000> : vector<64xf32>
      %reduce_max3A_1960 = vector.multi_reduction <maximumf>, %select_n3A_1958, %reduce_max3A_1959 [1] : vector<64x256xf32> to vector<64xf32>
      %broadcast_in_dim3A_1961 = vector.shape_cast %reduce_max3A_1960 : vector<64xf32> to vector<64x1xf32>
      %eq3A_1962 = vector.broadcast %broadcast_in_dim3A_1961 : vector<64x1xf32> to vector<64x256xf32>
      %eq3A_1963 = arith.cmpf oeq, %select_n3A_1958, %eq3A_1962 : vector<64x256xf32>
      %jit3A_1964 = arith.constant 256 : i32
      %broadcast_in_dim3A_1965 = vector.broadcast %jit3A_1964 : i32 to vector<64x256xi32>
      %select_n3A_1966 = arith.select %eq3A_1963, %iota3A, %broadcast_in_dim3A_1965 : vector<64x256xi1>, vector<64x256xi32>
      %reduce_min3A_1967 = arith.constant dense<2147483647> : vector<64xi32>
      %reduce_min3A_1968 = vector.multi_reduction <minsi>, %select_n3A_1966, %reduce_min3A_1967 [1] : vector<64x256xi32> to vector<64xi32>
      %broadcast_in_dim3A_1969 = vector.shape_cast %reduce_min3A_1968 : vector<64xi32> to vector<64x1xi32>
      %eq3A_1970 = vector.broadcast %broadcast_in_dim3A_1969 : vector<64x1xi32> to vector<64x256xi32>
      %eq3A_1971 = arith.cmpi eq, %iota3A, %eq3A_1970 : vector<64x256xi32>
      %jit3A_1972 = arith.constant 0xFF800000 : f32
      %broadcast_in_dim3A_1973 = vector.broadcast %jit3A_1972 : f32 to vector<64x256xf32>
      %select_n3A_1974 = arith.select %eq3A_1971, %broadcast_in_dim3A_1973, %select_n3A_1958 : vector<64x256xi1>, vector<64x256xf32>
      %reduce_max3A_1975 = arith.constant dense<0xFF800000> : vector<64xf32>
      %reduce_max3A_1976 = vector.multi_reduction <maximumf>, %select_n3A_1974, %reduce_max3A_1975 [1] : vector<64x256xf32> to vector<64xf32>
      %broadcast_in_dim3A_1977 = vector.shape_cast %reduce_max3A_1976 : vector<64xf32> to vector<64x1xf32>
      %eq3A_1978 = vector.broadcast %broadcast_in_dim3A_1977 : vector<64x1xf32> to vector<64x256xf32>
      %eq3A_1979 = arith.cmpf oeq, %select_n3A_1974, %eq3A_1978 : vector<64x256xf32>
      %jit3A_1980 = arith.constant 256 : i32
      %broadcast_in_dim3A_1981 = vector.broadcast %jit3A_1980 : i32 to vector<64x256xi32>
      %select_n3A_1982 = arith.select %eq3A_1979, %iota3A, %broadcast_in_dim3A_1981 : vector<64x256xi1>, vector<64x256xi32>
      %reduce_min3A_1983 = arith.constant dense<2147483647> : vector<64xi32>
      %reduce_min3A_1984 = vector.multi_reduction <minsi>, %select_n3A_1982, %reduce_min3A_1983 [1] : vector<64x256xi32> to vector<64xi32>
      %broadcast_in_dim3A_1985 = vector.shape_cast %reduce_min3A_1984 : vector<64xi32> to vector<64x1xi32>
      %eq3A_1986 = vector.broadcast %broadcast_in_dim3A_1985 : vector<64x1xi32> to vector<64x256xi32>
      %eq3A_1987 = arith.cmpi eq, %iota3A, %eq3A_1986 : vector<64x256xi32>
      %jit3A_1988 = arith.constant 0xFF800000 : f32
      %broadcast_in_dim3A_1989 = vector.broadcast %jit3A_1988 : f32 to vector<64x256xf32>
      %select_n3A_1990 = arith.select %eq3A_1987, %broadcast_in_dim3A_1989, %select_n3A_1974 : vector<64x256xi1>, vector<64x256xf32>
      %reduce_max3A_1991 = arith.constant dense<0xFF800000> : vector<64xf32>
      %reduce_max3A_1992 = vector.multi_reduction <maximumf>, %select_n3A_1990, %reduce_max3A_1991 [1] : vector<64x256xf32> to vector<64xf32>
      %broadcast_in_dim3A_1993 = vector.shape_cast %reduce_max3A_1992 : vector<64xf32> to vector<64x1xf32>
      %eq3A_1994 = vector.broadcast %broadcast_in_dim3A_1993 : vector<64x1xf32> to vector<64x256xf32>
      %eq3A_1995 = arith.cmpf oeq, %select_n3A_1990, %eq3A_1994 : vector<64x256xf32>
      %jit3A_1996 = arith.constant 256 : i32
      %broadcast_in_dim3A_1997 = vector.broadcast %jit3A_1996 : i32 to vector<64x256xi32>
      %select_n3A_1998 = arith.select %eq3A_1995, %iota3A, %broadcast_in_dim3A_1997 : vector<64x256xi1>, vector<64x256xi32>
      %reduce_min3A_1999 = arith.constant dense<2147483647> : vector<64xi32>
      %reduce_min3A_2000 = vector.multi_reduction <minsi>, %select_n3A_1998, %reduce_min3A_1999 [1] : vector<64x256xi32> to vector<64xi32>
      %broadcast_in_dim3A_2001 = vector.shape_cast %reduce_min3A_2000 : vector<64xi32> to vector<64x1xi32>
      %eq3A_2002 = vector.broadcast %broadcast_in_dim3A_2001 : vector<64x1xi32> to vector<64x256xi32>
      %eq3A_2003 = arith.cmpi eq, %iota3A, %eq3A_2002 : vector<64x256xi32>
      %jit3A_2004 = arith.constant 0xFF800000 : f32
      %broadcast_in_dim3A_2005 = vector.broadcast %jit3A_2004 : f32 to vector<64x256xf32>
      %select_n3A_2006 = arith.select %eq3A_2003, %broadcast_in_dim3A_2005, %select_n3A_1990 : vector<64x256xi1>, vector<64x256xf32>
      %reduce_max3A_2007 = arith.constant dense<0xFF800000> : vector<64xf32>
      %reduce_max3A_2008 = vector.multi_reduction <maximumf>, %select_n3A_2006, %reduce_max3A_2007 [1] : vector<64x256xf32> to vector<64xf32>
      %broadcast_in_dim3A_2009 = vector.shape_cast %reduce_max3A_2008 : vector<64xf32> to vector<64x1xf32>
      %eq3A_2010 = vector.broadcast %broadcast_in_dim3A_2009 : vector<64x1xf32> to vector<64x256xf32>
      %eq3A_2011 = arith.cmpf oeq, %select_n3A_2006, %eq3A_2010 : vector<64x256xf32>
      %jit3A_2012 = arith.constant 256 : i32
      %broadcast_in_dim3A_2013 = vector.broadcast %jit3A_2012 : i32 to vector<64x256xi32>
      %select_n3A_2014 = arith.select %eq3A_2011, %iota3A, %broadcast_in_dim3A_2013 : vector<64x256xi1>, vector<64x256xi32>
      %reduce_min3A_2015 = arith.constant dense<2147483647> : vector<64xi32>
      %reduce_min3A_2016 = vector.multi_reduction <minsi>, %select_n3A_2014, %reduce_min3A_2015 [1] : vector<64x256xi32> to vector<64xi32>
      %broadcast_in_dim3A_2017 = vector.shape_cast %reduce_min3A_2016 : vector<64xi32> to vector<64x1xi32>
      %eq3A_2018 = vector.broadcast %broadcast_in_dim3A_2017 : vector<64x1xi32> to vector<64x256xi32>
      %eq3A_2019 = arith.cmpi eq, %iota3A, %eq3A_2018 : vector<64x256xi32>
      %jit3A_2020 = arith.constant 0xFF800000 : f32
      %broadcast_in_dim3A_2021 = vector.broadcast %jit3A_2020 : f32 to vector<64x256xf32>
      %select_n3A_2022 = arith.select %eq3A_2019, %broadcast_in_dim3A_2021, %select_n3A_2006 : vector<64x256xi1>, vector<64x256xf32>
      %reduce_max3A_2023 = arith.constant dense<0xFF800000> : vector<64xf32>
      %reduce_max3A_2024 = vector.multi_reduction <maximumf>, %select_n3A_2022, %reduce_max3A_2023 [1] : vector<64x256xf32> to vector<64xf32>
      %broadcast_in_dim3A_2025 = vector.shape_cast %reduce_max3A_2024 : vector<64xf32> to vector<64x1xf32>
      %eq3A_2026 = vector.broadcast %broadcast_in_dim3A_2025 : vector<64x1xf32> to vector<64x256xf32>
      %eq3A_2027 = arith.cmpf oeq, %select_n3A_2022, %eq3A_2026 : vector<64x256xf32>
      %jit3A_2028 = arith.constant 256 : i32
      %broadcast_in_dim3A_2029 = vector.broadcast %jit3A_2028 : i32 to vector<64x256xi32>
      %select_n3A_2030 = arith.select %eq3A_2027, %iota3A, %broadcast_in_dim3A_2029 : vector<64x256xi1>, vector<64x256xi32>
      %reduce_min3A_2031 = arith.constant dense<2147483647> : vector<64xi32>
      %reduce_min3A_2032 = vector.multi_reduction <minsi>, %select_n3A_2030, %reduce_min3A_2031 [1] : vector<64x256xi32> to vector<64xi32>
      %broadcast_in_dim3A_2033 = vector.shape_cast %reduce_min3A_2032 : vector<64xi32> to vector<64x1xi32>
      %eq3A_2034 = vector.broadcast %broadcast_in_dim3A_2033 : vector<64x1xi32> to vector<64x256xi32>
      %eq3A_2035 = arith.cmpi eq, %iota3A, %eq3A_2034 : vector<64x256xi32>
      %jit3A_2036 = arith.constant 0xFF800000 : f32
      %broadcast_in_dim3A_2037 = vector.broadcast %jit3A_2036 : f32 to vector<64x256xf32>
      %select_n3A_2038 = arith.select %eq3A_2035, %broadcast_in_dim3A_2037, %select_n3A_2022 : vector<64x256xi1>, vector<64x256xf32>
      %reduce_max3A_2039 = arith.constant dense<0xFF800000> : vector<64xf32>
      %reduce_max3A_2040 = vector.multi_reduction <maximumf>, %select_n3A_2038, %reduce_max3A_2039 [1] : vector<64x256xf32> to vector<64xf32>
      %broadcast_in_dim3A_2041 = vector.shape_cast %reduce_max3A_2040 : vector<64xf32> to vector<64x1xf32>
      %eq3A_2042 = vector.broadcast %broadcast_in_dim3A_2041 : vector<64x1xf32> to vector<64x256xf32>
      %eq3A_2043 = arith.cmpf oeq, %select_n3A_2038, %eq3A_2042 : vector<64x256xf32>
      %jit3A_2044 = arith.constant 256 : i32
      %broadcast_in_dim3A_2045 = vector.broadcast %jit3A_2044 : i32 to vector<64x256xi32>
      %select_n3A_2046 = arith.select %eq3A_2043, %iota3A, %broadcast_in_dim3A_2045 : vector<64x256xi1>, vector<64x256xi32>
      %reduce_min3A_2047 = arith.constant dense<2147483647> : vector<64xi32>
      %reduce_min3A_2048 = vector.multi_reduction <minsi>, %select_n3A_2046, %reduce_min3A_2047 [1] : vector<64x256xi32> to vector<64xi32>
      %broadcast_in_dim3A_2049 = vector.shape_cast %reduce_min3A_2048 : vector<64xi32> to vector<64x1xi32>
      %broadcast_in_dim3A_2050 = arith.constant 0 : i32
      %broadcast_in_dim3A_2051 = vector.broadcast %broadcast_in_dim3A_2050 : i32 to vector<64x112xi32>
      %concatenate3A_2052 = tpu.concatenate %broadcast_in_dim3A_1809, %broadcast_in_dim3A_1825, %broadcast_in_dim3A_1841, %broadcast_in_dim3A_1857, %broadcast_in_dim3A_1873, %broadcast_in_dim3A_1889, %broadcast_in_dim3A_1905, %broadcast_in_dim3A_1921, %broadcast_in_dim3A_1937, %broadcast_in_dim3A_1953, %broadcast_in_dim3A_1969, %broadcast_in_dim3A_1985, %broadcast_in_dim3A_2001, %broadcast_in_dim3A_2017, %broadcast_in_dim3A_2033, %broadcast_in_dim3A_2049, %broadcast_in_dim3A_2051 in 1 : vector<64x1xi32>, vector<64x1xi32>, vector<64x1xi32>, vector<64x1xi32>, vector<64x1xi32>, vector<64x1xi32>, vector<64x1xi32>, vector<64x1xi32>, vector<64x1xi32>, vector<64x1xi32>, vector<64x1xi32>, vector<64x1xi32>, vector<64x1xi32>, vector<64x1xi32>, vector<64x1xi32>, vector<64x1xi32>, vector<64x112xi32> -> vector<64x128xi32>
      %swap3A_2053 = arith.constant 0 : index
      %swap3A_2054 = arith.constant 0 : index
      %swap3A_2055 = vector.load %arg5[%swap3A_2053, %swap3A_2054] : memref<64x128xi32, #tpu.memory_space<vmem>>, vector<64x128xi32>
      tpu.vector_store %arg5[%swap3A_2053, %swap3A_2054], %concatenate3A_2052 {strides = array<i32>} : memref<64x128xi32, #tpu.memory_space<vmem>>, vector<64x128xi32>,
      %iota3A_2056 = tpu.iota {dimensions = array<i32: 0>} : vector<64x128xi32>
      %mul3A_2057 = arith.constant 64 : i32
      %mul3A_2058 = vector.broadcast %mul3A_2057 : i32 to vector<64x128xi32>
      %mul3A_2059 = arith.muli %concatenate3A_2052, %mul3A_2058 : vector<64x128xi32>
      %add3A = arith.addi %mul3A_2059, %iota3A_2056 : vector<64x128xi32>
      %swap3A_2060 = arith.constant 0 : index
      %swap3A_2061 = arith.constant 0 : index
      %swap3A_2062 = vector.load %arg6[%swap3A_2060, %swap3A_2061] : memref<64x128xi32, #tpu.memory_space<vmem>>, vector<64x128xi32>
      tpu.vector_store %arg6[%swap3A_2060, %swap3A_2061], %add3A {strides = array<i32>} : memref<64x128xi32, #tpu.memory_space<vmem>>, vector<64x128xi32>,
    } else {
    }
    return
  }
  func.func @transform_0(%arg0: i32) -> (i32, i32) {
    %c0_i32 = arith.constant 0 : i32
    %c0_i32_0 = arith.constant 0 : i32
    %c0_i32_1 = arith.constant 0 : i32
    return %c0_i32, %c0_i32_0 : i32, i32
  }
  func.func @transform_1(%arg0: i32) -> (i32, i32) {
    %c0_i32 = arith.constant 0 : i32
    %c0_i32_0 = arith.constant 0 : i32
    %c0_i32_1 = arith.constant 0 : i32
    return %c0_i32, %c0_i32_0 : i32, i32
  }
  func.func @transform_2(%arg0: i32) -> (i32, i32) {
    %c0_i32 = arith.constant 0 : i32
    %c0_i32_0 = arith.constant 0 : i32
    return %arg0, %c0_i32 : i32, i32
  }
  func.func @transform_3(%arg0: i32) -> (i32, i32) {
    %c0_i32 = arith.constant 0 : i32
    %c0_i32_0 = arith.constant 0 : i32
    return %arg0, %c0_i32 : i32, i32
  }
  func.func @transform_4(%arg0: i32) -> (i32, i32) {
    %c0_i32 = arith.constant 0 : i32
    %c0_i32_0 = arith.constant 0 : i32
    %c0_i32_1 = arith.constant 0 : i32
    return %c0_i32, %c0_i32_0 : i32, i32
  }
  func.func @transform_5(%arg0: i32) -> (i32, i32) {
    %c0_i32 = arith.constant 0 : i32
    %c0_i32_0 = arith.constant 0 : i32
    %c0_i32_1 = arith.constant 0 : i32
    return %c0_i32, %c0_i32_0 : i32, i32
  }
}

module attributes {stable_mosaic.version = 14 : i64} {
  func.func @_phase2_body(%arg0: memref<64x16x128xf32, #tpu.memory_space<vmem>>, %arg1: memref<64x128xi32, #tpu.memory_space<vmem>>, %arg2: memref<64x128xf32, #tpu.memory_space<vmem>>, %arg3: memref<64x128xi32, #tpu.memory_space<vmem>>) attributes {dimension_semantics = [], scalar_prefetch = 0 : i64, scratch_operands = 0 : i64, tpu.core_type = #tpu.core_type<tc>} {
    %get3A = arith.constant 0 : index
    %get3A_0 = arith.constant 0 : index
    %get3A_1 = arith.constant 0 : index
    %get3A_2 = vector.load %arg0[%get3A, %get3A_0, %get3A_1] : memref<64x16x128xf32, #tpu.memory_space<vmem>>, vector<64x16x128xf32>
    %get3A_3 = arith.constant 0 : index
    %get3A_4 = arith.constant 0 : index
    %get3A_5 = vector.load %arg1[%get3A_3, %get3A_4] : memref<64x128xi32, #tpu.memory_space<vmem>>, vector<64x128xi32>
    %slice3A = vector.extract_strided_slice %get3A_5 {offsets = [0, 0], sizes = [64, 16], strides = [1, 1]} : vector<64x128xi32> to vector<64x16xi32>
    %broadcast_in_dim3A = vector.shape_cast %slice3A : vector<64x16xi32> to vector<64x16x1xi32>
    %mul3A = arith.constant 128 : i32
    %mul3A_6 = vector.broadcast %mul3A : i32 to vector<64x16x1xi32>
    %mul3A_7 = arith.muli %broadcast_in_dim3A, %mul3A_6 : vector<64x16x1xi32>
    %iota3A = tpu.iota {dimensions = array<i32: 2>} : vector<64x16x128xi32>
    %add3A = vector.broadcast %mul3A_7 : vector<64x16x1xi32> to vector<64x16x128xi32>
    %add3A_8 = arith.addi %add3A, %iota3A : vector<64x16x128xi32>
    %reduce_max3A = arith.constant dense<0xFF800000> : vector<64x16xf32>
    %reduce_max3A_9 = vector.multi_reduction <maximumf>, %get3A_2, %reduce_max3A [2] : vector<64x16x128xf32> to vector<64x16xf32>
    %broadcast_in_dim3A_10 = vector.shape_cast %reduce_max3A_9 : vector<64x16xf32> to vector<64x16x1xf32>
    %reduce_max3A_11 = arith.constant dense<0xFF800000> : vector<64x1xf32>
    %reduce_max3A_12 = vector.multi_reduction <maximumf>, %broadcast_in_dim3A_10, %reduce_max3A_11 [1] : vector<64x16x1xf32> to vector<64x1xf32>
    %broadcast_in_dim3A_13 = vector.shape_cast %reduce_max3A_12 : vector<64x1xf32> to vector<64x1x1xf32>
    %eq3A = vector.broadcast %broadcast_in_dim3A_13 : vector<64x1x1xf32> to vector<64x16x128xf32>
    %eq3A_14 = arith.cmpf oeq, %get3A_2, %eq3A : vector<64x16x128xf32>
    %jit3A = arith.constant 1073741824 : i32
    %broadcast_in_dim3A_15 = vector.broadcast %jit3A : i32 to vector<64x16x128xi32>
    %select_n3A = arith.select %eq3A_14, %add3A_8, %broadcast_in_dim3A_15 : vector<64x16x128xi1>, vector<64x16x128xi32>
    %reduce_min3A = arith.constant dense<2147483647> : vector<64x16xi32>
    %reduce_min3A_16 = vector.multi_reduction <minsi>, %select_n3A, %reduce_min3A [2] : vector<64x16x128xi32> to vector<64x16xi32>
    %broadcast_in_dim3A_17 = vector.shape_cast %reduce_min3A_16 : vector<64x16xi32> to vector<64x16x1xi32>
    %reduce_min3A_18 = arith.constant dense<2147483647> : vector<64x1xi32>
    %reduce_min3A_19 = vector.multi_reduction <minsi>, %broadcast_in_dim3A_17, %reduce_min3A_18 [1] : vector<64x16x1xi32> to vector<64x1xi32>
    %broadcast_in_dim3A_20 = vector.shape_cast %reduce_min3A_19 : vector<64x1xi32> to vector<64x1x1xi32>
    %reshape3A = vector.shape_cast %broadcast_in_dim3A_13 : vector<64x1x1xf32> to vector<64x1xf32>
    %reshape3A_21 = vector.shape_cast %broadcast_in_dim3A_20 : vector<64x1x1xi32> to vector<64x1xi32>
    %eq3A_22 = vector.broadcast %broadcast_in_dim3A_20 : vector<64x1x1xi32> to vector<64x16x128xi32>
    %eq3A_23 = arith.cmpi eq, %add3A_8, %eq3A_22 : vector<64x16x128xi32>
    %jit3A_24 = arith.constant 0xFF800000 : f32
    %broadcast_in_dim3A_25 = vector.broadcast %jit3A_24 : f32 to vector<64x16x128xf32>
    %select_n3A_26 = arith.select %eq3A_23, %broadcast_in_dim3A_25, %get3A_2 : vector<64x16x128xi1>, vector<64x16x128xf32>
    %reduce_max3A_27 = arith.constant dense<0xFF800000> : vector<64x16xf32>
    %reduce_max3A_28 = vector.multi_reduction <maximumf>, %select_n3A_26, %reduce_max3A_27 [2] : vector<64x16x128xf32> to vector<64x16xf32>
    %broadcast_in_dim3A_29 = vector.shape_cast %reduce_max3A_28 : vector<64x16xf32> to vector<64x16x1xf32>
    %reduce_max3A_30 = arith.constant dense<0xFF800000> : vector<64x1xf32>
    %reduce_max3A_31 = vector.multi_reduction <maximumf>, %broadcast_in_dim3A_29, %reduce_max3A_30 [1] : vector<64x16x1xf32> to vector<64x1xf32>
    %broadcast_in_dim3A_32 = vector.shape_cast %reduce_max3A_31 : vector<64x1xf32> to vector<64x1x1xf32>
    %eq3A_33 = vector.broadcast %broadcast_in_dim3A_32 : vector<64x1x1xf32> to vector<64x16x128xf32>
    %eq3A_34 = arith.cmpf oeq, %select_n3A_26, %eq3A_33 : vector<64x16x128xf32>
    %jit3A_35 = arith.constant 1073741824 : i32
    %broadcast_in_dim3A_36 = vector.broadcast %jit3A_35 : i32 to vector<64x16x128xi32>
    %select_n3A_37 = arith.select %eq3A_34, %add3A_8, %broadcast_in_dim3A_36 : vector<64x16x128xi1>, vector<64x16x128xi32>
    %reduce_min3A_38 = arith.constant dense<2147483647> : vector<64x16xi32>
    %reduce_min3A_39 = vector.multi_reduction <minsi>, %select_n3A_37, %reduce_min3A_38 [2] : vector<64x16x128xi32> to vector<64x16xi32>
    %broadcast_in_dim3A_40 = vector.shape_cast %reduce_min3A_39 : vector<64x16xi32> to vector<64x16x1xi32>
    %reduce_min3A_41 = arith.constant dense<2147483647> : vector<64x1xi32>
    %reduce_min3A_42 = vector.multi_reduction <minsi>, %broadcast_in_dim3A_40, %reduce_min3A_41 [1] : vector<64x16x1xi32> to vector<64x1xi32>
    %broadcast_in_dim3A_43 = vector.shape_cast %reduce_min3A_42 : vector<64x1xi32> to vector<64x1x1xi32>
    %reshape3A_44 = vector.shape_cast %broadcast_in_dim3A_32 : vector<64x1x1xf32> to vector<64x1xf32>
    %reshape3A_45 = vector.shape_cast %broadcast_in_dim3A_43 : vector<64x1x1xi32> to vector<64x1xi32>
    %eq3A_46 = vector.broadcast %broadcast_in_dim3A_43 : vector<64x1x1xi32> to vector<64x16x128xi32>
    %eq3A_47 = arith.cmpi eq, %add3A_8, %eq3A_46 : vector<64x16x128xi32>
    %jit3A_48 = arith.constant 0xFF800000 : f32
    %broadcast_in_dim3A_49 = vector.broadcast %jit3A_48 : f32 to vector<64x16x128xf32>
    %select_n3A_50 = arith.select %eq3A_47, %broadcast_in_dim3A_49, %select_n3A_26 : vector<64x16x128xi1>, vector<64x16x128xf32>
    %reduce_max3A_51 = arith.constant dense<0xFF800000> : vector<64x16xf32>
    %reduce_max3A_52 = vector.multi_reduction <maximumf>, %select_n3A_50, %reduce_max3A_51 [2] : vector<64x16x128xf32> to vector<64x16xf32>
    %broadcast_in_dim3A_53 = vector.shape_cast %reduce_max3A_52 : vector<64x16xf32> to vector<64x16x1xf32>
    %reduce_max3A_54 = arith.constant dense<0xFF800000> : vector<64x1xf32>
    %reduce_max3A_55 = vector.multi_reduction <maximumf>, %broadcast_in_dim3A_53, %reduce_max3A_54 [1] : vector<64x16x1xf32> to vector<64x1xf32>
    %broadcast_in_dim3A_56 = vector.shape_cast %reduce_max3A_55 : vector<64x1xf32> to vector<64x1x1xf32>
    %eq3A_57 = vector.broadcast %broadcast_in_dim3A_56 : vector<64x1x1xf32> to vector<64x16x128xf32>
    %eq3A_58 = arith.cmpf oeq, %select_n3A_50, %eq3A_57 : vector<64x16x128xf32>
    %jit3A_59 = arith.constant 1073741824 : i32
    %broadcast_in_dim3A_60 = vector.broadcast %jit3A_59 : i32 to vector<64x16x128xi32>
    %select_n3A_61 = arith.select %eq3A_58, %add3A_8, %broadcast_in_dim3A_60 : vector<64x16x128xi1>, vector<64x16x128xi32>
    %reduce_min3A_62 = arith.constant dense<2147483647> : vector<64x16xi32>
    %reduce_min3A_63 = vector.multi_reduction <minsi>, %select_n3A_61, %reduce_min3A_62 [2] : vector<64x16x128xi32> to vector<64x16xi32>
    %broadcast_in_dim3A_64 = vector.shape_cast %reduce_min3A_63 : vector<64x16xi32> to vector<64x16x1xi32>
    %reduce_min3A_65 = arith.constant dense<2147483647> : vector<64x1xi32>
    %reduce_min3A_66 = vector.multi_reduction <minsi>, %broadcast_in_dim3A_64, %reduce_min3A_65 [1] : vector<64x16x1xi32> to vector<64x1xi32>
    %broadcast_in_dim3A_67 = vector.shape_cast %reduce_min3A_66 : vector<64x1xi32> to vector<64x1x1xi32>
    %reshape3A_68 = vector.shape_cast %broadcast_in_dim3A_56 : vector<64x1x1xf32> to vector<64x1xf32>
    %reshape3A_69 = vector.shape_cast %broadcast_in_dim3A_67 : vector<64x1x1xi32> to vector<64x1xi32>
    %eq3A_70 = vector.broadcast %broadcast_in_dim3A_67 : vector<64x1x1xi32> to vector<64x16x128xi32>
    %eq3A_71 = arith.cmpi eq, %add3A_8, %eq3A_70 : vector<64x16x128xi32>
    %jit3A_72 = arith.constant 0xFF800000 : f32
    %broadcast_in_dim3A_73 = vector.broadcast %jit3A_72 : f32 to vector<64x16x128xf32>
    %select_n3A_74 = arith.select %eq3A_71, %broadcast_in_dim3A_73, %select_n3A_50 : vector<64x16x128xi1>, vector<64x16x128xf32>
    %reduce_max3A_75 = arith.constant dense<0xFF800000> : vector<64x16xf32>
    %reduce_max3A_76 = vector.multi_reduction <maximumf>, %select_n3A_74, %reduce_max3A_75 [2] : vector<64x16x128xf32> to vector<64x16xf32>
    %broadcast_in_dim3A_77 = vector.shape_cast %reduce_max3A_76 : vector<64x16xf32> to vector<64x16x1xf32>
    %reduce_max3A_78 = arith.constant dense<0xFF800000> : vector<64x1xf32>
    %reduce_max3A_79 = vector.multi_reduction <maximumf>, %broadcast_in_dim3A_77, %reduce_max3A_78 [1] : vector<64x16x1xf32> to vector<64x1xf32>
    %broadcast_in_dim3A_80 = vector.shape_cast %reduce_max3A_79 : vector<64x1xf32> to vector<64x1x1xf32>
    %eq3A_81 = vector.broadcast %broadcast_in_dim3A_80 : vector<64x1x1xf32> to vector<64x16x128xf32>
    %eq3A_82 = arith.cmpf oeq, %select_n3A_74, %eq3A_81 : vector<64x16x128xf32>
    %jit3A_83 = arith.constant 1073741824 : i32
    %broadcast_in_dim3A_84 = vector.broadcast %jit3A_83 : i32 to vector<64x16x128xi32>
    %select_n3A_85 = arith.select %eq3A_82, %add3A_8, %broadcast_in_dim3A_84 : vector<64x16x128xi1>, vector<64x16x128xi32>
    %reduce_min3A_86 = arith.constant dense<2147483647> : vector<64x16xi32>
    %reduce_min3A_87 = vector.multi_reduction <minsi>, %select_n3A_85, %reduce_min3A_86 [2] : vector<64x16x128xi32> to vector<64x16xi32>
    %broadcast_in_dim3A_88 = vector.shape_cast %reduce_min3A_87 : vector<64x16xi32> to vector<64x16x1xi32>
    %reduce_min3A_89 = arith.constant dense<2147483647> : vector<64x1xi32>
    %reduce_min3A_90 = vector.multi_reduction <minsi>, %broadcast_in_dim3A_88, %reduce_min3A_89 [1] : vector<64x16x1xi32> to vector<64x1xi32>
    %broadcast_in_dim3A_91 = vector.shape_cast %reduce_min3A_90 : vector<64x1xi32> to vector<64x1x1xi32>
    %reshape3A_92 = vector.shape_cast %broadcast_in_dim3A_80 : vector<64x1x1xf32> to vector<64x1xf32>
    %reshape3A_93 = vector.shape_cast %broadcast_in_dim3A_91 : vector<64x1x1xi32> to vector<64x1xi32>
    %eq3A_94 = vector.broadcast %broadcast_in_dim3A_91 : vector<64x1x1xi32> to vector<64x16x128xi32>
    %eq3A_95 = arith.cmpi eq, %add3A_8, %eq3A_94 : vector<64x16x128xi32>
    %jit3A_96 = arith.constant 0xFF800000 : f32
    %broadcast_in_dim3A_97 = vector.broadcast %jit3A_96 : f32 to vector<64x16x128xf32>
    %select_n3A_98 = arith.select %eq3A_95, %broadcast_in_dim3A_97, %select_n3A_74 : vector<64x16x128xi1>, vector<64x16x128xf32>
    %reduce_max3A_99 = arith.constant dense<0xFF800000> : vector<64x16xf32>
    %reduce_max3A_100 = vector.multi_reduction <maximumf>, %select_n3A_98, %reduce_max3A_99 [2] : vector<64x16x128xf32> to vector<64x16xf32>
    %broadcast_in_dim3A_101 = vector.shape_cast %reduce_max3A_100 : vector<64x16xf32> to vector<64x16x1xf32>
    %reduce_max3A_102 = arith.constant dense<0xFF800000> : vector<64x1xf32>
    %reduce_max3A_103 = vector.multi_reduction <maximumf>, %broadcast_in_dim3A_101, %reduce_max3A_102 [1] : vector<64x16x1xf32> to vector<64x1xf32>
    %broadcast_in_dim3A_104 = vector.shape_cast %reduce_max3A_103 : vector<64x1xf32> to vector<64x1x1xf32>
    %eq3A_105 = vector.broadcast %broadcast_in_dim3A_104 : vector<64x1x1xf32> to vector<64x16x128xf32>
    %eq3A_106 = arith.cmpf oeq, %select_n3A_98, %eq3A_105 : vector<64x16x128xf32>
    %jit3A_107 = arith.constant 1073741824 : i32
    %broadcast_in_dim3A_108 = vector.broadcast %jit3A_107 : i32 to vector<64x16x128xi32>
    %select_n3A_109 = arith.select %eq3A_106, %add3A_8, %broadcast_in_dim3A_108 : vector<64x16x128xi1>, vector<64x16x128xi32>
    %reduce_min3A_110 = arith.constant dense<2147483647> : vector<64x16xi32>
    %reduce_min3A_111 = vector.multi_reduction <minsi>, %select_n3A_109, %reduce_min3A_110 [2] : vector<64x16x128xi32> to vector<64x16xi32>
    %broadcast_in_dim3A_112 = vector.shape_cast %reduce_min3A_111 : vector<64x16xi32> to vector<64x16x1xi32>
    %reduce_min3A_113 = arith.constant dense<2147483647> : vector<64x1xi32>
    %reduce_min3A_114 = vector.multi_reduction <minsi>, %broadcast_in_dim3A_112, %reduce_min3A_113 [1] : vector<64x16x1xi32> to vector<64x1xi32>
    %broadcast_in_dim3A_115 = vector.shape_cast %reduce_min3A_114 : vector<64x1xi32> to vector<64x1x1xi32>
    %reshape3A_116 = vector.shape_cast %broadcast_in_dim3A_104 : vector<64x1x1xf32> to vector<64x1xf32>
    %reshape3A_117 = vector.shape_cast %broadcast_in_dim3A_115 : vector<64x1x1xi32> to vector<64x1xi32>
    %eq3A_118 = vector.broadcast %broadcast_in_dim3A_115 : vector<64x1x1xi32> to vector<64x16x128xi32>
    %eq3A_119 = arith.cmpi eq, %add3A_8, %eq3A_118 : vector<64x16x128xi32>
    %jit3A_120 = arith.constant 0xFF800000 : f32
    %broadcast_in_dim3A_121 = vector.broadcast %jit3A_120 : f32 to vector<64x16x128xf32>
    %select_n3A_122 = arith.select %eq3A_119, %broadcast_in_dim3A_121, %select_n3A_98 : vector<64x16x128xi1>, vector<64x16x128xf32>
    %reduce_max3A_123 = arith.constant dense<0xFF800000> : vector<64x16xf32>
    %reduce_max3A_124 = vector.multi_reduction <maximumf>, %select_n3A_122, %reduce_max3A_123 [2] : vector<64x16x128xf32> to vector<64x16xf32>
    %broadcast_in_dim3A_125 = vector.shape_cast %reduce_max3A_124 : vector<64x16xf32> to vector<64x16x1xf32>
    %reduce_max3A_126 = arith.constant dense<0xFF800000> : vector<64x1xf32>
    %reduce_max3A_127 = vector.multi_reduction <maximumf>, %broadcast_in_dim3A_125, %reduce_max3A_126 [1] : vector<64x16x1xf32> to vector<64x1xf32>
    %broadcast_in_dim3A_128 = vector.shape_cast %reduce_max3A_127 : vector<64x1xf32> to vector<64x1x1xf32>
    %eq3A_129 = vector.broadcast %broadcast_in_dim3A_128 : vector<64x1x1xf32> to vector<64x16x128xf32>
    %eq3A_130 = arith.cmpf oeq, %select_n3A_122, %eq3A_129 : vector<64x16x128xf32>
    %jit3A_131 = arith.constant 1073741824 : i32
    %broadcast_in_dim3A_132 = vector.broadcast %jit3A_131 : i32 to vector<64x16x128xi32>
    %select_n3A_133 = arith.select %eq3A_130, %add3A_8, %broadcast_in_dim3A_132 : vector<64x16x128xi1>, vector<64x16x128xi32>
    %reduce_min3A_134 = arith.constant dense<2147483647> : vector<64x16xi32>
    %reduce_min3A_135 = vector.multi_reduction <minsi>, %select_n3A_133, %reduce_min3A_134 [2] : vector<64x16x128xi32> to vector<64x16xi32>
    %broadcast_in_dim3A_136 = vector.shape_cast %reduce_min3A_135 : vector<64x16xi32> to vector<64x16x1xi32>
    %reduce_min3A_137 = arith.constant dense<2147483647> : vector<64x1xi32>
    %reduce_min3A_138 = vector.multi_reduction <minsi>, %broadcast_in_dim3A_136, %reduce_min3A_137 [1] : vector<64x16x1xi32> to vector<64x1xi32>
    %broadcast_in_dim3A_139 = vector.shape_cast %reduce_min3A_138 : vector<64x1xi32> to vector<64x1x1xi32>
    %reshape3A_140 = vector.shape_cast %broadcast_in_dim3A_128 : vector<64x1x1xf32> to vector<64x1xf32>
    %reshape3A_141 = vector.shape_cast %broadcast_in_dim3A_139 : vector<64x1x1xi32> to vector<64x1xi32>
    %eq3A_142 = vector.broadcast %broadcast_in_dim3A_139 : vector<64x1x1xi32> to vector<64x16x128xi32>
    %eq3A_143 = arith.cmpi eq, %add3A_8, %eq3A_142 : vector<64x16x128xi32>
    %jit3A_144 = arith.constant 0xFF800000 : f32
    %broadcast_in_dim3A_145 = vector.broadcast %jit3A_144 : f32 to vector<64x16x128xf32>
    %select_n3A_146 = arith.select %eq3A_143, %broadcast_in_dim3A_145, %select_n3A_122 : vector<64x16x128xi1>, vector<64x16x128xf32>
    %reduce_max3A_147 = arith.constant dense<0xFF800000> : vector<64x16xf32>
    %reduce_max3A_148 = vector.multi_reduction <maximumf>, %select_n3A_146, %reduce_max3A_147 [2] : vector<64x16x128xf32> to vector<64x16xf32>
    %broadcast_in_dim3A_149 = vector.shape_cast %reduce_max3A_148 : vector<64x16xf32> to vector<64x16x1xf32>
    %reduce_max3A_150 = arith.constant dense<0xFF800000> : vector<64x1xf32>
    %reduce_max3A_151 = vector.multi_reduction <maximumf>, %broadcast_in_dim3A_149, %reduce_max3A_150 [1] : vector<64x16x1xf32> to vector<64x1xf32>
    %broadcast_in_dim3A_152 = vector.shape_cast %reduce_max3A_151 : vector<64x1xf32> to vector<64x1x1xf32>
    %eq3A_153 = vector.broadcast %broadcast_in_dim3A_152 : vector<64x1x1xf32> to vector<64x16x128xf32>
    %eq3A_154 = arith.cmpf oeq, %select_n3A_146, %eq3A_153 : vector<64x16x128xf32>
    %jit3A_155 = arith.constant 1073741824 : i32
    %broadcast_in_dim3A_156 = vector.broadcast %jit3A_155 : i32 to vector<64x16x128xi32>
    %select_n3A_157 = arith.select %eq3A_154, %add3A_8, %broadcast_in_dim3A_156 : vector<64x16x128xi1>, vector<64x16x128xi32>
    %reduce_min3A_158 = arith.constant dense<2147483647> : vector<64x16xi32>
    %reduce_min3A_159 = vector.multi_reduction <minsi>, %select_n3A_157, %reduce_min3A_158 [2] : vector<64x16x128xi32> to vector<64x16xi32>
    %broadcast_in_dim3A_160 = vector.shape_cast %reduce_min3A_159 : vector<64x16xi32> to vector<64x16x1xi32>
    %reduce_min3A_161 = arith.constant dense<2147483647> : vector<64x1xi32>
    %reduce_min3A_162 = vector.multi_reduction <minsi>, %broadcast_in_dim3A_160, %reduce_min3A_161 [1] : vector<64x16x1xi32> to vector<64x1xi32>
    %broadcast_in_dim3A_163 = vector.shape_cast %reduce_min3A_162 : vector<64x1xi32> to vector<64x1x1xi32>
    %reshape3A_164 = vector.shape_cast %broadcast_in_dim3A_152 : vector<64x1x1xf32> to vector<64x1xf32>
    %reshape3A_165 = vector.shape_cast %broadcast_in_dim3A_163 : vector<64x1x1xi32> to vector<64x1xi32>
    %eq3A_166 = vector.broadcast %broadcast_in_dim3A_163 : vector<64x1x1xi32> to vector<64x16x128xi32>
    %eq3A_167 = arith.cmpi eq, %add3A_8, %eq3A_166 : vector<64x16x128xi32>
    %jit3A_168 = arith.constant 0xFF800000 : f32
    %broadcast_in_dim3A_169 = vector.broadcast %jit3A_168 : f32 to vector<64x16x128xf32>
    %select_n3A_170 = arith.select %eq3A_167, %broadcast_in_dim3A_169, %select_n3A_146 : vector<64x16x128xi1>, vector<64x16x128xf32>
    %reduce_max3A_171 = arith.constant dense<0xFF800000> : vector<64x16xf32>
    %reduce_max3A_172 = vector.multi_reduction <maximumf>, %select_n3A_170, %reduce_max3A_171 [2] : vector<64x16x128xf32> to vector<64x16xf32>
    %broadcast_in_dim3A_173 = vector.shape_cast %reduce_max3A_172 : vector<64x16xf32> to vector<64x16x1xf32>
    %reduce_max3A_174 = arith.constant dense<0xFF800000> : vector<64x1xf32>
    %reduce_max3A_175 = vector.multi_reduction <maximumf>, %broadcast_in_dim3A_173, %reduce_max3A_174 [1] : vector<64x16x1xf32> to vector<64x1xf32>
    %broadcast_in_dim3A_176 = vector.shape_cast %reduce_max3A_175 : vector<64x1xf32> to vector<64x1x1xf32>
    %eq3A_177 = vector.broadcast %broadcast_in_dim3A_176 : vector<64x1x1xf32> to vector<64x16x128xf32>
    %eq3A_178 = arith.cmpf oeq, %select_n3A_170, %eq3A_177 : vector<64x16x128xf32>
    %jit3A_179 = arith.constant 1073741824 : i32
    %broadcast_in_dim3A_180 = vector.broadcast %jit3A_179 : i32 to vector<64x16x128xi32>
    %select_n3A_181 = arith.select %eq3A_178, %add3A_8, %broadcast_in_dim3A_180 : vector<64x16x128xi1>, vector<64x16x128xi32>
    %reduce_min3A_182 = arith.constant dense<2147483647> : vector<64x16xi32>
    %reduce_min3A_183 = vector.multi_reduction <minsi>, %select_n3A_181, %reduce_min3A_182 [2] : vector<64x16x128xi32> to vector<64x16xi32>
    %broadcast_in_dim3A_184 = vector.shape_cast %reduce_min3A_183 : vector<64x16xi32> to vector<64x16x1xi32>
    %reduce_min3A_185 = arith.constant dense<2147483647> : vector<64x1xi32>
    %reduce_min3A_186 = vector.multi_reduction <minsi>, %broadcast_in_dim3A_184, %reduce_min3A_185 [1] : vector<64x16x1xi32> to vector<64x1xi32>
    %broadcast_in_dim3A_187 = vector.shape_cast %reduce_min3A_186 : vector<64x1xi32> to vector<64x1x1xi32>
    %reshape3A_188 = vector.shape_cast %broadcast_in_dim3A_176 : vector<64x1x1xf32> to vector<64x1xf32>
    %reshape3A_189 = vector.shape_cast %broadcast_in_dim3A_187 : vector<64x1x1xi32> to vector<64x1xi32>
    %eq3A_190 = vector.broadcast %broadcast_in_dim3A_187 : vector<64x1x1xi32> to vector<64x16x128xi32>
    %eq3A_191 = arith.cmpi eq, %add3A_8, %eq3A_190 : vector<64x16x128xi32>
    %jit3A_192 = arith.constant 0xFF800000 : f32
    %broadcast_in_dim3A_193 = vector.broadcast %jit3A_192 : f32 to vector<64x16x128xf32>
    %select_n3A_194 = arith.select %eq3A_191, %broadcast_in_dim3A_193, %select_n3A_170 : vector<64x16x128xi1>, vector<64x16x128xf32>
    %reduce_max3A_195 = arith.constant dense<0xFF800000> : vector<64x16xf32>
    %reduce_max3A_196 = vector.multi_reduction <maximumf>, %select_n3A_194, %reduce_max3A_195 [2] : vector<64x16x128xf32> to vector<64x16xf32>
    %broadcast_in_dim3A_197 = vector.shape_cast %reduce_max3A_196 : vector<64x16xf32> to vector<64x16x1xf32>
    %reduce_max3A_198 = arith.constant dense<0xFF800000> : vector<64x1xf32>
    %reduce_max3A_199 = vector.multi_reduction <maximumf>, %broadcast_in_dim3A_197, %reduce_max3A_198 [1] : vector<64x16x1xf32> to vector<64x1xf32>
    %broadcast_in_dim3A_200 = vector.shape_cast %reduce_max3A_199 : vector<64x1xf32> to vector<64x1x1xf32>
    %eq3A_201 = vector.broadcast %broadcast_in_dim3A_200 : vector<64x1x1xf32> to vector<64x16x128xf32>
    %eq3A_202 = arith.cmpf oeq, %select_n3A_194, %eq3A_201 : vector<64x16x128xf32>
    %jit3A_203 = arith.constant 1073741824 : i32
    %broadcast_in_dim3A_204 = vector.broadcast %jit3A_203 : i32 to vector<64x16x128xi32>
    %select_n3A_205 = arith.select %eq3A_202, %add3A_8, %broadcast_in_dim3A_204 : vector<64x16x128xi1>, vector<64x16x128xi32>
    %reduce_min3A_206 = arith.constant dense<2147483647> : vector<64x16xi32>
    %reduce_min3A_207 = vector.multi_reduction <minsi>, %select_n3A_205, %reduce_min3A_206 [2] : vector<64x16x128xi32> to vector<64x16xi32>
    %broadcast_in_dim3A_208 = vector.shape_cast %reduce_min3A_207 : vector<64x16xi32> to vector<64x16x1xi32>
    %reduce_min3A_209 = arith.constant dense<2147483647> : vector<64x1xi32>
    %reduce_min3A_210 = vector.multi_reduction <minsi>, %broadcast_in_dim3A_208, %reduce_min3A_209 [1] : vector<64x16x1xi32> to vector<64x1xi32>
    %broadcast_in_dim3A_211 = vector.shape_cast %reduce_min3A_210 : vector<64x1xi32> to vector<64x1x1xi32>
    %reshape3A_212 = vector.shape_cast %broadcast_in_dim3A_200 : vector<64x1x1xf32> to vector<64x1xf32>
    %reshape3A_213 = vector.shape_cast %broadcast_in_dim3A_211 : vector<64x1x1xi32> to vector<64x1xi32>
    %eq3A_214 = vector.broadcast %broadcast_in_dim3A_211 : vector<64x1x1xi32> to vector<64x16x128xi32>
    %eq3A_215 = arith.cmpi eq, %add3A_8, %eq3A_214 : vector<64x16x128xi32>
    %jit3A_216 = arith.constant 0xFF800000 : f32
    %broadcast_in_dim3A_217 = vector.broadcast %jit3A_216 : f32 to vector<64x16x128xf32>
    %select_n3A_218 = arith.select %eq3A_215, %broadcast_in_dim3A_217, %select_n3A_194 : vector<64x16x128xi1>, vector<64x16x128xf32>
    %reduce_max3A_219 = arith.constant dense<0xFF800000> : vector<64x16xf32>
    %reduce_max3A_220 = vector.multi_reduction <maximumf>, %select_n3A_218, %reduce_max3A_219 [2] : vector<64x16x128xf32> to vector<64x16xf32>
    %broadcast_in_dim3A_221 = vector.shape_cast %reduce_max3A_220 : vector<64x16xf32> to vector<64x16x1xf32>
    %reduce_max3A_222 = arith.constant dense<0xFF800000> : vector<64x1xf32>
    %reduce_max3A_223 = vector.multi_reduction <maximumf>, %broadcast_in_dim3A_221, %reduce_max3A_222 [1] : vector<64x16x1xf32> to vector<64x1xf32>
    %broadcast_in_dim3A_224 = vector.shape_cast %reduce_max3A_223 : vector<64x1xf32> to vector<64x1x1xf32>
    %eq3A_225 = vector.broadcast %broadcast_in_dim3A_224 : vector<64x1x1xf32> to vector<64x16x128xf32>
    %eq3A_226 = arith.cmpf oeq, %select_n3A_218, %eq3A_225 : vector<64x16x128xf32>
    %jit3A_227 = arith.constant 1073741824 : i32
    %broadcast_in_dim3A_228 = vector.broadcast %jit3A_227 : i32 to vector<64x16x128xi32>
    %select_n3A_229 = arith.select %eq3A_226, %add3A_8, %broadcast_in_dim3A_228 : vector<64x16x128xi1>, vector<64x16x128xi32>
    %reduce_min3A_230 = arith.constant dense<2147483647> : vector<64x16xi32>
    %reduce_min3A_231 = vector.multi_reduction <minsi>, %select_n3A_229, %reduce_min3A_230 [2] : vector<64x16x128xi32> to vector<64x16xi32>
    %broadcast_in_dim3A_232 = vector.shape_cast %reduce_min3A_231 : vector<64x16xi32> to vector<64x16x1xi32>
    %reduce_min3A_233 = arith.constant dense<2147483647> : vector<64x1xi32>
    %reduce_min3A_234 = vector.multi_reduction <minsi>, %broadcast_in_dim3A_232, %reduce_min3A_233 [1] : vector<64x16x1xi32> to vector<64x1xi32>
    %broadcast_in_dim3A_235 = vector.shape_cast %reduce_min3A_234 : vector<64x1xi32> to vector<64x1x1xi32>
    %reshape3A_236 = vector.shape_cast %broadcast_in_dim3A_224 : vector<64x1x1xf32> to vector<64x1xf32>
    %reshape3A_237 = vector.shape_cast %broadcast_in_dim3A_235 : vector<64x1x1xi32> to vector<64x1xi32>
    %eq3A_238 = vector.broadcast %broadcast_in_dim3A_235 : vector<64x1x1xi32> to vector<64x16x128xi32>
    %eq3A_239 = arith.cmpi eq, %add3A_8, %eq3A_238 : vector<64x16x128xi32>
    %jit3A_240 = arith.constant 0xFF800000 : f32
    %broadcast_in_dim3A_241 = vector.broadcast %jit3A_240 : f32 to vector<64x16x128xf32>
    %select_n3A_242 = arith.select %eq3A_239, %broadcast_in_dim3A_241, %select_n3A_218 : vector<64x16x128xi1>, vector<64x16x128xf32>
    %reduce_max3A_243 = arith.constant dense<0xFF800000> : vector<64x16xf32>
    %reduce_max3A_244 = vector.multi_reduction <maximumf>, %select_n3A_242, %reduce_max3A_243 [2] : vector<64x16x128xf32> to vector<64x16xf32>
    %broadcast_in_dim3A_245 = vector.shape_cast %reduce_max3A_244 : vector<64x16xf32> to vector<64x16x1xf32>
    %reduce_max3A_246 = arith.constant dense<0xFF800000> : vector<64x1xf32>
    %reduce_max3A_247 = vector.multi_reduction <maximumf>, %broadcast_in_dim3A_245, %reduce_max3A_246 [1] : vector<64x16x1xf32> to vector<64x1xf32>
    %broadcast_in_dim3A_248 = vector.shape_cast %reduce_max3A_247 : vector<64x1xf32> to vector<64x1x1xf32>
    %eq3A_249 = vector.broadcast %broadcast_in_dim3A_248 : vector<64x1x1xf32> to vector<64x16x128xf32>
    %eq3A_250 = arith.cmpf oeq, %select_n3A_242, %eq3A_249 : vector<64x16x128xf32>
    %jit3A_251 = arith.constant 1073741824 : i32
    %broadcast_in_dim3A_252 = vector.broadcast %jit3A_251 : i32 to vector<64x16x128xi32>
    %select_n3A_253 = arith.select %eq3A_250, %add3A_8, %broadcast_in_dim3A_252 : vector<64x16x128xi1>, vector<64x16x128xi32>
    %reduce_min3A_254 = arith.constant dense<2147483647> : vector<64x16xi32>
    %reduce_min3A_255 = vector.multi_reduction <minsi>, %select_n3A_253, %reduce_min3A_254 [2] : vector<64x16x128xi32> to vector<64x16xi32>
    %broadcast_in_dim3A_256 = vector.shape_cast %reduce_min3A_255 : vector<64x16xi32> to vector<64x16x1xi32>
    %reduce_min3A_257 = arith.constant dense<2147483647> : vector<64x1xi32>
    %reduce_min3A_258 = vector.multi_reduction <minsi>, %broadcast_in_dim3A_256, %reduce_min3A_257 [1] : vector<64x16x1xi32> to vector<64x1xi32>
    %broadcast_in_dim3A_259 = vector.shape_cast %reduce_min3A_258 : vector<64x1xi32> to vector<64x1x1xi32>
    %reshape3A_260 = vector.shape_cast %broadcast_in_dim3A_248 : vector<64x1x1xf32> to vector<64x1xf32>
    %reshape3A_261 = vector.shape_cast %broadcast_in_dim3A_259 : vector<64x1x1xi32> to vector<64x1xi32>
    %eq3A_262 = vector.broadcast %broadcast_in_dim3A_259 : vector<64x1x1xi32> to vector<64x16x128xi32>
    %eq3A_263 = arith.cmpi eq, %add3A_8, %eq3A_262 : vector<64x16x128xi32>
    %jit3A_264 = arith.constant 0xFF800000 : f32
    %broadcast_in_dim3A_265 = vector.broadcast %jit3A_264 : f32 to vector<64x16x128xf32>
    %select_n3A_266 = arith.select %eq3A_263, %broadcast_in_dim3A_265, %select_n3A_242 : vector<64x16x128xi1>, vector<64x16x128xf32>
    %reduce_max3A_267 = arith.constant dense<0xFF800000> : vector<64x16xf32>
    %reduce_max3A_268 = vector.multi_reduction <maximumf>, %select_n3A_266, %reduce_max3A_267 [2] : vector<64x16x128xf32> to vector<64x16xf32>
    %broadcast_in_dim3A_269 = vector.shape_cast %reduce_max3A_268 : vector<64x16xf32> to vector<64x16x1xf32>
    %reduce_max3A_270 = arith.constant dense<0xFF800000> : vector<64x1xf32>
    %reduce_max3A_271 = vector.multi_reduction <maximumf>, %broadcast_in_dim3A_269, %reduce_max3A_270 [1] : vector<64x16x1xf32> to vector<64x1xf32>
    %broadcast_in_dim3A_272 = vector.shape_cast %reduce_max3A_271 : vector<64x1xf32> to vector<64x1x1xf32>
    %eq3A_273 = vector.broadcast %broadcast_in_dim3A_272 : vector<64x1x1xf32> to vector<64x16x128xf32>
    %eq3A_274 = arith.cmpf oeq, %select_n3A_266, %eq3A_273 : vector<64x16x128xf32>
    %jit3A_275 = arith.constant 1073741824 : i32
    %broadcast_in_dim3A_276 = vector.broadcast %jit3A_275 : i32 to vector<64x16x128xi32>
    %select_n3A_277 = arith.select %eq3A_274, %add3A_8, %broadcast_in_dim3A_276 : vector<64x16x128xi1>, vector<64x16x128xi32>
    %reduce_min3A_278 = arith.constant dense<2147483647> : vector<64x16xi32>
    %reduce_min3A_279 = vector.multi_reduction <minsi>, %select_n3A_277, %reduce_min3A_278 [2] : vector<64x16x128xi32> to vector<64x16xi32>
    %broadcast_in_dim3A_280 = vector.shape_cast %reduce_min3A_279 : vector<64x16xi32> to vector<64x16x1xi32>
    %reduce_min3A_281 = arith.constant dense<2147483647> : vector<64x1xi32>
    %reduce_min3A_282 = vector.multi_reduction <minsi>, %broadcast_in_dim3A_280, %reduce_min3A_281 [1] : vector<64x16x1xi32> to vector<64x1xi32>
    %broadcast_in_dim3A_283 = vector.shape_cast %reduce_min3A_282 : vector<64x1xi32> to vector<64x1x1xi32>
    %reshape3A_284 = vector.shape_cast %broadcast_in_dim3A_272 : vector<64x1x1xf32> to vector<64x1xf32>
    %reshape3A_285 = vector.shape_cast %broadcast_in_dim3A_283 : vector<64x1x1xi32> to vector<64x1xi32>
    %eq3A_286 = vector.broadcast %broadcast_in_dim3A_283 : vector<64x1x1xi32> to vector<64x16x128xi32>
    %eq3A_287 = arith.cmpi eq, %add3A_8, %eq3A_286 : vector<64x16x128xi32>
    %jit3A_288 = arith.constant 0xFF800000 : f32
    %broadcast_in_dim3A_289 = vector.broadcast %jit3A_288 : f32 to vector<64x16x128xf32>
    %select_n3A_290 = arith.select %eq3A_287, %broadcast_in_dim3A_289, %select_n3A_266 : vector<64x16x128xi1>, vector<64x16x128xf32>
    %reduce_max3A_291 = arith.constant dense<0xFF800000> : vector<64x16xf32>
    %reduce_max3A_292 = vector.multi_reduction <maximumf>, %select_n3A_290, %reduce_max3A_291 [2] : vector<64x16x128xf32> to vector<64x16xf32>
    %broadcast_in_dim3A_293 = vector.shape_cast %reduce_max3A_292 : vector<64x16xf32> to vector<64x16x1xf32>
    %reduce_max3A_294 = arith.constant dense<0xFF800000> : vector<64x1xf32>
    %reduce_max3A_295 = vector.multi_reduction <maximumf>, %broadcast_in_dim3A_293, %reduce_max3A_294 [1] : vector<64x16x1xf32> to vector<64x1xf32>
    %broadcast_in_dim3A_296 = vector.shape_cast %reduce_max3A_295 : vector<64x1xf32> to vector<64x1x1xf32>
    %eq3A_297 = vector.broadcast %broadcast_in_dim3A_296 : vector<64x1x1xf32> to vector<64x16x128xf32>
    %eq3A_298 = arith.cmpf oeq, %select_n3A_290, %eq3A_297 : vector<64x16x128xf32>
    %jit3A_299 = arith.constant 1073741824 : i32
    %broadcast_in_dim3A_300 = vector.broadcast %jit3A_299 : i32 to vector<64x16x128xi32>
    %select_n3A_301 = arith.select %eq3A_298, %add3A_8, %broadcast_in_dim3A_300 : vector<64x16x128xi1>, vector<64x16x128xi32>
    %reduce_min3A_302 = arith.constant dense<2147483647> : vector<64x16xi32>
    %reduce_min3A_303 = vector.multi_reduction <minsi>, %select_n3A_301, %reduce_min3A_302 [2] : vector<64x16x128xi32> to vector<64x16xi32>
    %broadcast_in_dim3A_304 = vector.shape_cast %reduce_min3A_303 : vector<64x16xi32> to vector<64x16x1xi32>
    %reduce_min3A_305 = arith.constant dense<2147483647> : vector<64x1xi32>
    %reduce_min3A_306 = vector.multi_reduction <minsi>, %broadcast_in_dim3A_304, %reduce_min3A_305 [1] : vector<64x16x1xi32> to vector<64x1xi32>
    %broadcast_in_dim3A_307 = vector.shape_cast %reduce_min3A_306 : vector<64x1xi32> to vector<64x1x1xi32>
    %reshape3A_308 = vector.shape_cast %broadcast_in_dim3A_296 : vector<64x1x1xf32> to vector<64x1xf32>
    %reshape3A_309 = vector.shape_cast %broadcast_in_dim3A_307 : vector<64x1x1xi32> to vector<64x1xi32>
    %eq3A_310 = vector.broadcast %broadcast_in_dim3A_307 : vector<64x1x1xi32> to vector<64x16x128xi32>
    %eq3A_311 = arith.cmpi eq, %add3A_8, %eq3A_310 : vector<64x16x128xi32>
    %jit3A_312 = arith.constant 0xFF800000 : f32
    %broadcast_in_dim3A_313 = vector.broadcast %jit3A_312 : f32 to vector<64x16x128xf32>
    %select_n3A_314 = arith.select %eq3A_311, %broadcast_in_dim3A_313, %select_n3A_290 : vector<64x16x128xi1>, vector<64x16x128xf32>
    %reduce_max3A_315 = arith.constant dense<0xFF800000> : vector<64x16xf32>
    %reduce_max3A_316 = vector.multi_reduction <maximumf>, %select_n3A_314, %reduce_max3A_315 [2] : vector<64x16x128xf32> to vector<64x16xf32>
    %broadcast_in_dim3A_317 = vector.shape_cast %reduce_max3A_316 : vector<64x16xf32> to vector<64x16x1xf32>
    %reduce_max3A_318 = arith.constant dense<0xFF800000> : vector<64x1xf32>
    %reduce_max3A_319 = vector.multi_reduction <maximumf>, %broadcast_in_dim3A_317, %reduce_max3A_318 [1] : vector<64x16x1xf32> to vector<64x1xf32>
    %broadcast_in_dim3A_320 = vector.shape_cast %reduce_max3A_319 : vector<64x1xf32> to vector<64x1x1xf32>
    %eq3A_321 = vector.broadcast %broadcast_in_dim3A_320 : vector<64x1x1xf32> to vector<64x16x128xf32>
    %eq3A_322 = arith.cmpf oeq, %select_n3A_314, %eq3A_321 : vector<64x16x128xf32>
    %jit3A_323 = arith.constant 1073741824 : i32
    %broadcast_in_dim3A_324 = vector.broadcast %jit3A_323 : i32 to vector<64x16x128xi32>
    %select_n3A_325 = arith.select %eq3A_322, %add3A_8, %broadcast_in_dim3A_324 : vector<64x16x128xi1>, vector<64x16x128xi32>
    %reduce_min3A_326 = arith.constant dense<2147483647> : vector<64x16xi32>
    %reduce_min3A_327 = vector.multi_reduction <minsi>, %select_n3A_325, %reduce_min3A_326 [2] : vector<64x16x128xi32> to vector<64x16xi32>
    %broadcast_in_dim3A_328 = vector.shape_cast %reduce_min3A_327 : vector<64x16xi32> to vector<64x16x1xi32>
    %reduce_min3A_329 = arith.constant dense<2147483647> : vector<64x1xi32>
    %reduce_min3A_330 = vector.multi_reduction <minsi>, %broadcast_in_dim3A_328, %reduce_min3A_329 [1] : vector<64x16x1xi32> to vector<64x1xi32>
    %broadcast_in_dim3A_331 = vector.shape_cast %reduce_min3A_330 : vector<64x1xi32> to vector<64x1x1xi32>
    %reshape3A_332 = vector.shape_cast %broadcast_in_dim3A_320 : vector<64x1x1xf32> to vector<64x1xf32>
    %reshape3A_333 = vector.shape_cast %broadcast_in_dim3A_331 : vector<64x1x1xi32> to vector<64x1xi32>
    %eq3A_334 = vector.broadcast %broadcast_in_dim3A_331 : vector<64x1x1xi32> to vector<64x16x128xi32>
    %eq3A_335 = arith.cmpi eq, %add3A_8, %eq3A_334 : vector<64x16x128xi32>
    %jit3A_336 = arith.constant 0xFF800000 : f32
    %broadcast_in_dim3A_337 = vector.broadcast %jit3A_336 : f32 to vector<64x16x128xf32>
    %select_n3A_338 = arith.select %eq3A_335, %broadcast_in_dim3A_337, %select_n3A_314 : vector<64x16x128xi1>, vector<64x16x128xf32>
    %reduce_max3A_339 = arith.constant dense<0xFF800000> : vector<64x16xf32>
    %reduce_max3A_340 = vector.multi_reduction <maximumf>, %select_n3A_338, %reduce_max3A_339 [2] : vector<64x16x128xf32> to vector<64x16xf32>
    %broadcast_in_dim3A_341 = vector.shape_cast %reduce_max3A_340 : vector<64x16xf32> to vector<64x16x1xf32>
    %reduce_max3A_342 = arith.constant dense<0xFF800000> : vector<64x1xf32>
    %reduce_max3A_343 = vector.multi_reduction <maximumf>, %broadcast_in_dim3A_341, %reduce_max3A_342 [1] : vector<64x16x1xf32> to vector<64x1xf32>
    %broadcast_in_dim3A_344 = vector.shape_cast %reduce_max3A_343 : vector<64x1xf32> to vector<64x1x1xf32>
    %eq3A_345 = vector.broadcast %broadcast_in_dim3A_344 : vector<64x1x1xf32> to vector<64x16x128xf32>
    %eq3A_346 = arith.cmpf oeq, %select_n3A_338, %eq3A_345 : vector<64x16x128xf32>
    %jit3A_347 = arith.constant 1073741824 : i32
    %broadcast_in_dim3A_348 = vector.broadcast %jit3A_347 : i32 to vector<64x16x128xi32>
    %select_n3A_349 = arith.select %eq3A_346, %add3A_8, %broadcast_in_dim3A_348 : vector<64x16x128xi1>, vector<64x16x128xi32>
    %reduce_min3A_350 = arith.constant dense<2147483647> : vector<64x16xi32>
    %reduce_min3A_351 = vector.multi_reduction <minsi>, %select_n3A_349, %reduce_min3A_350 [2] : vector<64x16x128xi32> to vector<64x16xi32>
    %broadcast_in_dim3A_352 = vector.shape_cast %reduce_min3A_351 : vector<64x16xi32> to vector<64x16x1xi32>
    %reduce_min3A_353 = arith.constant dense<2147483647> : vector<64x1xi32>
    %reduce_min3A_354 = vector.multi_reduction <minsi>, %broadcast_in_dim3A_352, %reduce_min3A_353 [1] : vector<64x16x1xi32> to vector<64x1xi32>
    %broadcast_in_dim3A_355 = vector.shape_cast %reduce_min3A_354 : vector<64x1xi32> to vector<64x1x1xi32>
    %reshape3A_356 = vector.shape_cast %broadcast_in_dim3A_344 : vector<64x1x1xf32> to vector<64x1xf32>
    %reshape3A_357 = vector.shape_cast %broadcast_in_dim3A_355 : vector<64x1x1xi32> to vector<64x1xi32>
    %eq3A_358 = vector.broadcast %broadcast_in_dim3A_355 : vector<64x1x1xi32> to vector<64x16x128xi32>
    %eq3A_359 = arith.cmpi eq, %add3A_8, %eq3A_358 : vector<64x16x128xi32>
    %jit3A_360 = arith.constant 0xFF800000 : f32
    %broadcast_in_dim3A_361 = vector.broadcast %jit3A_360 : f32 to vector<64x16x128xf32>
    %select_n3A_362 = arith.select %eq3A_359, %broadcast_in_dim3A_361, %select_n3A_338 : vector<64x16x128xi1>, vector<64x16x128xf32>
    %reduce_max3A_363 = arith.constant dense<0xFF800000> : vector<64x16xf32>
    %reduce_max3A_364 = vector.multi_reduction <maximumf>, %select_n3A_362, %reduce_max3A_363 [2] : vector<64x16x128xf32> to vector<64x16xf32>
    %broadcast_in_dim3A_365 = vector.shape_cast %reduce_max3A_364 : vector<64x16xf32> to vector<64x16x1xf32>
    %reduce_max3A_366 = arith.constant dense<0xFF800000> : vector<64x1xf32>
    %reduce_max3A_367 = vector.multi_reduction <maximumf>, %broadcast_in_dim3A_365, %reduce_max3A_366 [1] : vector<64x16x1xf32> to vector<64x1xf32>
    %broadcast_in_dim3A_368 = vector.shape_cast %reduce_max3A_367 : vector<64x1xf32> to vector<64x1x1xf32>
    %eq3A_369 = vector.broadcast %broadcast_in_dim3A_368 : vector<64x1x1xf32> to vector<64x16x128xf32>
    %eq3A_370 = arith.cmpf oeq, %select_n3A_362, %eq3A_369 : vector<64x16x128xf32>
    %jit3A_371 = arith.constant 1073741824 : i32
    %broadcast_in_dim3A_372 = vector.broadcast %jit3A_371 : i32 to vector<64x16x128xi32>
    %select_n3A_373 = arith.select %eq3A_370, %add3A_8, %broadcast_in_dim3A_372 : vector<64x16x128xi1>, vector<64x16x128xi32>
    %reduce_min3A_374 = arith.constant dense<2147483647> : vector<64x16xi32>
    %reduce_min3A_375 = vector.multi_reduction <minsi>, %select_n3A_373, %reduce_min3A_374 [2] : vector<64x16x128xi32> to vector<64x16xi32>
    %broadcast_in_dim3A_376 = vector.shape_cast %reduce_min3A_375 : vector<64x16xi32> to vector<64x16x1xi32>
    %reduce_min3A_377 = arith.constant dense<2147483647> : vector<64x1xi32>
    %reduce_min3A_378 = vector.multi_reduction <minsi>, %broadcast_in_dim3A_376, %reduce_min3A_377 [1] : vector<64x16x1xi32> to vector<64x1xi32>
    %broadcast_in_dim3A_379 = vector.shape_cast %reduce_min3A_378 : vector<64x1xi32> to vector<64x1x1xi32>
    %reshape3A_380 = vector.shape_cast %broadcast_in_dim3A_368 : vector<64x1x1xf32> to vector<64x1xf32>
    %reshape3A_381 = vector.shape_cast %broadcast_in_dim3A_379 : vector<64x1x1xi32> to vector<64x1xi32>
    %broadcast_in_dim3A_382 = arith.constant 0.000000e+00 : f32
    %broadcast_in_dim3A_383 = vector.broadcast %broadcast_in_dim3A_382 : f32 to vector<64x112xf32>
    %broadcast_in_dim3A_384 = arith.constant 0 : i32
    %broadcast_in_dim3A_385 = vector.broadcast %broadcast_in_dim3A_384 : i32 to vector<64x112xi32>
    %concatenate3A = tpu.concatenate %reshape3A, %reshape3A_44, %reshape3A_68, %reshape3A_92, %reshape3A_116, %reshape3A_140, %reshape3A_164, %reshape3A_188, %reshape3A_212, %reshape3A_236, %reshape3A_260, %reshape3A_284, %reshape3A_308, %reshape3A_332, %reshape3A_356, %reshape3A_380, %broadcast_in_dim3A_383 in 1 : vector<64x1xf32>, vector<64x1xf32>, vector<64x1xf32>, vector<64x1xf32>, vector<64x1xf32>, vector<64x1xf32>, vector<64x1xf32>, vector<64x1xf32>, vector<64x1xf32>, vector<64x1xf32>, vector<64x1xf32>, vector<64x1xf32>, vector<64x1xf32>, vector<64x1xf32>, vector<64x1xf32>, vector<64x1xf32>, vector<64x112xf32> -> vector<64x128xf32>
    %swap3A = arith.constant 0 : index
    %swap3A_386 = arith.constant 0 : index
    %swap3A_387 = vector.load %arg2[%swap3A, %swap3A_386] : memref<64x128xf32, #tpu.memory_space<vmem>>, vector<64x128xf32>
    tpu.vector_store %arg2[%swap3A, %swap3A_386], %concatenate3A {strides = array<i32>} : memref<64x128xf32, #tpu.memory_space<vmem>>, vector<64x128xf32>,
    %concatenate3A_388 = tpu.concatenate %reshape3A_21, %reshape3A_45, %reshape3A_69, %reshape3A_93, %reshape3A_117, %reshape3A_141, %reshape3A_165, %reshape3A_189, %reshape3A_213, %reshape3A_237, %reshape3A_261, %reshape3A_285, %reshape3A_309, %reshape3A_333, %reshape3A_357, %reshape3A_381, %broadcast_in_dim3A_385 in 1 : vector<64x1xi32>, vector<64x1xi32>, vector<64x1xi32>, vector<64x1xi32>, vector<64x1xi32>, vector<64x1xi32>, vector<64x1xi32>, vector<64x1xi32>, vector<64x1xi32>, vector<64x1xi32>, vector<64x1xi32>, vector<64x1xi32>, vector<64x1xi32>, vector<64x1xi32>, vector<64x1xi32>, vector<64x1xi32>, vector<64x112xi32> -> vector<64x128xi32>
    %swap3A_389 = arith.constant 0 : index
    %swap3A_390 = arith.constant 0 : index
    %swap3A_391 = vector.load %arg3[%swap3A_389, %swap3A_390] : memref<64x128xi32, #tpu.memory_space<vmem>>, vector<64x128xi32>
    tpu.vector_store %arg3[%swap3A_389, %swap3A_390], %concatenate3A_388 {strides = array<i32>} : memref<64x128xi32, #tpu.memory_space<vmem>>, vector<64x128xi32>,
    return
  }
}

module attributes {stable_mosaic.version = 14 : i64} {
  func.func @_epi_body(%arg0: memref<1024x128xf32, #tpu.memory_space<vmem>>, %arg1: memref<64x128xf32, #tpu.memory_space<vmem>>, %arg2: memref<64x16xf32, #tpu.memory_space<vmem>>, %arg3: memref<128x64xf32, #tpu.memory_space<vmem>>, %arg4: memref<16x64xf32, #tpu.memory_space<vmem>>, %arg5: memref<1x64xf32, #tpu.memory_space<vmem>>, %arg6: memref<64x128xf32, #tpu.memory_space<vmem>>, %arg7: memref<1x128xf32, #tpu.memory_space<vmem>>, %arg8: memref<1x128xf32, #tpu.memory_space<vmem>>, %arg9: memref<1x128xf32, #tpu.memory_space<vmem>>, %arg10: memref<64x128xf32, #tpu.memory_space<vmem>>) attributes {dimension_semantics = [], scalar_prefetch = 0 : i64, scratch_operands = 0 : i64, tpu.core_type = #tpu.core_type<tc>} {
    %get3A = arith.constant 0 : index
    %get3A_0 = arith.constant 0 : index
    %get3A_1 = vector.load %arg0[%get3A, %get3A_0] : memref<1024x128xf32, #tpu.memory_space<vmem>>, vector<1024x128xf32>
    %get3A_2 = arith.constant 0 : index
    %get3A_3 = arith.constant 0 : index
    %get3A_4 = vector.load %arg3[%get3A_2, %get3A_3] : memref<128x64xf32, #tpu.memory_space<vmem>>, vector<128x64xf32>
    %dot_general3A = arith.constant dense<0.000000e+00> : vector<1024x64xf32>
    %dot_general3A_5 = tpu.matmul %get3A_1, %get3A_4, %dot_general3A {dimension_numbers = #tpu.dot_dimension_numbers<[1], [0], [0], [1], [0, 0, 1, 1], [], []>, transpose_lhs_hint = false} : vector<1024x128xf32>, vector<128x64xf32>, vector<1024x64xf32> -> vector<1024x64xf32>
    %get3A_6 = arith.constant 0 : index
    %get3A_7 = arith.constant 0 : index
    %get3A_8 = vector.load %arg2[%get3A_6, %get3A_7] : memref<64x16xf32, #tpu.memory_space<vmem>>, vector<64x16xf32>
    %get3A_9 = arith.constant 0 : index
    %get3A_10 = arith.constant 0 : index
    %get3A_11 = vector.load %arg4[%get3A_9, %get3A_10] : memref<16x64xf32, #tpu.memory_space<vmem>>, vector<16x64xf32>
    %dot_general3A_12 = arith.constant dense<0.000000e+00> : vector<64x64xf32>
    %dot_general3A_13 = tpu.matmul %get3A_8, %get3A_11, %dot_general3A_12 {dimension_numbers = #tpu.dot_dimension_numbers<[1], [0], [0], [1], [0, 0, 1, 1], [], []>, transpose_lhs_hint = false} : vector<64x16xf32>, vector<16x64xf32>, vector<64x64xf32> -> vector<64x64xf32>
    %reshape3A = vector.shape_cast %dot_general3A_5 : vector<1024x64xf32> to vector<64x16x64xf32>
    %broadcast_in_dim3A = vector.shape_cast %dot_general3A_13 : vector<64x64xf32> to vector<64x1x64xf32>
    %add3A = vector.broadcast %broadcast_in_dim3A : vector<64x1x64xf32> to vector<64x16x64xf32>
    %add3A_14 = arith.addf %reshape3A, %add3A : vector<64x16x64xf32>
    %get3A_15 = arith.constant 0 : index
    %get3A_16 = arith.constant 0 : index
    %get3A_17 = vector.load %arg5[%get3A_15, %get3A_16] : memref<1x64xf32, #tpu.memory_space<vmem>>, vector<1x64xf32>
    %broadcast_in_dim3A_18 = vector.shape_cast %get3A_17 : vector<1x64xf32> to vector<1x1x64xf32>
    %add3A_19 = vector.broadcast %broadcast_in_dim3A_18 : vector<1x1x64xf32> to vector<64x16x64xf32>
    %add3A_20 = arith.addf %add3A_14, %add3A_19 : vector<64x16x64xf32>
    %max3A = arith.constant 0.000000e+00 : f32
    %max3A_21 = vector.broadcast %max3A : f32 to vector<64x16x64xf32>
    %max3A_22 = arith.maximumf %add3A_20, %max3A_21 : vector<64x16x64xf32>
    %reshape3A_23 = vector.shape_cast %max3A_22 : vector<64x16x64xf32> to vector<1024x64xf32>
    %get3A_24 = arith.constant 0 : index
    %get3A_25 = arith.constant 0 : index
    %get3A_26 = vector.load %arg6[%get3A_24, %get3A_25] : memref<64x128xf32, #tpu.memory_space<vmem>>, vector<64x128xf32>
    %dot_general3A_27 = arith.constant dense<0.000000e+00> : vector<1024x128xf32>
    %dot_general3A_28 = tpu.matmul %reshape3A_23, %get3A_26, %dot_general3A_27 {dimension_numbers = #tpu.dot_dimension_numbers<[1], [0], [0], [1], [0, 0, 1, 1], [], []>, transpose_lhs_hint = false} : vector<1024x64xf32>, vector<64x128xf32>, vector<1024x128xf32> -> vector<1024x128xf32>
    %get3A_29 = arith.constant 0 : index
    %get3A_30 = arith.constant 0 : index
    %get3A_31 = vector.load %arg7[%get3A_29, %get3A_30] : memref<1x128xf32, #tpu.memory_space<vmem>>, vector<1x128xf32>
    %add3A_32 = vector.broadcast %get3A_31 : vector<1x128xf32> to vector<1024x128xf32>
    %add3A_33 = arith.addf %dot_general3A_28, %add3A_32 : vector<1024x128xf32>
    %reduce_sum3A = arith.constant dense<0.000000e+00> : vector<1024xf32>
    %reduce_sum3A_34 = vector.multi_reduction <add>, %add3A_33, %reduce_sum3A [1] : vector<1024x128xf32> to vector<1024xf32>
    %broadcast_in_dim3A_35 = vector.shape_cast %reduce_sum3A_34 : vector<1024xf32> to vector<1024x1xf32>
    %div3A = arith.constant 1.280000e+02 : f32
    %div3A_36 = vector.broadcast %div3A : f32 to vector<1024x1xf32>
    %div3A_37 = arith.divf %broadcast_in_dim3A_35, %div3A_36 : vector<1024x1xf32>
    %sub3A = vector.broadcast %div3A_37 : vector<1024x1xf32> to vector<1024x128xf32>
    %sub3A_38 = arith.subf %add3A_33, %sub3A : vector<1024x128xf32>
    %integer_pow3A = arith.mulf %sub3A_38, %sub3A_38 : vector<1024x128xf32>
    %reduce_sum3A_39 = arith.constant dense<0.000000e+00> : vector<1024xf32>
    %reduce_sum3A_40 = vector.multi_reduction <add>, %integer_pow3A, %reduce_sum3A_39 [1] : vector<1024x128xf32> to vector<1024xf32>
    %broadcast_in_dim3A_41 = vector.shape_cast %reduce_sum3A_40 : vector<1024xf32> to vector<1024x1xf32>
    %div3A_42 = arith.constant 1.280000e+02 : f32
    %div3A_43 = vector.broadcast %div3A_42 : f32 to vector<1024x1xf32>
    %div3A_44 = arith.divf %broadcast_in_dim3A_41, %div3A_43 : vector<1024x1xf32>
    %sub3A_45 = vector.broadcast %div3A_37 : vector<1024x1xf32> to vector<1024x128xf32>
    %sub3A_46 = arith.subf %add3A_33, %sub3A_45 : vector<1024x128xf32>
    %add3A_47 = arith.constant 9.99999974E-6 : f32
    %add3A_48 = vector.broadcast %add3A_47 : f32 to vector<1024x1xf32>
    %add3A_49 = arith.addf %div3A_44, %add3A_48 : vector<1024x1xf32>
    %rsqrt3A = math.rsqrt %add3A_49 : vector<1024x1xf32>
    %mul3A = vector.broadcast %rsqrt3A : vector<1024x1xf32> to vector<1024x128xf32>
    %mul3A_50 = arith.mulf %sub3A_46, %mul3A : vector<1024x128xf32>
    %get3A_51 = arith.constant 0 : index
    %get3A_52 = arith.constant 0 : index
    %get3A_53 = vector.load %arg8[%get3A_51, %get3A_52] : memref<1x128xf32, #tpu.memory_space<vmem>>, vector<1x128xf32>
    %mul3A_54 = vector.broadcast %get3A_53 : vector<1x128xf32> to vector<1024x128xf32>
    %mul3A_55 = arith.mulf %mul3A_50, %mul3A_54 : vector<1024x128xf32>
    %get3A_56 = arith.constant 0 : index
    %get3A_57 = arith.constant 0 : index
    %get3A_58 = vector.load %arg9[%get3A_56, %get3A_57] : memref<1x128xf32, #tpu.memory_space<vmem>>, vector<1x128xf32>
    %add3A_59 = vector.broadcast %get3A_58 : vector<1x128xf32> to vector<1024x128xf32>
    %add3A_60 = arith.addf %mul3A_55, %add3A_59 : vector<1024x128xf32>
    %add3A_61 = arith.addf %get3A_1, %add3A_60 : vector<1024x128xf32>
    %get3A_62 = arith.constant 0 : index
    %get3A_63 = arith.constant 0 : index
    %get3A_64 = vector.load %arg1[%get3A_62, %get3A_63] : memref<64x128xf32, #tpu.memory_space<vmem>>, vector<64x128xf32>
    %slice3A = vector.extract_strided_slice %get3A_64 {offsets = [0, 0], sizes = [64, 16], strides = [1, 1]} : vector<64x128xf32> to vector<64x16xf32>
    %mul3A_65 = arith.constant 0.0883883461 : f32
    %mul3A_66 = vector.broadcast %mul3A_65 : f32 to vector<64x16xf32>
    %mul3A_67 = arith.mulf %slice3A, %mul3A_66 : vector<64x16xf32>
    %reduce_max3A = arith.constant dense<0xFF800000> : vector<64xf32>
    %reduce_max3A_68 = vector.multi_reduction <maximumf>, %mul3A_67, %reduce_max3A [1] : vector<64x16xf32> to vector<64xf32>
    %broadcast_in_dim3A_69 = vector.shape_cast %reduce_max3A_68 : vector<64xf32> to vector<64x1xf32>
    %sub3A_70 = vector.broadcast %broadcast_in_dim3A_69 : vector<64x1xf32> to vector<64x16xf32>
    %sub3A_71 = arith.subf %mul3A_67, %sub3A_70 : vector<64x16xf32>
    %exp3A = math.exp %sub3A_71 : vector<64x16xf32>
    %reduce_sum3A_72 = arith.constant dense<0.000000e+00> : vector<64xf32>
    %reduce_sum3A_73 = vector.multi_reduction <add>, %exp3A, %reduce_sum3A_72 [1] : vector<64x16xf32> to vector<64xf32>
    %broadcast_in_dim3A_74 = vector.shape_cast %reduce_sum3A_73 : vector<64xf32> to vector<64x1xf32>
    %div3A_75 = vector.broadcast %broadcast_in_dim3A_74 : vector<64x1xf32> to vector<64x16xf32>
    %div3A_76 = arith.divf %exp3A, %div3A_75 : vector<64x16xf32>
    %reshape3A_77 = vector.shape_cast %add3A_61 : vector<1024x128xf32> to vector<64x16x128xf32>
    %broadcast_in_dim3A_78 = vector.shape_cast %div3A_76 : vector<64x16xf32> to vector<64x16x1xf32>
    %mul3A_79 = vector.broadcast %broadcast_in_dim3A_78 : vector<64x16x1xf32> to vector<64x16x128xf32>
    %mul3A_80 = arith.mulf %reshape3A_77, %mul3A_79 : vector<64x16x128xf32>
    %reduce_sum3A_81 = arith.constant dense<0.000000e+00> : vector<64x128xf32>
    %reduce_sum3A_82 = vector.multi_reduction <add>, %mul3A_80, %reduce_sum3A_81 [1] : vector<64x16x128xf32> to vector<64x128xf32>
    %swap3A = arith.constant 0 : index
    %swap3A_83 = arith.constant 0 : index
    %swap3A_84 = vector.load %arg10[%swap3A, %swap3A_83] : memref<64x128xf32, #tpu.memory_space<vmem>>, vector<64x128xf32>
    tpu.vector_store %arg10[%swap3A, %swap3A_83], %reduce_sum3A_82 {strides = array<i32>} : memref<64x128xf32, #tpu.memory_space<vmem>>, vector<64x128xf32>,
    return
  }
}

</mosaic_0001>

<sc_bundles>
// kernel: kernel.10.cloned.1.call-start
scs
__scs_entry_jumppad:
0x0: {  	(pc) =	sbr.rel $0x88, $3  }
0x1: {  	(tag) =	ssettag $0x0;
	lr =	simm.s32 $0x1  }
0x2: {  	[smem:$0x3F96] =	sst lr;
	_ =	strace $0xD0000000  }
0x3: {  	_ = 	snop  }
0x4: {  	_ = 	snop  }
0x5: {  	_ = 	snop  }
0x6: {  	_ = 	snop  }
0x7: {  	_ = 	snop  }
__scs_overlays_trampoline_lowered:
0x8: {  	[smem:$0x3FA5] =	sst s0  }
0x9: {  	[smem:$0x3FA6] =	sst s1  }
0xa: {  	[smem:$0x3FA7] =	sst s2  }
0xb: {  	[smem:$0x3FA8] =	sst s3  }
0xc: {  	[smem:$0x3FA9] =	sst s4  }
0xd: {  	[smem:$0x3FAA] =	sst s5  }
0xe: {  	[smem:$0x3FAB] =	sst s6  }
0xf: {  	[smem:$0x3FAC] =	sst s7  }
0x10: {  	[smem:$0x3FAD] =	sst s8  }
0x11: {  	[smem:$0x3FAE] =	sst s9;
	s0 =	simm.s32 @!p0 $0x0  }
0x12: {  	s1 =	sld [smem:$0x3F94];
	s0 =	simm.s32 @p0 $0x1  }
0x13: {  	[smem:$0x3FAF] =	sst s0;
	s0 =	simm.s32 @!p1 $0x0  }
0x14: {  	s2 =	sld [smem:$0x3F93];
	s0 =	simm.s32 @p1 $0x1  }
0x15: {  	[smem:$0x3FB0] =	sst s0;
	s0 =	simm.s32 @!p2 $0x0  }
0x16: {  	s3 =	sld [smem:$0x3FDB];
	s0 =	simm.s32 @p2 $0x1  }
0x17: {  	s4 =	simm.s32 $0x1BF5;
	[smem:$0x3FB2] =	sst s0  }
0x18: {  	s0 =	sld [smem:$0x3F95];
	_ =	swait.ge [sflag:s4], $0x0  }
0x19: {  	s7 =	sld [smem:$0x3F96]  }
0x1a: {  	s8 =	sadd.s32 $0xFFFFE003, lr  }
0x1b: {  	s9 =	sadd.s32 $0xFFFFFEF7, lr;
	s5 =	simm.s32 $0xFFFFFFFF;
	p2 =	slt.u32 s8, $0xFFFFF086  }
0x1c: {  	p1 =	slt.u32 s9, $0xF7A;
	s5 =	simm.s32 @!p2 $0x0  }
0x1d: {  	s5 =	simm.s32 @p1 $0x1;
	p0 =	seq.s32 s7, s2  }
0x1e: {  	s7 =	smul.u32 @!p0 $0xF7A, s2;
	p2 =	seq.s32 @!p0 s5, $0x0  }
0x1f: {  	s9 =	smul.u32 $0xF7A, s1;
	s8 =	simm.s32 @!p0 $0x1BF5;
	p2 =	por !p2, p0  }
0x20: {  	[sflag:s8] =	ssyncset.s32 @!p0 $0xFFFFF086;
	s6 =	sadd.s32 @!p0 s3, s7;
	s7 =	simm.s32 @!p0 $0x108  }
0x21: {  	s3 =	sadd.s32 s3, s9;
	s6 =	sadd.s32 @!p0 $0x88, s6;
	s7 =	simm.s32 @p2 $0x1082  }
0x22: {  	[simem:s7], [sflag:s8] =	dma.local @!p0 [hbm:s6], $0xF7A  }
0x23: {  	s9 =	sor.u32 $0xD0000000, s2;
	s6 =	simm.s32 $0x108;
	_ =	swait.ge @!p0 [sflag:s8], $0x0  }
0x24: {  	s3 =	sadd.s32 $0x88, s3;
	s6 =	simm.s32 @!p1 $0x1082;
	[sflag:s4] =	ssyncset.s32 $0xFFFFF086  }
0x25: {  	[simem:s6], [sflag:s4] =	dma.local [hbm:s3], $0xF7A  }
0x26: {  	[smem:$0x3F96] =	sst s1;
	(tag) =	ssettag s2;
	_ =	strace s9  }
0x27: {  	s1 =	sld [smem:$0x3FA6]  }
0x28: {  	s2 =	sld [smem:$0x3FA7]  }
0x29: {  	s4 =	sld [smem:$0x3FA9]  }
0x2a: {  	p0 =	seq.s32 s5, $0x0;
	s5 =	sld [smem:$0x3FAA]  }
0x2b: {  	s6 =	sld [smem:$0x3FAB]  }
0x2c: {  	s7 =	sld [smem:$0x3FAC]  }
0x2d: {  	s3 =	simm.s32 $0x108;
	s8 =	sld [smem:$0x3FAD]  }
0x2e: {  	s3 =	simm.s32 @!p0 $0x1082;
	s9 =	sld [smem:$0x3FAE]  }
0x2f: {  	lr =	sadd.s32 s0, s3;
	s0 =	sld [smem:$0x3FA5]  }
0x30: {  	s3 =	sld [smem:$0x3FA8]  }
0x31: {  	[smem:$0x3FB1] =	sst s10  }
0x32: {  	s10 =	sld [smem:$0x3FAF];
	_ =	sdelay $0x3  }
0x33: {  	p0 =	seq.s32 s10, $0x1;
	s10 =	sld [smem:$0x3FB1];
	_ =	sdelay $0x3  }
0x34: {  	[smem:$0x3FB1] =	sst s10  }
0x35: {  	s10 =	sld [smem:$0x3FB0];
	_ =	sdelay $0x3  }
0x36: {  	p1 =	seq.s32 s10, $0x1;
	s10 =	sld [smem:$0x3FB1];
	_ =	sdelay $0x3  }
0x37: {  	[smem:$0x3FB1] =	sst s10  }
0x38: {  	s10 =	sld [smem:$0x3FB2]  }
0x39: {  	_ = 	snop;
	(pc) =	sbr.ind lr, $3  }
0x3a: {  	_ = 	snop  }
0x3b: {  	_ = 	snop  }
0x3c: {  	p2 =	seq.s32 s10, $0x1;
	s10 =	sld [smem:$0x3FB1]  }
0x3d: {  	_ =	shalt  }
0x3e: {  	_ =	shalt  }
0x3f: {  	_ =	shalt  }
0x40: {  	_ =	shalt  }
0x41: {  	_ =	shalt  }
0x42: {  	_ =	shalt  }
0x43: {  	_ =	shalt  }
0x44: {  	_ =	shalt  }
0x45: {  	_ =	shalt  }
0x46: {  	_ =	shalt  }
0x47: {  	_ =	shalt  }
0x48: {  	_ =	shalt  }
0x49: {  	_ =	shalt  }
0x4a: {  	_ =	shalt  }
0x4b: {  	_ =	shalt  }
0x4c: {  	_ =	shalt  }
0x4d: {  	_ =	shalt  }
0x4e: {  	_ =	shalt  }
0x4f: {  	_ =	shalt  }
0x50: {  	_ =	shalt  }
0x51: {  	_ =	shalt  }
0x52: {  	_ =	shalt  }
0x53: {  	_ =	shalt  }
0x54: {  	_ =	shalt  }
0x55: {  	_ =	shalt  }
0x56: {  	_ =	shalt  }
0x57: {  	_ =	shalt  }
0x58: {  	_ =	shalt  }
0x59: {  	_ =	shalt  }
0x5a: {  	_ =	shalt  }
0x5b: {  	_ =	shalt  }
0x5c: {  	_ =	shalt  }
0x5d: {  	_ =	shalt  }
0x5e: {  	_ =	shalt  }
0x5f: {  	_ =	shalt  }
0x60: {  	_ =	shalt  }
0x61: {  	_ =	shalt  }
0x62: {  	_ =	shalt  }
0x63: {  	_ =	shalt  }
0x64: {  	_ =	shalt  }
0x65: {  	_ =	shalt  }
0x66: {  	_ =	shalt  }
0x67: {  	_ =	shalt  }
0x68: {  	_ =	shalt  }
0x69: {  	_ =	shalt  }
0x6a: {  	_ =	shalt  }
0x6b: {  	_ =	shalt  }
0x6c: {  	_ =	shalt  }
0x6d: {  	_ =	shalt  }
0x6e: {  	_ =	shalt  }
0x6f: {  	_ =	shalt  }
0x70: {  	_ =	shalt  }
0x71: {  	_ =	shalt  }
0x72: {  	_ =	shalt  }
0x73: {  	_ =	shalt  }
0x74: {  	_ =	shalt  }
0x75: {  	_ =	shalt  }
0x76: {  	_ =	shalt  }
0x77: {  	_ =	shalt  }
0x78: {  	_ =	shalt  }
0x79: {  	_ =	shalt  }
0x7a: {  	_ =	shalt  }
0x7b: {  	_ =	shalt  }
0x7c: {  	_ =	shalt  }
0x7d: {  	_ =	shalt  }
0x7e: {  	_ =	shalt  }
0x7f: {  	_ =	shalt  }
0x80: {  	_ =	shalt  }
0x81: {  	_ =	shalt  }
0x82: {  	_ =	shalt  }
0x83: {  	_ =	shalt  }
0x84: {  	_ =	shalt  }
0x85: {  	_ =	shalt  }
0x86: {  	_ =	shalt  }
0x87: {  	_ =	shalt  }
.Lfunc_end0:
.L_simem_size_0:
called_computation.1_lowered:
.L_overlay_start_0:
0x88: {  	s2 =	sld [smem:$0x3FD9]  }
0x89: {  	s3 =	sld [smem:$0x3FFE];
	_ =	sdelay $0x1  }
0x8a: {  	s1 =	srdreg.scid  }
0x8b: {  	s0 =	sand.u32 $0x1, s1  }
0x8c: {  	s17 =	sshll.u32 s0, $0xA;
	s2 =	sadd.s32 s3, s2  }
0x8d: {  	s2 =	sadd.s32 s2, s17  }
0x8e: {  	[smem:$0x3FBD] =	sst s2  }
0x8f: {  	_ = 	snop  }
0x90: {  	s2 =	sld [smem:$0x3FC7]  }
0x91: {  	s18 =	sld [smem:$0x3FD0];
	(tm) =	ssettm $0x1  }
0x92: {  	s4 =	sld [smem:$0x3FFB];
	_ =	sdelay $0x3  }
0x93: {  	_ =	strace s4  }
0x94: {  	s4 =	sld [smem:$0x3FFC];
	_ =	sdelay $0x3  }
0x95: {  	_ =	strace s4  }
0x96: {  	s4 =	sld [smem:$0x3FFD];
	_ =	sdelay $0x3  }
0x97: {  	_ =	strace s4  }
0x98: {  	_ =	strace $0x8FFFFFFF  }
0x99: {  	s19 =	sld [smem:$0x3FDB];
	_ =	sdelay $0x1  }
0x9a: {  	s5 =	simm.s32 $_scs_section_size  }
0x9b: {  	s6 =	simm.s32 $_size__tile_overlayer_lowered;
	s7 =	simm.s32 $_tile_overlayer_lowered  }
0x9c: {  	s22 =	simm.s32 $0x1BFF;
	s21 =	sshll.u32 s7, $0x1;
	s4 =	sadd.s32 s5, s19  }
0x9d: {  	s8 =	simm.s32 $0x0;
	s20 =	sshll.u32 s6, $0x1;
	s6 =	sadd.s32 s21, s4  }
0x9e: {  	[timem:s8], [sflag:s22] =	dma.local [hbm:s6], s20  }
0x9f: {  	_ =	swait.ge [sflag:s22], s20  }
0xa0: {  	s5 =	ssub.s32 $0x0, s20;
	[sflag:s22] =	ssyncset.done $0x0  }
0xa1: {  	[sflag:s22] =	ssyncadd.s32 s5;
	_ =	sdelay $0x1  }
0xa2: {  	s23 =	simm.s32 $0x1B8B  }
0xa3: {  	_ =	swait.ge [sflag:s23], $0x1  }
0xa4: {  	[sflag:s23] =	ssyncset.done $0x0  }
0xa5: {  	s25 =	simm.s32 $0x1B8E;
	s24 =	sld [smem:$0x3FFE];
	[sflag:s23] =	ssyncadd.s32 $0xFFFFFFFF  }
0xa6: {  	s26 =	simm.s32 $execute0_lowered;
	[smem:$0x3FD2] =	sst s25  }
0xa7: {  	s6 =	sshll.u32 s26, $0x1;
	_ =	strace $0x80000049;
	[dreg:$0x1] =	wrdreg $0xFFFFFFFF  }
0xa8: {  	s28 =	simm.s32 $_size_execute0_lowered;
	s4 =	sadd.s32 s4, s6;
	[dreg:$0x0] =	wrdreg $0x0  }
0xa9: {  	s6 =	sshll.u32 s28, $0x1;
	[dreg:$0x2] =	wrdreg s4  }
0xaa: {  	[dreg:$0x3] =	wrdreg s6  }
0xab: {  	[dreg:$0x4] =	wrdreg $0xC0  }
0xac: {  	_ =	task [dreg:s8], $0x5FFFF  }
0xad: {  	[dreg:$0x1] =	wrdreg $0xFFFFFFFF  }
0xae: {  	[dreg:$0x0] =	wrdreg $0x60  }
0xaf: {  	[dreg:$0x2] =	wrdreg s2  }
0xb0: {  	[dreg:$0x3] =	wrdreg s18  }
0xb1: {  	[dreg:$0x4] =	wrdreg s24  }
0xb2: {  	[dreg:$0x5] =	wrdreg $0x9  }
0xb3: {  	_ =	task.clear_ibuf [dreg:s8], $0x6FFFF;
	_ =	strace $0x90000049  }
0xb4: {  	s29 =	simm.s32 $0x9;
	_ =	strace $0x8000004B  }
0xb5: {  	_ =	swait.ge [sflag:s29], $0x1  }
0xb6: {  	[sflag:s29] =	ssyncadd.s32 $0xFFFFFFFF  }
0xb7: {  	_ =	strace $0x9000004B  }
0xb8: {  	_ =	sfence  }
0xb9: {  	s30 =	sld [smem:$0x0];
	_ =	sdelay $0x2  }
0xba: {  	s31 =	sshll.u32 s1, $0xD;
	s1 =	sshrl.u32 s1, $0x2  }
0xbb: {  	s3 =	sand.u32 $0x4000, s31;
	s1 =	sadd.s32 s1, s30  }
0xbc: {  	s0 =	sor.u32 s3, s0;
	s1 =	sshll.u32 s1, $0x11  }
0xbd: {  	s0 =	sor.u32 s1, s0  }
0xbe: {  	s0 =	sadd.s32 $0x8F2B, s0  }
0xbf: {  	[sflag:s0] =	ssyncadd.remote.s32 $0x1  }
0xc0: {  	_ =	sfence.sel $0xFFFF  }
0xc1: {  	[dreg:$0x0] =	wrdreg $0xFFFFFFFF;
	(pc) =	sbr.abs _section_cstart, $3  }
0xc2: {  	[dreg:$0x1] =	wrdreg $0xFFFFFFFF  }
0xc3: {  	_ =	task.clear_ibuf [dreg:s8], $0x2FFFF;
	_ =	strace $0x9FFFFFFF  }
0xc4: {  	(tm) =	ssettm $0x7FFFFFFF  }
0xc5: {  	_ =	shalt  }
tec
execute0_lowered:
.L_overlay_start_1:
0x0: {  	(tag) =	ssettag $0x1  }
0x1: {  	s1 =	rddreg [dreg:$0x0];
	s2 =	srdreg.scid  }
0x2: {  	s4 =	rddreg [dreg:$0x1];
	s0 =	stileid.u32  }
0x3: {  	s9 =	rddreg [dreg:$0x2];
	s3 =	simm.s32 $0x0;
	s6 =	sand.u32 $0x1, s2  }
0x4: {  	s5 =	sshll.u32 s0, $0x6;
	s2 =	rddreg [dreg:$0x3];
	s7 =	sshll.u32 s6, $0x5  }
0x5: {  	s8 =	simm.s32 $0x1;
	[smem:$0x7FF] =	sst s3;
	s10 =	sor.u32 s7, s5  }
0x6: {  	_ =	strace $0x8000004A;
	s11 =	ssub.s32 $0x2, s6;
	s5 =	sshrl.u32 s10, $0x3  }
0x7: {  	s6 =	simm.s32 $0x20;
	s5 =	sadd.s32 s4, s5;
	s4 =	simm.s32 $0x2  }
0x8: {  	[tilespmem:s3], [sflag:$0x2] =	stream.linear.gather [hbm4b:s5+s3], $0x20, $0x38;
	[tilespmem:$0x1080] =	vst v63  }
0x9: {  	s7 =	simm.s32 $0x80;
	s12 =	sshrl.u32 s11, $0x1;
	_ =	swait.ge [sflag:s4], $0x20  }
0xa: {  	s10 =	sshll.u32 s10, $0x4;
	s31 =	ssub.s32 s11, s12;
	[sflag:s4] =	ssyncset.done $0x0  }
0xb: {  	s9 =	sadd.s32 s10, s9;
	s10 =	smax.u32 s31, $0x1;
	[sflag:s4] =	ssyncadd.s32 $0xFFFFFFE0  }
0xc: {  	[tilespmem:s7], [sflag:$0x1] =	stream.indirect.gather [hbm4b:s1+s6], $0x80, s3, s6, $0xb8;
	[tilespmem:$0x1080] =	vst v63  }
0xd: {  	p0 =	sne.s32 s10, $0x1;
	_ =	swait.ge [sflag:s8], $0x1000  }
.Ltmp0:
0xe: {  	[sflag:s8] =	ssyncset.done $0x0;
	(pc) =	sbr.rel @!p0 .LBB2_2-.Ltmp0, $4  }
0xf: {  	s9 =	sadd.s32 $0x2A00, s9;
	[sflag:s8] =	ssyncadd.s32 $0xFFFFF000  }
0x10: {  	[hbm4b:s9+s3] =	stream.linear.scatter [tilespmem:s7], [sflag:$0x2], $0x1000, $0x38;
	[tilespmem:$0x1080] =	vst v63  }
0x11: {  	_ =	swait.ge [sflag:s4], $0x1000  }
0x12: {  	s10 =	sadd.s32 $0xFFFFFFFF, s10;
	[sflag:s4] =	ssyncset.done $0x0  }
.LBB2_1:
0x13: {  	p0 =	sne.s32 s10, $0x1;
	s10 =	sadd.s32 $0xFFFFFFFF, s10;
	[sflag:s4] =	ssyncadd.s32 $0xFFFFF000  }
0x14: {  	[tilespmem:s3], [sflag:$0x2] =	stream.linear.gather [hbm4b:s5+s3], $0x20, $0x38;
	[tilespmem:$0x1080] =	vst v63  }
0x15: {  	_ =	swait.ge [sflag:s4], $0x20  }
0x16: {  	[sflag:s4] =	ssyncset.done $0x0  }
0x17: {  	[sflag:s4] =	ssyncadd.s32 $0xFFFFFFE0  }
0x18: {  	[tilespmem:s7], [sflag:$0x1] =	stream.indirect.gather [hbm4b:s1+s6], $0x80, s3, s6, $0xb8;
	[tilespmem:$0x1080] =	vst v63  }
0x19: {  	_ =	swait.ge [sflag:s8], $0x1000  }
.Ltmp1:
0x1a: {  	[sflag:s8] =	ssyncset.done $0x0;
	(pc) =	sbr.rel @p0 .LBB2_1-.Ltmp1, $4  }
0x1b: {  	[sflag:s8] =	ssyncadd.s32 $0xFFFFF000  }
0x1c: {  	[hbm4b:s9+s3] =	stream.linear.scatter [tilespmem:s7], [sflag:$0x2], $0x1000, $0x38;
	[tilespmem:$0x1080] =	vst v63  }
0x1d: {  	_ =	swait.ge [sflag:s4], $0x1000  }
0x1e: {  	[sflag:s4] =	ssyncset.done $0x0  }
.LBB2_2:
0x1f: {  	[sflag:s4] =	ssyncadd.s32 $0xFFFFF000  }
0x20: {  	_ =	sfence.sel $0x180000  }
0x21: {  	[bflag:$0x0] =	sbarrier.arrive $0xFFFF  }
0x22: {  	p0 =	sne.s32 s0, $0x0;
	_ =	strace $0x9000004A  }
0x23: {  	s0 =	sadd.s32 @!p0 $0x100000, s2;
	[bflag:$0x2] =	sbarrier.arrive $0xFFFF  }
0x24: {  	[sflag:s0] =	ssyncadd.tile.s32 @!p0 $0x1;
	_ =	shalt  }
.Lfunc_end2:
_tile_overlayer_lowered:
.L_overlay_start_2:
0x25: {  	(tag) =	ssettag $0x2  }
0x26: {  	s0 =	rddreg [dreg:$0x0];
	s2 =	stileid.u32  }
0x27: {  	s1 =	rddreg [dreg:$0x1];
	p0 =	sne.s32 s2, $0x0  }
0x28: {  	s3 =	rddreg [dreg:$0x2];
	[bflag:$0x3] =	sbarrier.arrive $0xFFFF;
	s2 =	simm.s32 @!p0 $0x1C02  }
0x29: {  	[timem:s3], [sflag:s2] =	dma.local @!p0 [hbm:s0], s1  }
0x2a: {  	s0 =	simm.s32 @!p0 $0x2  }
0x2b: {  	_ =	swait.ge @!p0 [sflag:s0], s1  }
0x2c: {  	s1 =	ssub.s32 @!p0 $0x0, s1;
	[sflag:s0] =	ssyncset.done @!p0 $0x0  }
0x2d: {  	[sflag:s0] =	ssyncadd.s32 @!p0 s1  }
0x2e: {  	[bflag:$0x3] =	sbarrier.arrive $0xFFFF  }
0x2f: {  	_ =	shalt  }

// kernel: kernel.7.cloned.1.call-start
scs
__scs_entry_jumppad:
0x0: {  	(pc) =	sbr.rel $0x88, $3  }
0x1: {  	(tag) =	ssettag $0x0;
	lr =	simm.s32 $0x1  }
0x2: {  	[smem:$0x3F96] =	sst lr;
	_ =	strace $0xD0000000  }
0x3: {  	_ = 	snop  }
0x4: {  	_ = 	snop  }
0x5: {  	_ = 	snop  }
0x6: {  	_ = 	snop  }
0x7: {  	_ = 	snop  }
__scs_overlays_trampoline_lowered:
0x8: {  	[smem:$0x3FA5] =	sst s0  }
0x9: {  	[smem:$0x3FA6] =	sst s1  }
0xa: {  	[smem:$0x3FA7] =	sst s2  }
0xb: {  	[smem:$0x3FA8] =	sst s3  }
0xc: {  	[smem:$0x3FA9] =	sst s4  }
0xd: {  	[smem:$0x3FAA] =	sst s5  }
0xe: {  	[smem:$0x3FAB] =	sst s6  }
0xf: {  	[smem:$0x3FAC] =	sst s7  }
0x10: {  	[smem:$0x3FAD] =	sst s8  }
0x11: {  	[smem:$0x3FAE] =	sst s9;
	s0 =	simm.s32 @!p0 $0x0  }
0x12: {  	s1 =	sld [smem:$0x3F94];
	s0 =	simm.s32 @p0 $0x1  }
0x13: {  	[smem:$0x3FAF] =	sst s0;
	s0 =	simm.s32 @!p1 $0x0  }
0x14: {  	s2 =	sld [smem:$0x3F93];
	s0 =	simm.s32 @p1 $0x1  }
0x15: {  	[smem:$0x3FB0] =	sst s0;
	s0 =	simm.s32 @!p2 $0x0  }
0x16: {  	s3 =	sld [smem:$0x3FDB];
	s0 =	simm.s32 @p2 $0x1  }
0x17: {  	s4 =	simm.s32 $0x1BF5;
	[smem:$0x3FB2] =	sst s0  }
0x18: {  	s0 =	sld [smem:$0x3F95];
	_ =	swait.ge [sflag:s4], $0x0  }
0x19: {  	s7 =	sld [smem:$0x3F96]  }
0x1a: {  	s8 =	sadd.s32 $0xFFFFE003, lr  }
0x1b: {  	s9 =	sadd.s32 $0xFFFFFEF7, lr;
	s5 =	simm.s32 $0xFFFFFFFF;
	p2 =	slt.u32 s8, $0xFFFFF086  }
0x1c: {  	p1 =	slt.u32 s9, $0xF7A;
	s5 =	simm.s32 @!p2 $0x0  }
0x1d: {  	s5 =	simm.s32 @p1 $0x1;
	p0 =	seq.s32 s7, s2  }
0x1e: {  	s7 =	smul.u32 @!p0 $0xF7A, s2;
	p2 =	seq.s32 @!p0 s5, $0x0  }
0x1f: {  	s9 =	smul.u32 $0xF7A, s1;
	s8 =	simm.s32 @!p0 $0x1BF5;
	p2 =	por !p2, p0  }
0x20: {  	[sflag:s8] =	ssyncset.s32 @!p0 $0xFFFFF086;
	s6 =	sadd.s32 @!p0 s3, s7;
	s7 =	simm.s32 @!p0 $0x108  }
0x21: {  	s3 =	sadd.s32 s3, s9;
	s6 =	sadd.s32 @!p0 $0x88, s6;
	s7 =	simm.s32 @p2 $0x1082  }
0x22: {  	[simem:s7], [sflag:s8] =	dma.local @!p0 [hbm:s6], $0xF7A  }
0x23: {  	s9 =	sor.u32 $0xD0000000, s2;
	s6 =	simm.s32 $0x108;
	_ =	swait.ge @!p0 [sflag:s8], $0x0  }
0x24: {  	s3 =	sadd.s32 $0x88, s3;
	s6 =	simm.s32 @!p1 $0x1082;
	[sflag:s4] =	ssyncset.s32 $0xFFFFF086  }
0x25: {  	[simem:s6], [sflag:s4] =	dma.local [hbm:s3], $0xF7A  }
0x26: {  	[smem:$0x3F96] =	sst s1;
	(tag) =	ssettag s2;
	_ =	strace s9  }
0x27: {  	s1 =	sld [smem:$0x3FA6]  }
0x28: {  	s2 =	sld [smem:$0x3FA7]  }
0x29: {  	s4 =	sld [smem:$0x3FA9]  }
0x2a: {  	p0 =	seq.s32 s5, $0x0;
	s5 =	sld [smem:$0x3FAA]  }
0x2b: {  	s6 =	sld [smem:$0x3FAB]  }
0x2c: {  	s7 =	sld [smem:$0x3FAC]  }
0x2d: {  	s3 =	simm.s32 $0x108;
	s8 =	sld [smem:$0x3FAD]  }
0x2e: {  	s3 =	simm.s32 @!p0 $0x1082;
	s9 =	sld [smem:$0x3FAE]  }
0x2f: {  	lr =	sadd.s32 s0, s3;
	s0 =	sld [smem:$0x3FA5]  }
0x30: {  	s3 =	sld [smem:$0x3FA8]  }
0x31: {  	[smem:$0x3FB1] =	sst s10  }
0x32: {  	s10 =	sld [smem:$0x3FAF];
	_ =	sdelay $0x3  }
0x33: {  	p0 =	seq.s32 s10, $0x1;
	s10 =	sld [smem:$0x3FB1];
	_ =	sdelay $0x3  }
0x34: {  	[smem:$0x3FB1] =	sst s10  }
0x35: {  	s10 =	sld [smem:$0x3FB0];
	_ =	sdelay $0x3  }
0x36: {  	p1 =	seq.s32 s10, $0x1;
	s10 =	sld [smem:$0x3FB1];
	_ =	sdelay $0x3  }
0x37: {  	[smem:$0x3FB1] =	sst s10  }
0x38: {  	s10 =	sld [smem:$0x3FB2]  }
0x39: {  	_ = 	snop;
	(pc) =	sbr.ind lr, $3  }
0x3a: {  	_ = 	snop  }
0x3b: {  	_ = 	snop  }
0x3c: {  	p2 =	seq.s32 s10, $0x1;
	s10 =	sld [smem:$0x3FB1]  }
0x3d: {  	_ =	shalt  }
0x3e: {  	_ =	shalt  }
0x3f: {  	_ =	shalt  }
0x40: {  	_ =	shalt  }
0x41: {  	_ =	shalt  }
0x42: {  	_ =	shalt  }
0x43: {  	_ =	shalt  }
0x44: {  	_ =	shalt  }
0x45: {  	_ =	shalt  }
0x46: {  	_ =	shalt  }
0x47: {  	_ =	shalt  }
0x48: {  	_ =	shalt  }
0x49: {  	_ =	shalt  }
0x4a: {  	_ =	shalt  }
0x4b: {  	_ =	shalt  }
0x4c: {  	_ =	shalt  }
0x4d: {  	_ =	shalt  }
0x4e: {  	_ =	shalt  }
0x4f: {  	_ =	shalt  }
0x50: {  	_ =	shalt  }
0x51: {  	_ =	shalt  }
0x52: {  	_ =	shalt  }
0x53: {  	_ =	shalt  }
0x54: {  	_ =	shalt  }
0x55: {  	_ =	shalt  }
0x56: {  	_ =	shalt  }
0x57: {  	_ =	shalt  }
0x58: {  	_ =	shalt  }
0x59: {  	_ =	shalt  }
0x5a: {  	_ =	shalt  }
0x5b: {  	_ =	shalt  }
0x5c: {  	_ =	shalt  }
0x5d: {  	_ =	shalt  }
0x5e: {  	_ =	shalt  }
0x5f: {  	_ =	shalt  }
0x60: {  	_ =	shalt  }
0x61: {  	_ =	shalt  }
0x62: {  	_ =	shalt  }
0x63: {  	_ =	shalt  }
0x64: {  	_ =	shalt  }
0x65: {  	_ =	shalt  }
0x66: {  	_ =	shalt  }
0x67: {  	_ =	shalt  }
0x68: {  	_ =	shalt  }
0x69: {  	_ =	shalt  }
0x6a: {  	_ =	shalt  }
0x6b: {  	_ =	shalt  }
0x6c: {  	_ =	shalt  }
0x6d: {  	_ =	shalt  }
0x6e: {  	_ =	shalt  }
0x6f: {  	_ =	shalt  }
0x70: {  	_ =	shalt  }
0x71: {  	_ =	shalt  }
0x72: {  	_ =	shalt  }
0x73: {  	_ =	shalt  }
0x74: {  	_ =	shalt  }
0x75: {  	_ =	shalt  }
0x76: {  	_ =	shalt  }
0x77: {  	_ =	shalt  }
0x78: {  	_ =	shalt  }
0x79: {  	_ =	shalt  }
0x7a: {  	_ =	shalt  }
0x7b: {  	_ =	shalt  }
0x7c: {  	_ =	shalt  }
0x7d: {  	_ =	shalt  }
0x7e: {  	_ =	shalt  }
0x7f: {  	_ =	shalt  }
0x80: {  	_ =	shalt  }
0x81: {  	_ =	shalt  }
0x82: {  	_ =	shalt  }
0x83: {  	_ =	shalt  }
0x84: {  	_ =	shalt  }
0x85: {  	_ =	shalt  }
0x86: {  	_ =	shalt  }
0x87: {  	_ =	shalt  }
.Lfunc_end0:
.L_simem_size_0:
called_computation_lowered:
.L_overlay_start_0:
0x88: {  	s2 =	sld [smem:$0x3FD9]  }
0x89: {  	s3 =	sld [smem:$0x3FFE];
	_ =	sdelay $0x1  }
0x8a: {  	s1 =	srdreg.scid  }
0x8b: {  	s0 =	sand.u32 $0x1, s1  }
0x8c: {  	s17 =	sshll.u32 s0, $0xA;
	s2 =	sadd.s32 s3, s2  }
0x8d: {  	s2 =	sadd.s32 s2, s17  }
0x8e: {  	[smem:$0x3FBD] =	sst s2  }
0x8f: {  	_ = 	snop  }
0x90: {  	s2 =	sld [smem:$0x3FD0];
	(tm) =	ssettm $0x1  }
0x91: {  	s18 =	sld [smem:$0x3FFB];
	_ =	sdelay $0x3  }
0x92: {  	_ =	strace s18  }
0x93: {  	s3 =	sld [smem:$0x3FFC];
	_ =	sdelay $0x3  }
0x94: {  	_ =	strace s3  }
0x95: {  	s3 =	sld [smem:$0x3FFD];
	_ =	sdelay $0x3  }
0x96: {  	_ =	strace s3  }
0x97: {  	_ =	strace $0x8FFFFFFF  }
0x98: {  	s19 =	sld [smem:$0x3FDB];
	_ =	sdelay $0x1  }
0x99: {  	s4 =	simm.s32 $_scs_section_size  }
0x9a: {  	s5 =	simm.s32 $_size__tile_overlayer_lowered;
	s6 =	simm.s32 $_tile_overlayer_lowered  }
0x9b: {  	s22 =	simm.s32 $0x1BFF;
	s21 =	sshll.u32 s6, $0x1;
	s3 =	sadd.s32 s4, s19  }
0x9c: {  	s7 =	simm.s32 $0x0;
	s20 =	sshll.u32 s5, $0x1;
	s5 =	sadd.s32 s21, s3  }
0x9d: {  	[timem:s7], [sflag:s22] =	dma.local [hbm:s5], s20  }
0x9e: {  	_ =	swait.ge [sflag:s22], s20  }
0x9f: {  	s4 =	ssub.s32 $0x0, s20;
	[sflag:s22] =	ssyncset.done $0x0  }
0xa0: {  	[sflag:s22] =	ssyncadd.s32 s4;
	_ =	sdelay $0x1  }
0xa1: {  	s23 =	simm.s32 $0x1B8B  }
0xa2: {  	_ =	swait.ge [sflag:s23], $0x1  }
0xa3: {  	[sflag:s23] =	ssyncset.done $0x0  }
0xa4: {  	s25 =	simm.s32 $0x1B8E;
	s24 =	sld [smem:$0x3FFE];
	[sflag:s23] =	ssyncadd.s32 $0xFFFFFFFF  }
0xa5: {  	s26 =	simm.s32 $execute0_lowered;
	[smem:$0x3FD2] =	sst s25  }
0xa6: {  	s5 =	sshll.u32 s26, $0x1;
	_ =	strace $0x80000046;
	[dreg:$0x1] =	wrdreg $0xFFFFFFFF  }
0xa7: {  	s28 =	simm.s32 $_size_execute0_lowered;
	s3 =	sadd.s32 s3, s5;
	[dreg:$0x0] =	wrdreg $0x0  }
0xa8: {  	s5 =	sshll.u32 s28, $0x1;
	[dreg:$0x2] =	wrdreg s3  }
0xa9: {  	[dreg:$0x3] =	wrdreg s5  }
0xaa: {  	[dreg:$0x4] =	wrdreg $0xC0  }
0xab: {  	_ =	task [dreg:s7], $0x5FFFF  }
0xac: {  	[dreg:$0x1] =	wrdreg $0xFFFFFFFF  }
0xad: {  	[dreg:$0x0] =	wrdreg $0x60  }
0xae: {  	[dreg:$0x2] =	wrdreg s24  }
0xaf: {  	[dreg:$0x3] =	wrdreg s2  }
0xb0: {  	[dreg:$0x4] =	wrdreg $0x9  }
0xb1: {  	_ =	task.clear_ibuf [dreg:s7], $0x5FFFF;
	_ =	strace $0x90000046  }
0xb2: {  	s29 =	simm.s32 $0x9;
	_ =	strace $0x80000048  }
0xb3: {  	_ =	swait.ge [sflag:s29], $0x1  }
0xb4: {  	[sflag:s29] =	ssyncadd.s32 $0xFFFFFFFF  }
0xb5: {  	_ =	strace $0x90000048  }
0xb6: {  	_ =	sfence  }
0xb7: {  	s30 =	sld [smem:$0x0];
	_ =	sdelay $0x2  }
0xb8: {  	s31 =	sshll.u32 s1, $0xD;
	s1 =	sshrl.u32 s1, $0x2  }
0xb9: {  	s3 =	sand.u32 $0x4000, s31;
	s1 =	sadd.s32 s1, s30  }
0xba: {  	s0 =	sor.u32 s3, s0;
	s1 =	sshll.u32 s1, $0x11  }
0xbb: {  	s0 =	sor.u32 s1, s0  }
0xbc: {  	s0 =	sadd.s32 $0x8F2B, s0  }
0xbd: {  	[sflag:s0] =	ssyncadd.remote.s32 $0x1  }
0xbe: {  	_ =	sfence.sel $0xFFFF  }
0xbf: {  	[dreg:$0x0] =	wrdreg $0xFFFFFFFF;
	(pc) =	sbr.abs _section_cstart, $3  }
0xc0: {  	[dreg:$0x1] =	wrdreg $0xFFFFFFFF  }
0xc1: {  	_ =	task.clear_ibuf [dreg:s7], $0x2FFFF;
	_ =	strace $0x9FFFFFFF  }
0xc2: {  	(tm) =	ssettm $0x7FFFFFFF  }
0xc3: {  	_ =	shalt  }
tec
execute0_lowered:
.L_overlay_start_1:
0x0: {  	(tag) =	ssettag $0x1  }
0x1: {  	s1 =	srdreg.scid;
	s9 =	rddreg [dreg:$0x0]  }
0x2: {  	s0 =	stileid.u32;
	s3 =	rddreg [dreg:$0x1]  }
0x3: {  	s2 =	simm.s32 $0x0;
	s7 =	simm.s32 $0x80;
	s6 =	sand.u32 $0x1, s1  }
0x4: {  	s4 =	sshll.u32 s0, $0x6;
	s1 =	rddreg [dreg:$0x2];
	s5 =	sshll.u32 s6, $0x5  }
0x5: {  	s8 =	simm.s32 $0x1;
	[smem:$0x7FF] =	sst s2;
	s10 =	sor.u32 s5, s4  }
0x6: {  	_ =	strace $0x80000047;
	s11 =	ssub.s32 $0x2, s6;
	s4 =	sshrl.u32 s10, $0x3  }
0x7: {  	s6 =	simm.s32 $0x20;
	s4 =	sadd.s32 s3, s4;
	s3 =	simm.s32 $0x2  }
0x8: {  	[tilespmem:s2], [sflag:$0x2] =	stream.linear.gather [hbm4b:s4+s2], $0x20, $0x38;
	[tilespmem:$0x1080] =	vst v63  }
0x9: {  	s5 =	sadd.s32 $0x2A00, s9;
	s12 =	sshrl.u32 s11, $0x1;
	_ =	swait.ge [sflag:s3], $0x20  }
0xa: {  	s10 =	sshll.u32 s10, $0x4;
	s31 =	ssub.s32 s11, s12;
	[sflag:s3] =	ssyncset.done $0x0  }
0xb: {  	s9 =	sadd.s32 s10, s9;
	s10 =	smax.u32 s31, $0x1;
	[sflag:s3] =	ssyncadd.s32 $0xFFFFFFE0  }
0xc: {  	[tilespmem:s7], [sflag:$0x1] =	stream.indirect.gather [hbm4b:s5+s6], $0x80, s2, s6, $0xb8;
	[tilespmem:$0x1080] =	vst v63  }
0xd: {  	p0 =	sne.s32 s10, $0x1;
	_ =	swait.ge [sflag:s8], $0x1000  }
.Ltmp0:
0xe: {  	[sflag:s8] =	ssyncset.done $0x0;
	(pc) =	sbr.rel @!p0 .LBB2_2-.Ltmp0, $4  }
0xf: {  	s9 =	sadd.s32 $0x42A00, s9;
	[sflag:s8] =	ssyncadd.s32 $0xFFFFF000  }
0x10: {  	[hbm4b:s9+s2] =	stream.linear.scatter [tilespmem:s7], [sflag:$0x2], $0x1000, $0x38;
	[tilespmem:$0x1080] =	vst v63  }
0x11: {  	_ =	swait.ge [sflag:s3], $0x1000  }
0x12: {  	s10 =	sadd.s32 $0xFFFFFFFF, s10;
	[sflag:s3] =	ssyncset.done $0x0  }
.LBB2_1:
0x13: {  	p0 =	sne.s32 s10, $0x1;
	s10 =	sadd.s32 $0xFFFFFFFF, s10;
	[sflag:s3] =	ssyncadd.s32 $0xFFFFF000  }
0x14: {  	[tilespmem:s2], [sflag:$0x2] =	stream.linear.gather [hbm4b:s4+s2], $0x20, $0x38;
	[tilespmem:$0x1080] =	vst v63  }
0x15: {  	_ =	swait.ge [sflag:s3], $0x20  }
0x16: {  	[sflag:s3] =	ssyncset.done $0x0  }
0x17: {  	[sflag:s3] =	ssyncadd.s32 $0xFFFFFFE0  }
0x18: {  	[tilespmem:s7], [sflag:$0x1] =	stream.indirect.gather [hbm4b:s5+s6], $0x80, s2, s6, $0xb8;
	[tilespmem:$0x1080] =	vst v63  }
0x19: {  	_ =	swait.ge [sflag:s8], $0x1000  }
.Ltmp1:
0x1a: {  	[sflag:s8] =	ssyncset.done $0x0;
	(pc) =	sbr.rel @p0 .LBB2_1-.Ltmp1, $4  }
0x1b: {  	[sflag:s8] =	ssyncadd.s32 $0xFFFFF000  }
0x1c: {  	[hbm4b:s9+s2] =	stream.linear.scatter [tilespmem:s7], [sflag:$0x2], $0x1000, $0x38;
	[tilespmem:$0x1080] =	vst v63  }
0x1d: {  	_ =	swait.ge [sflag:s3], $0x1000  }
0x1e: {  	[sflag:s3] =	ssyncset.done $0x0  }
.LBB2_2:
0x1f: {  	[sflag:s3] =	ssyncadd.s32 $0xFFFFF000  }
0x20: {  	_ =	sfence.sel $0x180000  }
0x21: {  	[bflag:$0x0] =	sbarrier.arrive $0xFFFF  }
0x22: {  	p0 =	sne.s32 s0, $0x0;
	_ =	strace $0x90000047  }
0x23: {  	s0 =	sadd.s32 @!p0 $0x100000, s1;
	[bflag:$0x2] =	sbarrier.arrive $0xFFFF  }
0x24: {  	[sflag:s0] =	ssyncadd.tile.s32 @!p0 $0x1;
	_ =	shalt  }
.Lfunc_end2:
_tile_overlayer_lowered:
.L_overlay_start_2:
0x25: {  	(tag) =	ssettag $0x2  }
0x26: {  	s0 =	rddreg [dreg:$0x0];
	s2 =	stileid.u32  }
0x27: {  	s1 =	rddreg [dreg:$0x1];
	p0 =	sne.s32 s2, $0x0  }
0x28: {  	s3 =	rddreg [dreg:$0x2];
	[bflag:$0x3] =	sbarrier.arrive $0xFFFF;
	s2 =	simm.s32 @!p0 $0x1C02  }
0x29: {  	[timem:s3], [sflag:s2] =	dma.local @!p0 [hbm:s0], s1  }
0x2a: {  	s0 =	simm.s32 @!p0 $0x2  }
0x2b: {  	_ =	swait.ge @!p0 [sflag:s0], s1  }
0x2c: {  	s1 =	ssub.s32 @!p0 $0x0, s1;
	[sflag:s0] =	ssyncset.done @!p0 $0x0  }
0x2d: {  	[sflag:s0] =	ssyncadd.s32 @!p0 s1  }
0x2e: {  	[bflag:$0x3] =	sbarrier.arrive $0xFFFF  }
0x2f: {  	_ =	shalt  }

</sc_bundles>
